<compile_context>
chip_gen: v7x
topology: tpu7x:2x2x1
jax: 0.10.2.dev20260603
libtpu: 0.0.44.dev20260713+nightly
codegen_flags: <defaults>
</compile_context>

<pallas_src>
import functools

import jax
import jax.numpy as jnp
from jax import lax
from jax.experimental import pallas as pl
from jax.experimental.pallas import tpu as pltpu
from jax.experimental.pallas import tpu_sc as plsc

K = 1024
L = 16
NIMG = 8
NPIX = 512 * 512
QUART = NPIX // 4
CHUNK = 8192
SCALE = 2048.0
HSIZE = 2 * L * K
ROWS = 2 * K


def _body(x_hbm, t_hbm, out_hbm, xbuf, tbuf, xbuf2, tbuf2, hist, hist2, tmp2,
          obuf, shared, semx0, semt0, semx1, semt1):
    c = lax.axis_index("c")
    s = lax.axis_index("s")
    img = c * 4 + s // 4
    q = s % 4

    lane_off = lax.iota(jnp.int32, 16) * K
    zero16 = jnp.zeros((16,), jnp.float32)
    ones16 = jnp.ones((16,), jnp.float32)


    G = 16
    amax = jnp.float32(1.0 - 2e-7)

    def make_ibody(xb, tb):
        ipr = 512 // (G * 16)

        def ibody(i, carry):
            row = i // ipr
            cb = (i % ipr) * (G * 16)
            xs = [xb[row, pl.ds(cb + g * 16, 16)] for g in range(G)]
            ts = [tb[row, pl.ds(cb + g * 16, 16)] for g in range(G)]
            es = [jnp.exp(-x) for x in xs]
            ps = [1.0 / (1.0 + e) for e in es]
            us = [p + p - 1.0 for p in ps]
            avs = [jnp.minimum(jnp.abs(u), amax) for u in us]
            bs = [(p * jnp.float32(K)).astype(jnp.int32) for p in ps]
            bs = [jnp.minimum(b, K - 1) for b in bs]
            idxs = [(t << 14) | lane_off | b for t, b in zip(ts, bs)]
            for idx, a in zip(idxs, avs):
                plsc.addupdate_scatter(hist, [idx], a + SCALE)
            return carry
        return ibody

    ibodies = [make_ibody(xbuf, tbuf), make_ibody(xbuf2, tbuf2)]
    xbufs, tbufs = [xbuf, xbuf2], [tbuf, tbuf2]
    semxs, semts = [semx0, semx1], [semt0, semt1]
    nch = QUART // CHUNK
    rows_per_chunk = CHUNK // 512
    row0 = q * (QUART // 512)

    def issue(ch, k):
        rr = pl.multiple_of(row0 + ch * rows_per_chunk, rows_per_chunk)
        pltpu.async_copy(x_hbm.at[img, pl.ds(rr, rows_per_chunk)], xbufs[k], semxs[k])
        pltpu.async_copy(t_hbm.at[img, pl.ds(rr, rows_per_chunk)], tbufs[k], semts[k])

    def wait(k):
        pltpu.make_async_copy(
            x_hbm.at[0, pl.ds(0, rows_per_chunk)], xbufs[k], semxs[k]).wait()
        pltpu.make_async_copy(
            t_hbm.at[0, pl.ds(0, rows_per_chunk)], tbufs[k], semts[k]).wait()

    issue(0, 0)
    issue(1, 1)

    def zbody(i, carry):
        hist[pl.ds(i * 16, 16)] = zero16
        return carry

    lax.fori_loop(0, HSIZE // 16, zbody, 0)

    def pair_body(kp, carry):
        for k in range(2):
            ch = kp * 2 + k
            wait(k)
            lax.fori_loop(0, CHUNK // (G * 16), ibodies[k], 0)

            @pl.when(ch + 2 < nch)
            def _():
                issue(ch + 2, k)
        return carry

    lax.fori_loop(0, nch // 2, pair_body, 0)

    def rbody(j, carry):
        r = j // (K // 16)
        cc = j % (K // 16)
        vs = [hist[pl.ds(r * (L * K) + l * K + cc * 16, 16)] for l in range(L)]
        while len(vs) > 1:
            vs = [a + b for a, b in zip(vs[0::2], vs[1::2])]
        hist2[pl.ds(j * 16, 16)] = vs[0]
        return carry

    lax.fori_loop(0, ROWS // 16, rbody, 0)

    pltpu.sync_copy(hist2, shared.at[s])
    plsc.subcore_barrier()

    @pl.when(q == 0)
    def _leader():
        for r in range(1, 4):
            pltpu.sync_copy(shared.at[s + r], tmp2)

            def abody(j, carry):
                hist2[pl.ds(j * 16, 16)] = (
                    hist2[pl.ds(j * 16, 16)] + tmp2[pl.ds(j * 16, 16)]
                )
                return carry

            lax.fori_loop(0, ROWS // 16, abody, 0)

        inv_scale = jnp.float32(1.0 / SCALE)

        def pbody(j, carry):
            carry_n, carry_a, acc_num, acc_den = carry
            o = j * 16
            om = K - 16 - o
            h0 = lax.rev(hist2[pl.ds(om, 16)], (0,))
            h1 = hist2[pl.ds(K + o, 16)]
            n0 = (h0 * inv_scale).astype(jnp.int32).astype(jnp.float32)
            n1 = (h1 * inv_scale).astype(jnp.int32).astype(jnp.float32)
            s0 = h0 - SCALE * n0
            s1 = h1 - SCALE * n1
            n = n0 + n1
            sv = s0 + s1
            csn = plsc.cumsum(n)
            csa = plsc.cumsum(sv)
            ne = carry_n + csn - n
            ae = carry_a + csa - sv
            acc_den = acc_den + n1 * (ne + 0.5 * (n + 1.0))
            acc_num = acc_num + n1 * (ae + 0.5 * sv) + 0.5 * s1
            return (carry_n + jnp.sum(n), carry_a + jnp.sum(sv),
                    acc_num, acc_den)

        carry_n, carry_a, acc_num, acc_den = lax.fori_loop(
            0, K // 16, pbody,
            (jnp.float32(0.0), jnp.float32(0.0), zero16, zero16))
        numv = zero16 + jnp.sum(acc_num)
        denv = zero16 + jnp.sum(acc_den)
        safev = jnp.where(denv == 0.0, 1.0, denv)
        obuf[...] = jnp.where(denv == 0.0, 0.0, numv / safev)
        pltpu.sync_copy(obuf, out_hbm.at[img])


@functools.lru_cache(maxsize=1)
def _build():
    mesh = plsc.VectorSubcoreMesh(core_axis_name="c", subcore_axis_name="s")
    return functools.partial(
        pl.kernel,
        out_type=jax.ShapeDtypeStruct((NIMG, L), jnp.float32),
        mesh=mesh,
        compiler_params=pltpu.CompilerParams(
            needs_layout_passes=False, use_tc_tiling_on_sc=True),
        scratch_types=[
            pltpu.VMEM((CHUNK // 512, 512), jnp.float32),
            pltpu.VMEM((CHUNK // 512, 512), jnp.int32),
            pltpu.VMEM((CHUNK // 512, 512), jnp.float32),
            pltpu.VMEM((CHUNK // 512, 512), jnp.int32),
            pltpu.VMEM((HSIZE,), jnp.float32),
            pltpu.VMEM((ROWS,), jnp.float32),
            pltpu.VMEM((ROWS,), jnp.float32),
            pltpu.VMEM((L,), jnp.float32),
            pltpu.VMEM_SHARED((L, ROWS), jnp.float32),
            pltpu.SemaphoreType.DMA,
            pltpu.SemaphoreType.DMA,
            pltpu.SemaphoreType.DMA,
            pltpu.SemaphoreType.DMA,
        ],
    )(_body)


def kernel(inputs, targets):
    losses = _build()(inputs, targets)
    return jnp.mean(losses[:, 0])

# --- scband reference (transcript-rebuilt; emitter-appended) ---
"""Pipeline reference for scband-lovasz-loss-53017076302493 (READ-ONLY COPY).

The authoritative reference and input builder live on the scoring server;
editing this copy changes nothing except your own understanding.
"""

import jax, jax.numpy as jnp
import numpy as np

def _lovasz_flat(prob, tgt):
    p = prob.reshape(-1)
    t = tgt.reshape(-1).astype(jnp.float32)
    margins = t * (2.0 * p - 1.0) + (1.0 - t) * (1.0 - 2.0 * p)
    order = jnp.argsort(-margins)
    sorted_margins = margins[order]
    sorted_targets = t[order]
    grad = (sorted_targets == 1.0).astype(sorted_margins.dtype)
    cumsum = jnp.cumsum(grad)
    denom = jnp.sum(cumsum)
    safe_denom = jnp.where(denom == 0.0, 1.0, denom)
    loss = jnp.sum(jnp.abs(sorted_margins) * cumsum) / safe_denom
    return jnp.where(denom == 0.0, 0.0, loss)

def setup_inputs(seed: int = 0):
    key = jax.random.key(seed)
    k1, k2 = jax.random.split(key)
    inputs = jax.random.normal(k1, (8, 512, 512), dtype=jnp.float32)
    targets = jax.random.randint(k2, (8, 512, 512), 0, 2, dtype=jnp.int32)
    return {"inputs": inputs, "targets": targets}

def reference(inputs, targets):
    probs = jax.nn.sigmoid(inputs)
    probs = jnp.clip(probs, 1e-07, 1.0 - 1e-07)
    # per_image=True: compute lovasz hinge per image then mean
    losses = jax.vmap(_lovasz_flat)(probs, targets)
    losses = jnp.nan_to_num(losses, nan=0.0)
    return jnp.mean(losses)

if __name__ == "__main__":
    import jax
    _d = setup_inputs()
    print(jax.jit(kernel)(*tuple(_d.values())))

</pallas_src>

<mosaic_0001>
#map = affine_map<(d0, d1) -> (0, 0, 0)>
#map1 = affine_map<(d0, d1) -> (0, 0)>
module attributes {stable_mosaic.version = 14 : i64} {
  func.func @_body(%arg0: i32, %arg1: i32, %arg2: memref<8x512x512xf32, #tpu.memory_space<hbm>>, %arg3: memref<8x512x512xi32, #tpu.memory_space<hbm>>, %arg4: memref<8x16xf32, #tpu.memory_space<hbm>>, %arg5: memref<16x512xf32, #tpu.memory_space<vmem>>, %arg6: memref<16x512xi32, #tpu.memory_space<vmem>>, %arg7: memref<16x512xf32, #tpu.memory_space<vmem>>, %arg8: memref<16x512xi32, #tpu.memory_space<vmem>>, %arg9: memref<32768xf32, #tpu.memory_space<vmem>>, %arg10: memref<2048xf32, #tpu.memory_space<vmem>>, %arg11: memref<2048xf32, #tpu.memory_space<vmem>>, %arg12: memref<16xf32, #tpu.memory_space<vmem>>, %arg13: memref<16x2048xf32, #tpu.memory_space<vmem_shared>>, %arg14: memref<!tpu.dma_semaphore, #tpu.memory_space<semaphore_mem>>, %arg15: memref<!tpu.dma_semaphore, #tpu.memory_space<semaphore_mem>>, %arg16: memref<!tpu.dma_semaphore, #tpu.memory_space<semaphore_mem>>, %arg17: memref<!tpu.dma_semaphore, #tpu.memory_space<semaphore_mem>>) attributes {dimension_semantics = [#tpu.dimension_semantics<core_parallel>, #tpu.dimension_semantics<subcore_parallel>], iteration_bounds = array<i64: 2, 16>, scalar_prefetch = 0 : i64, scratch_operands = 13 : i64, tpu.core_type = #tpu.core_type<sc_vector_subcore>, window_params = [{transform_indices = #map}, {transform_indices = #map}, {transform_indices = #map1}]} {
    %mul3A = arith.constant 4 : i32
    %mul3A_0 = arith.muli %arg0, %mul3A : i32
    %jit3A = arith.constant 4 : i32
    %div3A = arith.divsi %arg1, %jit3A : i32
    %sign3A = arith.constant 0 : i32
    %sign3A_1 = arith.cmpi sgt, %arg1, %sign3A : i32
    %sign3A_2 = arith.extui %sign3A_1 : i1 to i32
    %sign3A_3 = arith.constant 0 : i32
    %sign3A_4 = arith.cmpi slt, %arg1, %sign3A_3 : i32
    %sign3A_5 = arith.extui %sign3A_4 : i1 to i32
    %sign3A_6 = arith.subi %sign3A_2, %sign3A_5 : i32
    %sign3A_7 = arith.constant 0 : i32
    %sign3A_8 = arith.cmpi sgt, %jit3A, %sign3A_7 : i32
    %sign3A_9 = arith.extui %sign3A_8 : i1 to i32
    %sign3A_10 = arith.constant 0 : i32
    %sign3A_11 = arith.cmpi slt, %jit3A, %sign3A_10 : i32
    %sign3A_12 = arith.extui %sign3A_11 : i1 to i32
    %sign3A_13 = arith.subi %sign3A_9, %sign3A_12 : i32
    %ne3A = arith.cmpi ne, %sign3A_6, %sign3A_13 : i32
    %rem3A = arith.remsi %arg1, %jit3A : i32
    %ne3A_14 = arith.constant 0 : i32
    %ne3A_15 = arith.cmpi ne, %rem3A, %ne3A_14 : i32
    %and3A = arith.andi %ne3A, %ne3A_15 : i1
    %sub3A = arith.constant 1 : i32
    %sub3A_16 = arith.subi %div3A, %sub3A : i32
    %select_n3A = arith.select %and3A, %sub3A_16, %div3A : i32
    %add3A = arith.addi %mul3A_0, %select_n3A : i32
    %jit3A_17 = arith.constant 4 : i32
    %eq3A = arith.constant 0 : i32
    %eq3A_18 = arith.cmpi eq, %jit3A_17, %eq3A : i32
    %jit3A_19 = arith.constant 1 : i32
    %select_n3A_20 = arith.select %eq3A_18, %jit3A_19, %jit3A_17 : i32
    %rem3A_21 = arith.remsi %arg1, %select_n3A_20 : i32
    %ne3A_22 = arith.constant 0 : i32
    %ne3A_23 = arith.cmpi ne, %rem3A_21, %ne3A_22 : i32
    %lt3A = arith.constant 0 : i32
    %lt3A_24 = arith.cmpi slt, %rem3A_21, %lt3A : i32
    %lt3A_25 = arith.constant 0 : i32
    %lt3A_26 = arith.cmpi slt, %select_n3A_20, %lt3A_25 : i32
    %ne3A_27 = arith.xori %lt3A_24, %lt3A_26 : i1
    %and3A_28 = arith.andi %ne3A_27, %ne3A_23 : i1
    %add3A_29 = arith.addi %rem3A_21, %select_n3A_20 : i32
    %select_n3A_30 = arith.select %and3A_28, %add3A_29, %rem3A_21 : i32
    %iota3A = tpu.iota {dimensions = array<i32: 0>} : vector<16xi32>
    %mul3A_31 = arith.constant 1024 : i32
    %mul3A_32 = vector.broadcast %mul3A_31 : i32 to vector<16xi32>
    %mul3A_33 = arith.muli %iota3A, %mul3A_32 : vector<16xi32>
    %broadcast_in_dim3A = arith.constant 0.000000e+00 : f32
    %broadcast_in_dim3A_34 = vector.broadcast %broadcast_in_dim3A : f32 to vector<16xf32>
    %broadcast_in_dim3A_35 = arith.constant 1.000000e+00 : f32
    %broadcast_in_dim3A_36 = vector.broadcast %broadcast_in_dim3A_35 : f32 to vector<16xf32>
    %mul3A_37 = arith.constant 128 : i32
    %mul3A_38 = arith.muli %select_n3A_30, %mul3A_37 : i32
    %add3A_39 = arith.constant 0 : i32
    %add3A_40 = arith.addi %mul3A_38, %add3A_39 : i32
    %multiple_of3A = tpu.assume_multiple %add3A_40, 16 : i32
    %dma_start3A = arith.constant 0 : i32
    %dma_start3A_41 = tpu.memref_slice %arg2[%add3A, %multiple_of3A, %dma_start3A] : memref<8x512x512xf32, #tpu.memory_space<hbm>> -> memref<1x16x512xf32, #tpu.memory_space<hbm>>
    %dma_start3A_42 = tpu.memref_squeeze %dma_start3A_41 : memref<1x16x512xf32, #tpu.memory_space<hbm>> -> memref<16x512xf32, #tpu.memory_space<hbm>>
    %dma_start3A_43 = arith.constant 0 : i32
    %dma_start3A_44 = tpu.memref_slice %arg2[%add3A, %multiple_of3A, %dma_start3A_43] : memref<8x512x512xf32, #tpu.memory_space<hbm>> -> memref<1x16x512xf32, #tpu.memory_space<hbm>>
    %dma_start3A_45 = tpu.memref_squeeze %dma_start3A_44 : memref<1x16x512xf32, #tpu.memory_space<hbm>> -> memref<16x512xf32, #tpu.memory_space<hbm>>
    tpu.enqueue_dma source(%dma_start3A_45 : memref<16x512xf32, #tpu.memory_space<hbm>>) target(%arg5 : memref<16x512xf32, #tpu.memory_space<vmem>>) target_semaphore(%arg14 : memref<!tpu.dma_semaphore, #tpu.memory_space<semaphore_mem>>)
    %dma_start3A_46 = arith.constant 0 : i32
    %dma_start3A_47 = tpu.memref_slice %arg3[%add3A, %multiple_of3A, %dma_start3A_46] : memref<8x512x512xi32, #tpu.memory_space<hbm>> -> memref<1x16x512xi32, #tpu.memory_space<hbm>>
    %dma_start3A_48 = tpu.memref_squeeze %dma_start3A_47 : memref<1x16x512xi32, #tpu.memory_space<hbm>> -> memref<16x512xi32, #tpu.memory_space<hbm>>
    %dma_start3A_49 = arith.constant 0 : i32
    %dma_start3A_50 = tpu.memref_slice %arg3[%add3A, %multiple_of3A, %dma_start3A_49] : memref<8x512x512xi32, #tpu.memory_space<hbm>> -> memref<1x16x512xi32, #tpu.memory_space<hbm>>
    %dma_start3A_51 = tpu.memref_squeeze %dma_start3A_50 : memref<1x16x512xi32, #tpu.memory_space<hbm>> -> memref<16x512xi32, #tpu.memory_space<hbm>>
    tpu.enqueue_dma source(%dma_start3A_51 : memref<16x512xi32, #tpu.memory_space<hbm>>) target(%arg6 : memref<16x512xi32, #tpu.memory_space<vmem>>) target_semaphore(%arg15 : memref<!tpu.dma_semaphore, #tpu.memory_space<semaphore_mem>>)
    %add3A_52 = arith.constant 16 : i32
    %add3A_53 = arith.addi %mul3A_38, %add3A_52 : i32
    %multiple_of3A_54 = tpu.assume_multiple %add3A_53, 16 : i32
    %dma_start3A_55 = arith.constant 0 : i32
    %dma_start3A_56 = tpu.memref_slice %arg2[%add3A, %multiple_of3A_54, %dma_start3A_55] : memref<8x512x512xf32, #tpu.memory_space<hbm>> -> memref<1x16x512xf32, #tpu.memory_space<hbm>>
    %dma_start3A_57 = tpu.memref_squeeze %dma_start3A_56 : memref<1x16x512xf32, #tpu.memory_space<hbm>> -> memref<16x512xf32, #tpu.memory_space<hbm>>
    %dma_start3A_58 = arith.constant 0 : i32
    %dma_start3A_59 = tpu.memref_slice %arg2[%add3A, %multiple_of3A_54, %dma_start3A_58] : memref<8x512x512xf32, #tpu.memory_space<hbm>> -> memref<1x16x512xf32, #tpu.memory_space<hbm>>
    %dma_start3A_60 = tpu.memref_squeeze %dma_start3A_59 : memref<1x16x512xf32, #tpu.memory_space<hbm>> -> memref<16x512xf32, #tpu.memory_space<hbm>>
    tpu.enqueue_dma source(%dma_start3A_60 : memref<16x512xf32, #tpu.memory_space<hbm>>) target(%arg7 : memref<16x512xf32, #tpu.memory_space<vmem>>) target_semaphore(%arg16 : memref<!tpu.dma_semaphore, #tpu.memory_space<semaphore_mem>>)
    %dma_start3A_61 = arith.constant 0 : i32
    %dma_start3A_62 = tpu.memref_slice %arg3[%add3A, %multiple_of3A_54, %dma_start3A_61] : memref<8x512x512xi32, #tpu.memory_space<hbm>> -> memref<1x16x512xi32, #tpu.memory_space<hbm>>
    %dma_start3A_63 = tpu.memref_squeeze %dma_start3A_62 : memref<1x16x512xi32, #tpu.memory_space<hbm>> -> memref<16x512xi32, #tpu.memory_space<hbm>>
    %dma_start3A_64 = arith.constant 0 : i32
    %dma_start3A_65 = tpu.memref_slice %arg3[%add3A, %multiple_of3A_54, %dma_start3A_64] : memref<8x512x512xi32, #tpu.memory_space<hbm>> -> memref<1x16x512xi32, #tpu.memory_space<hbm>>
    %dma_start3A_66 = tpu.memref_squeeze %dma_start3A_65 : memref<1x16x512xi32, #tpu.memory_space<hbm>> -> memref<16x512xi32, #tpu.memory_space<hbm>>
    tpu.enqueue_dma source(%dma_start3A_66 : memref<16x512xi32, #tpu.memory_space<hbm>>) target(%arg8 : memref<16x512xi32, #tpu.memory_space<vmem>>) target_semaphore(%arg17 : memref<!tpu.dma_semaphore, #tpu.memory_space<semaphore_mem>>)
    %scan3A = arith.constant 0 : i32
    %scan3A_67 = arith.constant 0 : i32
    %scan3A_68 = arith.constant 2048 : i32
    %scan3A_69 = arith.addi %scan3A_67, %scan3A_68 : i32
    %scan3A_70 = arith.constant 1 : i32
    scf.for %scan3A_88 = %scan3A_67 to %scan3A_69 step %scan3A_70  : i32 {
      %mul3A_89 = arith.constant 16 : i32
      %mul3A_90 = arith.muli %scan3A_88, %mul3A_89 : i32
      %swap3A = arith.index_cast %mul3A_90 : i32 to index
      %swap3A_91 = tpu.vector_load %arg9[%swap3A] {strides = array<i32>} : memref<32768xf32, #tpu.memory_space<vmem>>, vector<16xf32>,
      tpu.vector_store %arg9[%swap3A], %broadcast_in_dim3A_34 {strides = array<i32>} : memref<32768xf32, #tpu.memory_space<vmem>>, vector<16xf32>,
    }
    %scan3A_71 = arith.constant 2048 : i32
    %scan3A_72 = arith.constant 0 : i32
    %scan3A_73 = arith.constant 0.999999821 : f32
    %scan3A_74 = arith.constant 0 : i32
    %scan3A_75 = arith.constant 4 : i32
    %scan3A_76 = arith.addi %scan3A_74, %scan3A_75 : i32
    %scan3A_77 = arith.constant 1 : i32
    scf.for %scan3A_88 = %scan3A_74 to %scan3A_76 step %scan3A_77  : i32 {
      %mul3A_89 = arith.constant 2 : i32
      %mul3A_90 = arith.muli %scan3A_88, %mul3A_89 : i32
      %add3A_91 = arith.constant 0 : i32
      %add3A_92 = arith.addi %mul3A_90, %add3A_91 : i32
      %dma_wait3A = arith.constant 0 : i32
      %dma_wait3A_93 = arith.constant 0 : i32
      %dma_wait3A_94 = arith.constant 0 : i32
      %dma_wait3A_95 = tpu.memref_slice %arg2[%dma_wait3A, %dma_wait3A_93, %dma_wait3A_94] : memref<8x512x512xf32, #tpu.memory_space<hbm>> -> memref<1x16x512xf32, #tpu.memory_space<hbm>>
      %dma_wait3A_96 = tpu.memref_squeeze %dma_wait3A_95 : memref<1x16x512xf32, #tpu.memory_space<hbm>> -> memref<16x512xf32, #tpu.memory_space<hbm>>
      %dma_wait3A_97 = arith.constant 0 : i32
      %dma_wait3A_98 = arith.constant 0 : i32
      %dma_wait3A_99 = tpu.memref_slice %arg2[%dma_wait3A, %dma_wait3A_97, %dma_wait3A_98] : memref<8x512x512xf32, #tpu.memory_space<hbm>> -> memref<1x16x512xf32, #tpu.memory_space<hbm>>
      %dma_wait3A_100 = tpu.memref_squeeze %dma_wait3A_99 : memref<1x16x512xf32, #tpu.memory_space<hbm>> -> memref<16x512xf32, #tpu.memory_space<hbm>>
      tpu.wait_dma2 semaphore(%arg14 : memref<!tpu.dma_semaphore, #tpu.memory_space<semaphore_mem>>) src(%dma_wait3A_100 : memref<16x512xf32, #tpu.memory_space<hbm>>) dst(%arg5 : memref<16x512xf32, #tpu.memory_space<vmem>>)
      %dma_wait3A_101 = arith.constant 0 : i32
      %dma_wait3A_102 = arith.constant 0 : i32
      %dma_wait3A_103 = arith.constant 0 : i32
      %dma_wait3A_104 = tpu.memref_slice %arg3[%dma_wait3A_101, %dma_wait3A_102, %dma_wait3A_103] : memref<8x512x512xi32, #tpu.memory_space<hbm>> -> memref<1x16x512xi32, #tpu.memory_space<hbm>>
      %dma_wait3A_105 = tpu.memref_squeeze %dma_wait3A_104 : memref<1x16x512xi32, #tpu.memory_space<hbm>> -> memref<16x512xi32, #tpu.memory_space<hbm>>
      %dma_wait3A_106 = arith.constant 0 : i32
      %dma_wait3A_107 = arith.constant 0 : i32
      %dma_wait3A_108 = tpu.memref_slice %arg3[%dma_wait3A_101, %dma_wait3A_106, %dma_wait3A_107] : memref<8x512x512xi32, #tpu.memory_space<hbm>> -> memref<1x16x512xi32, #tpu.memory_space<hbm>>
      %dma_wait3A_109 = tpu.memref_squeeze %dma_wait3A_108 : memref<1x16x512xi32, #tpu.memory_space<hbm>> -> memref<16x512xi32, #tpu.memory_space<hbm>>
      tpu.wait_dma2 semaphore(%arg15 : memref<!tpu.dma_semaphore, #tpu.memory_space<semaphore_mem>>) src(%dma_wait3A_109 : memref<16x512xi32, #tpu.memory_space<hbm>>) dst(%arg6 : memref<16x512xi32, #tpu.memory_space<vmem>>)
      %scan3A_110 = arith.constant 0 : i32
      %scan3A_111 = arith.constant 0 : i32
      %scan3A_112 = arith.constant 32 : i32
      %scan3A_113 = arith.addi %scan3A_111, %scan3A_112 : i32
      %scan3A_114 = arith.constant 1 : i32
      scf.for %scan3A_158 = %scan3A_111 to %scan3A_113 step %scan3A_114  : i32 {
        %jit3A_159 = arith.constant 2 : i32
        %div3A_160 = arith.divsi %scan3A_158, %jit3A_159 : i32
        %sign3A_161 = arith.constant 0 : i32
        %sign3A_162 = arith.cmpi sgt, %scan3A_158, %sign3A_161 : i32
        %sign3A_163 = arith.extui %sign3A_162 : i1 to i32
        %sign3A_164 = arith.constant 0 : i32
        %sign3A_165 = arith.cmpi slt, %scan3A_158, %sign3A_164 : i32
        %sign3A_166 = arith.extui %sign3A_165 : i1 to i32
        %sign3A_167 = arith.subi %sign3A_163, %sign3A_166 : i32
        %sign3A_168 = arith.constant 0 : i32
        %sign3A_169 = arith.cmpi sgt, %jit3A_159, %sign3A_168 : i32
        %sign3A_170 = arith.extui %sign3A_169 : i1 to i32
        %sign3A_171 = arith.constant 0 : i32
        %sign3A_172 = arith.cmpi slt, %jit3A_159, %sign3A_171 : i32
        %sign3A_173 = arith.extui %sign3A_172 : i1 to i32
        %sign3A_174 = arith.subi %sign3A_170, %sign3A_173 : i32
        %ne3A_175 = arith.cmpi ne, %sign3A_167, %sign3A_174 : i32
        %rem3A_176 = arith.remsi %scan3A_158, %jit3A_159 : i32
        %ne3A_177 = arith.constant 0 : i32
        %ne3A_178 = arith.cmpi ne, %rem3A_176, %ne3A_177 : i32
        %and3A_179 = arith.andi %ne3A_175, %ne3A_178 : i1
        %sub3A_180 = arith.constant 1 : i32
        %sub3A_181 = arith.subi %div3A_160, %sub3A_180 : i32
        %select_n3A_182 = arith.select %and3A_179, %sub3A_181, %div3A_160 : i32
        %jit3A_183 = arith.constant 2 : i32
        %eq3A_184 = arith.constant 0 : i32
        %eq3A_185 = arith.cmpi eq, %jit3A_183, %eq3A_184 : i32
        %jit3A_186 = arith.constant 1 : i32
        %select_n3A_187 = arith.select %eq3A_185, %jit3A_186, %jit3A_183 : i32
        %rem3A_188 = arith.remsi %scan3A_158, %select_n3A_187 : i32
        %ne3A_189 = arith.constant 0 : i32
        %ne3A_190 = arith.cmpi ne, %rem3A_188, %ne3A_189 : i32
        %lt3A_191 = arith.constant 0 : i32
        %lt3A_192 = arith.cmpi slt, %rem3A_188, %lt3A_191 : i32
        %lt3A_193 = arith.constant 0 : i32
        %lt3A_194 = arith.cmpi slt, %select_n3A_187, %lt3A_193 : i32
        %ne3A_195 = arith.xori %lt3A_192, %lt3A_194 : i1
        %and3A_196 = arith.andi %ne3A_195, %ne3A_190 : i1
        %add3A_197 = arith.addi %rem3A_188, %select_n3A_187 : i32
        %select_n3A_198 = arith.select %and3A_196, %add3A_197, %rem3A_188 : i32
        %mul3A_199 = arith.constant 256 : i32
        %mul3A_200 = arith.muli %select_n3A_198, %mul3A_199 : i32
        %add3A_201 = arith.constant 0 : i32
        %add3A_202 = arith.addi %mul3A_200, %add3A_201 : i32
        %get3A = arith.index_cast %select_n3A_182 : i32 to index
        %get3A_203 = arith.index_cast %add3A_202 : i32 to index
        %get3A_204 = tpu.vector_load %arg5[%get3A, %get3A_203] {strides = array<i32>} : memref<16x512xf32, #tpu.memory_space<vmem>>, vector<16xf32>,
        %add3A_205 = arith.constant 16 : i32
        %add3A_206 = arith.addi %mul3A_200, %add3A_205 : i32
        %get3A_207 = arith.index_cast %select_n3A_182 : i32 to index
        %get3A_208 = arith.index_cast %add3A_206 : i32 to index
        %get3A_209 = tpu.vector_load %arg5[%get3A_207, %get3A_208] {strides = array<i32>} : memref<16x512xf32, #tpu.memory_space<vmem>>, vector<16xf32>,
        %add3A_210 = arith.constant 32 : i32
        %add3A_211 = arith.addi %mul3A_200, %add3A_210 : i32
        %get3A_212 = arith.index_cast %select_n3A_182 : i32 to index
        %get3A_213 = arith.index_cast %add3A_211 : i32 to index
        %get3A_214 = tpu.vector_load %arg5[%get3A_212, %get3A_213] {strides = array<i32>} : memref<16x512xf32, #tpu.memory_space<vmem>>, vector<16xf32>,
        %add3A_215 = arith.constant 48 : i32
        %add3A_216 = arith.addi %mul3A_200, %add3A_215 : i32
        %get3A_217 = arith.index_cast %select_n3A_182 : i32 to index
        %get3A_218 = arith.index_cast %add3A_216 : i32 to index
        %get3A_219 = tpu.vector_load %arg5[%get3A_217, %get3A_218] {strides = array<i32>} : memref<16x512xf32, #tpu.memory_space<vmem>>, vector<16xf32>,
        %add3A_220 = arith.constant 64 : i32
        %add3A_221 = arith.addi %mul3A_200, %add3A_220 : i32
        %get3A_222 = arith.index_cast %select_n3A_182 : i32 to index
        %get3A_223 = arith.index_cast %add3A_221 : i32 to index
        %get3A_224 = tpu.vector_load %arg5[%get3A_222, %get3A_223] {strides = array<i32>} : memref<16x512xf32, #tpu.memory_space<vmem>>, vector<16xf32>,
        %add3A_225 = arith.constant 80 : i32
        %add3A_226 = arith.addi %mul3A_200, %add3A_225 : i32
        %get3A_227 = arith.index_cast %select_n3A_182 : i32 to index
        %get3A_228 = arith.index_cast %add3A_226 : i32 to index
        %get3A_229 = tpu.vector_load %arg5[%get3A_227, %get3A_228] {strides = array<i32>} : memref<16x512xf32, #tpu.memory_space<vmem>>, vector<16xf32>,
        %add3A_230 = arith.constant 96 : i32
        %add3A_231 = arith.addi %mul3A_200, %add3A_230 : i32
        %get3A_232 = arith.index_cast %select_n3A_182 : i32 to index
        %get3A_233 = arith.index_cast %add3A_231 : i32 to index
        %get3A_234 = tpu.vector_load %arg5[%get3A_232, %get3A_233] {strides = array<i32>} : memref<16x512xf32, #tpu.memory_space<vmem>>, vector<16xf32>,
        %add3A_235 = arith.constant 112 : i32
        %add3A_236 = arith.addi %mul3A_200, %add3A_235 : i32
        %get3A_237 = arith.index_cast %select_n3A_182 : i32 to index
        %get3A_238 = arith.index_cast %add3A_236 : i32 to index
        %get3A_239 = tpu.vector_load %arg5[%get3A_237, %get3A_238] {strides = array<i32>} : memref<16x512xf32, #tpu.memory_space<vmem>>, vector<16xf32>,
        %add3A_240 = arith.constant 128 : i32
        %add3A_241 = arith.addi %mul3A_200, %add3A_240 : i32
        %get3A_242 = arith.index_cast %select_n3A_182 : i32 to index
        %get3A_243 = arith.index_cast %add3A_241 : i32 to index
        %get3A_244 = tpu.vector_load %arg5[%get3A_242, %get3A_243] {strides = array<i32>} : memref<16x512xf32, #tpu.memory_space<vmem>>, vector<16xf32>,
        %add3A_245 = arith.constant 144 : i32
        %add3A_246 = arith.addi %mul3A_200, %add3A_245 : i32
        %get3A_247 = arith.index_cast %select_n3A_182 : i32 to index
        %get3A_248 = arith.index_cast %add3A_246 : i32 to index
        %get3A_249 = tpu.vector_load %arg5[%get3A_247, %get3A_248] {strides = array<i32>} : memref<16x512xf32, #tpu.memory_space<vmem>>, vector<16xf32>,
        %add3A_250 = arith.constant 160 : i32
        %add3A_251 = arith.addi %mul3A_200, %add3A_250 : i32
        %get3A_252 = arith.index_cast %select_n3A_182 : i32 to index
        %get3A_253 = arith.index_cast %add3A_251 : i32 to index
        %get3A_254 = tpu.vector_load %arg5[%get3A_252, %get3A_253] {strides = array<i32>} : memref<16x512xf32, #tpu.memory_space<vmem>>, vector<16xf32>,
        %add3A_255 = arith.constant 176 : i32
        %add3A_256 = arith.addi %mul3A_200, %add3A_255 : i32
        %get3A_257 = arith.index_cast %select_n3A_182 : i32 to index
        %get3A_258 = arith.index_cast %add3A_256 : i32 to index
        %get3A_259 = tpu.vector_load %arg5[%get3A_257, %get3A_258] {strides = array<i32>} : memref<16x512xf32, #tpu.memory_space<vmem>>, vector<16xf32>,
        %add3A_260 = arith.constant 192 : i32
        %add3A_261 = arith.addi %mul3A_200, %add3A_260 : i32
        %get3A_262 = arith.index_cast %select_n3A_182 : i32 to index
        %get3A_263 = arith.index_cast %add3A_261 : i32 to index
        %get3A_264 = tpu.vector_load %arg5[%get3A_262, %get3A_263] {strides = array<i32>} : memref<16x512xf32, #tpu.memory_space<vmem>>, vector<16xf32>,
        %add3A_265 = arith.constant 208 : i32
        %add3A_266 = arith.addi %mul3A_200, %add3A_265 : i32
        %get3A_267 = arith.index_cast %select_n3A_182 : i32 to index
        %get3A_268 = arith.index_cast %add3A_266 : i32 to index
        %get3A_269 = tpu.vector_load %arg5[%get3A_267, %get3A_268] {strides = array<i32>} : memref<16x512xf32, #tpu.memory_space<vmem>>, vector<16xf32>,
        %add3A_270 = arith.constant 224 : i32
        %add3A_271 = arith.addi %mul3A_200, %add3A_270 : i32
        %get3A_272 = arith.index_cast %select_n3A_182 : i32 to index
        %get3A_273 = arith.index_cast %add3A_271 : i32 to index
        %get3A_274 = tpu.vector_load %arg5[%get3A_272, %get3A_273] {strides = array<i32>} : memref<16x512xf32, #tpu.memory_space<vmem>>, vector<16xf32>,
        %add3A_275 = arith.constant 240 : i32
        %add3A_276 = arith.addi %mul3A_200, %add3A_275 : i32
        %get3A_277 = arith.index_cast %select_n3A_182 : i32 to index
        %get3A_278 = arith.index_cast %add3A_276 : i32 to index
        %get3A_279 = tpu.vector_load %arg5[%get3A_277, %get3A_278] {strides = array<i32>} : memref<16x512xf32, #tpu.memory_space<vmem>>, vector<16xf32>,
        %add3A_280 = arith.constant 0 : i32
        %add3A_281 = arith.addi %mul3A_200, %add3A_280 : i32
        %get3A_282 = arith.index_cast %select_n3A_182 : i32 to index
        %get3A_283 = arith.index_cast %add3A_281 : i32 to index
        %get3A_284 = tpu.vector_load %arg6[%get3A_282, %get3A_283] {strides = array<i32>} : memref<16x512xi32, #tpu.memory_space<vmem>>, vector<16xi32>,
        %add3A_285 = arith.constant 16 : i32
        %add3A_286 = arith.addi %mul3A_200, %add3A_285 : i32
        %get3A_287 = arith.index_cast %select_n3A_182 : i32 to index
        %get3A_288 = arith.index_cast %add3A_286 : i32 to index
        %get3A_289 = tpu.vector_load %arg6[%get3A_287, %get3A_288] {strides = array<i32>} : memref<16x512xi32, #tpu.memory_space<vmem>>, vector<16xi32>,
        %add3A_290 = arith.constant 32 : i32
        %add3A_291 = arith.addi %mul3A_200, %add3A_290 : i32
        %get3A_292 = arith.index_cast %select_n3A_182 : i32 to index
        %get3A_293 = arith.index_cast %add3A_291 : i32 to index
        %get3A_294 = tpu.vector_load %arg6[%get3A_292, %get3A_293] {strides = array<i32>} : memref<16x512xi32, #tpu.memory_space<vmem>>, vector<16xi32>,
        %add3A_295 = arith.constant 48 : i32
        %add3A_296 = arith.addi %mul3A_200, %add3A_295 : i32
        %get3A_297 = arith.index_cast %select_n3A_182 : i32 to index
        %get3A_298 = arith.index_cast %add3A_296 : i32 to index
        %get3A_299 = tpu.vector_load %arg6[%get3A_297, %get3A_298] {strides = array<i32>} : memref<16x512xi32, #tpu.memory_space<vmem>>, vector<16xi32>,
        %add3A_300 = arith.constant 64 : i32
        %add3A_301 = arith.addi %mul3A_200, %add3A_300 : i32
        %get3A_302 = arith.index_cast %select_n3A_182 : i32 to index
        %get3A_303 = arith.index_cast %add3A_301 : i32 to index
        %get3A_304 = tpu.vector_load %arg6[%get3A_302, %get3A_303] {strides = array<i32>} : memref<16x512xi32, #tpu.memory_space<vmem>>, vector<16xi32>,
        %add3A_305 = arith.constant 80 : i32
        %add3A_306 = arith.addi %mul3A_200, %add3A_305 : i32
        %get3A_307 = arith.index_cast %select_n3A_182 : i32 to index
        %get3A_308 = arith.index_cast %add3A_306 : i32 to index
        %get3A_309 = tpu.vector_load %arg6[%get3A_307, %get3A_308] {strides = array<i32>} : memref<16x512xi32, #tpu.memory_space<vmem>>, vector<16xi32>,
        %add3A_310 = arith.constant 96 : i32
        %add3A_311 = arith.addi %mul3A_200, %add3A_310 : i32
        %get3A_312 = arith.index_cast %select_n3A_182 : i32 to index
        %get3A_313 = arith.index_cast %add3A_311 : i32 to index
        %get3A_314 = tpu.vector_load %arg6[%get3A_312, %get3A_313] {strides = array<i32>} : memref<16x512xi32, #tpu.memory_space<vmem>>, vector<16xi32>,
        %add3A_315 = arith.constant 112 : i32
        %add3A_316 = arith.addi %mul3A_200, %add3A_315 : i32
        %get3A_317 = arith.index_cast %select_n3A_182 : i32 to index
        %get3A_318 = arith.index_cast %add3A_316 : i32 to index
        %get3A_319 = tpu.vector_load %arg6[%get3A_317, %get3A_318] {strides = array<i32>} : memref<16x512xi32, #tpu.memory_space<vmem>>, vector<16xi32>,
        %add3A_320 = arith.constant 128 : i32
        %add3A_321 = arith.addi %mul3A_200, %add3A_320 : i32
        %get3A_322 = arith.index_cast %select_n3A_182 : i32 to index
        %get3A_323 = arith.index_cast %add3A_321 : i32 to index
        %get3A_324 = tpu.vector_load %arg6[%get3A_322, %get3A_323] {strides = array<i32>} : memref<16x512xi32, #tpu.memory_space<vmem>>, vector<16xi32>,
        %add3A_325 = arith.constant 144 : i32
        %add3A_326 = arith.addi %mul3A_200, %add3A_325 : i32
        %get3A_327 = arith.index_cast %select_n3A_182 : i32 to index
        %get3A_328 = arith.index_cast %add3A_326 : i32 to index
        %get3A_329 = tpu.vector_load %arg6[%get3A_327, %get3A_328] {strides = array<i32>} : memref<16x512xi32, #tpu.memory_space<vmem>>, vector<16xi32>,
        %add3A_330 = arith.constant 160 : i32
        %add3A_331 = arith.addi %mul3A_200, %add3A_330 : i32
        %get3A_332 = arith.index_cast %select_n3A_182 : i32 to index
        %get3A_333 = arith.index_cast %add3A_331 : i32 to index
        %get3A_334 = tpu.vector_load %arg6[%get3A_332, %get3A_333] {strides = array<i32>} : memref<16x512xi32, #tpu.memory_space<vmem>>, vector<16xi32>,
        %add3A_335 = arith.constant 176 : i32
        %add3A_336 = arith.addi %mul3A_200, %add3A_335 : i32
        %get3A_337 = arith.index_cast %select_n3A_182 : i32 to index
        %get3A_338 = arith.index_cast %add3A_336 : i32 to index
        %get3A_339 = tpu.vector_load %arg6[%get3A_337, %get3A_338] {strides = array<i32>} : memref<16x512xi32, #tpu.memory_space<vmem>>, vector<16xi32>,
        %add3A_340 = arith.constant 192 : i32
        %add3A_341 = arith.addi %mul3A_200, %add3A_340 : i32
        %get3A_342 = arith.index_cast %select_n3A_182 : i32 to index
        %get3A_343 = arith.index_cast %add3A_341 : i32 to index
        %get3A_344 = tpu.vector_load %arg6[%get3A_342, %get3A_343] {strides = array<i32>} : memref<16x512xi32, #tpu.memory_space<vmem>>, vector<16xi32>,
        %add3A_345 = arith.constant 208 : i32
        %add3A_346 = arith.addi %mul3A_200, %add3A_345 : i32
        %get3A_347 = arith.index_cast %select_n3A_182 : i32 to index
        %get3A_348 = arith.index_cast %add3A_346 : i32 to index
        %get3A_349 = tpu.vector_load %arg6[%get3A_347, %get3A_348] {strides = array<i32>} : memref<16x512xi32, #tpu.memory_space<vmem>>, vector<16xi32>,
        %add3A_350 = arith.constant 224 : i32
        %add3A_351 = arith.addi %mul3A_200, %add3A_350 : i32
        %get3A_352 = arith.index_cast %select_n3A_182 : i32 to index
        %get3A_353 = arith.index_cast %add3A_351 : i32 to index
        %get3A_354 = tpu.vector_load %arg6[%get3A_352, %get3A_353] {strides = array<i32>} : memref<16x512xi32, #tpu.memory_space<vmem>>, vector<16xi32>,
        %add3A_355 = arith.constant 240 : i32
        %add3A_356 = arith.addi %mul3A_200, %add3A_355 : i32
        %get3A_357 = arith.index_cast %select_n3A_182 : i32 to index
        %get3A_358 = arith.index_cast %add3A_356 : i32 to index
        %get3A_359 = tpu.vector_load %arg6[%get3A_357, %get3A_358] {strides = array<i32>} : memref<16x512xi32, #tpu.memory_space<vmem>>, vector<16xi32>,
        %neg3A = arith.constant 0.000000e+00 : f32
        %neg3A_360 = vector.broadcast %neg3A : f32 to vector<16xf32>
        %neg3A_361 = arith.subf %neg3A_360, %get3A_204 : vector<16xf32>
        %exp3A = math.exp %neg3A_361 : vector<16xf32>
        %neg3A_362 = arith.constant 0.000000e+00 : f32
        %neg3A_363 = vector.broadcast %neg3A_362 : f32 to vector<16xf32>
        %neg3A_364 = arith.subf %neg3A_363, %get3A_209 : vector<16xf32>
        %exp3A_365 = math.exp %neg3A_364 : vector<16xf32>
        %neg3A_366 = arith.constant 0.000000e+00 : f32
        %neg3A_367 = vector.broadcast %neg3A_366 : f32 to vector<16xf32>
        %neg3A_368 = arith.subf %neg3A_367, %get3A_214 : vector<16xf32>
        %exp3A_369 = math.exp %neg3A_368 : vector<16xf32>
        %neg3A_370 = arith.constant 0.000000e+00 : f32
        %neg3A_371 = vector.broadcast %neg3A_370 : f32 to vector<16xf32>
        %neg3A_372 = arith.subf %neg3A_371, %get3A_219 : vector<16xf32>
        %exp3A_373 = math.exp %neg3A_372 : vector<16xf32>
        %neg3A_374 = arith.constant 0.000000e+00 : f32
        %neg3A_375 = vector.broadcast %neg3A_374 : f32 to vector<16xf32>
        %neg3A_376 = arith.subf %neg3A_375, %get3A_224 : vector<16xf32>
        %exp3A_377 = math.exp %neg3A_376 : vector<16xf32>
        %neg3A_378 = arith.constant 0.000000e+00 : f32
        %neg3A_379 = vector.broadcast %neg3A_378 : f32 to vector<16xf32>
        %neg3A_380 = arith.subf %neg3A_379, %get3A_229 : vector<16xf32>
        %exp3A_381 = math.exp %neg3A_380 : vector<16xf32>
        %neg3A_382 = arith.constant 0.000000e+00 : f32
        %neg3A_383 = vector.broadcast %neg3A_382 : f32 to vector<16xf32>
        %neg3A_384 = arith.subf %neg3A_383, %get3A_234 : vector<16xf32>
        %exp3A_385 = math.exp %neg3A_384 : vector<16xf32>
        %neg3A_386 = arith.constant 0.000000e+00 : f32
        %neg3A_387 = vector.broadcast %neg3A_386 : f32 to vector<16xf32>
        %neg3A_388 = arith.subf %neg3A_387, %get3A_239 : vector<16xf32>
        %exp3A_389 = math.exp %neg3A_388 : vector<16xf32>
        %neg3A_390 = arith.constant 0.000000e+00 : f32
        %neg3A_391 = vector.broadcast %neg3A_390 : f32 to vector<16xf32>
        %neg3A_392 = arith.subf %neg3A_391, %get3A_244 : vector<16xf32>
        %exp3A_393 = math.exp %neg3A_392 : vector<16xf32>
        %neg3A_394 = arith.constant 0.000000e+00 : f32
        %neg3A_395 = vector.broadcast %neg3A_394 : f32 to vector<16xf32>
        %neg3A_396 = arith.subf %neg3A_395, %get3A_249 : vector<16xf32>
        %exp3A_397 = math.exp %neg3A_396 : vector<16xf32>
        %neg3A_398 = arith.constant 0.000000e+00 : f32
        %neg3A_399 = vector.broadcast %neg3A_398 : f32 to vector<16xf32>
        %neg3A_400 = arith.subf %neg3A_399, %get3A_254 : vector<16xf32>
        %exp3A_401 = math.exp %neg3A_400 : vector<16xf32>
        %neg3A_402 = arith.constant 0.000000e+00 : f32
        %neg3A_403 = vector.broadcast %neg3A_402 : f32 to vector<16xf32>
        %neg3A_404 = arith.subf %neg3A_403, %get3A_259 : vector<16xf32>
        %exp3A_405 = math.exp %neg3A_404 : vector<16xf32>
        %neg3A_406 = arith.constant 0.000000e+00 : f32
        %neg3A_407 = vector.broadcast %neg3A_406 : f32 to vector<16xf32>
        %neg3A_408 = arith.subf %neg3A_407, %get3A_264 : vector<16xf32>
        %exp3A_409 = math.exp %neg3A_408 : vector<16xf32>
        %neg3A_410 = arith.constant 0.000000e+00 : f32
        %neg3A_411 = vector.broadcast %neg3A_410 : f32 to vector<16xf32>
        %neg3A_412 = arith.subf %neg3A_411, %get3A_269 : vector<16xf32>
        %exp3A_413 = math.exp %neg3A_412 : vector<16xf32>
        %neg3A_414 = arith.constant 0.000000e+00 : f32
        %neg3A_415 = vector.broadcast %neg3A_414 : f32 to vector<16xf32>
        %neg3A_416 = arith.subf %neg3A_415, %get3A_274 : vector<16xf32>
        %exp3A_417 = math.exp %neg3A_416 : vector<16xf32>
        %neg3A_418 = arith.constant 0.000000e+00 : f32
        %neg3A_419 = vector.broadcast %neg3A_418 : f32 to vector<16xf32>
        %neg3A_420 = arith.subf %neg3A_419, %get3A_279 : vector<16xf32>
        %exp3A_421 = math.exp %neg3A_420 : vector<16xf32>
        %add3A_422 = arith.constant 1.000000e+00 : f32
        %add3A_423 = vector.broadcast %add3A_422 : f32 to vector<16xf32>
        %add3A_424 = arith.addf %add3A_423, %exp3A : vector<16xf32>
        %div3A_425 = arith.constant 1.000000e+00 : f32
        %div3A_426 = vector.broadcast %div3A_425 : f32 to vector<16xf32>
        %div3A_427 = arith.divf %div3A_426, %add3A_424 : vector<16xf32>
        %add3A_428 = arith.constant 1.000000e+00 : f32
        %add3A_429 = vector.broadcast %add3A_428 : f32 to vector<16xf32>
        %add3A_430 = arith.addf %add3A_429, %exp3A_365 : vector<16xf32>
        %div3A_431 = arith.constant 1.000000e+00 : f32
        %div3A_432 = vector.broadcast %div3A_431 : f32 to vector<16xf32>
        %div3A_433 = arith.divf %div3A_432, %add3A_430 : vector<16xf32>
        %add3A_434 = arith.constant 1.000000e+00 : f32
        %add3A_435 = vector.broadcast %add3A_434 : f32 to vector<16xf32>
        %add3A_436 = arith.addf %add3A_435, %exp3A_369 : vector<16xf32>
        %div3A_437 = arith.constant 1.000000e+00 : f32
        %div3A_438 = vector.broadcast %div3A_437 : f32 to vector<16xf32>
        %div3A_439 = arith.divf %div3A_438, %add3A_436 : vector<16xf32>
        %add3A_440 = arith.constant 1.000000e+00 : f32
        %add3A_441 = vector.broadcast %add3A_440 : f32 to vector<16xf32>
        %add3A_442 = arith.addf %add3A_441, %exp3A_373 : vector<16xf32>
        %div3A_443 = arith.constant 1.000000e+00 : f32
        %div3A_444 = vector.broadcast %div3A_443 : f32 to vector<16xf32>
        %div3A_445 = arith.divf %div3A_444, %add3A_442 : vector<16xf32>
        %add3A_446 = arith.constant 1.000000e+00 : f32
        %add3A_447 = vector.broadcast %add3A_446 : f32 to vector<16xf32>
        %add3A_448 = arith.addf %add3A_447, %exp3A_377 : vector<16xf32>
        %div3A_449 = arith.constant 1.000000e+00 : f32
        %div3A_450 = vector.broadcast %div3A_449 : f32 to vector<16xf32>
        %div3A_451 = arith.divf %div3A_450, %add3A_448 : vector<16xf32>
        %add3A_452 = arith.constant 1.000000e+00 : f32
        %add3A_453 = vector.broadcast %add3A_452 : f32 to vector<16xf32>
        %add3A_454 = arith.addf %add3A_453, %exp3A_381 : vector<16xf32>
        %div3A_455 = arith.constant 1.000000e+00 : f32
        %div3A_456 = vector.broadcast %div3A_455 : f32 to vector<16xf32>
        %div3A_457 = arith.divf %div3A_456, %add3A_454 : vector<16xf32>
        %add3A_458 = arith.constant 1.000000e+00 : f32
        %add3A_459 = vector.broadcast %add3A_458 : f32 to vector<16xf32>
        %add3A_460 = arith.addf %add3A_459, %exp3A_385 : vector<16xf32>
        %div3A_461 = arith.constant 1.000000e+00 : f32
        %div3A_462 = vector.broadcast %div3A_461 : f32 to vector<16xf32>
        %div3A_463 = arith.divf %div3A_462, %add3A_460 : vector<16xf32>
        %add3A_464 = arith.constant 1.000000e+00 : f32
        %add3A_465 = vector.broadcast %add3A_464 : f32 to vector<16xf32>
        %add3A_466 = arith.addf %add3A_465, %exp3A_389 : vector<16xf32>
        %div3A_467 = arith.constant 1.000000e+00 : f32
        %div3A_468 = vector.broadcast %div3A_467 : f32 to vector<16xf32>
        %div3A_469 = arith.divf %div3A_468, %add3A_466 : vector<16xf32>
        %add3A_470 = arith.constant 1.000000e+00 : f32
        %add3A_471 = vector.broadcast %add3A_470 : f32 to vector<16xf32>
        %add3A_472 = arith.addf %add3A_471, %exp3A_393 : vector<16xf32>
        %div3A_473 = arith.constant 1.000000e+00 : f32
        %div3A_474 = vector.broadcast %div3A_473 : f32 to vector<16xf32>
        %div3A_475 = arith.divf %div3A_474, %add3A_472 : vector<16xf32>
        %add3A_476 = arith.constant 1.000000e+00 : f32
        %add3A_477 = vector.broadcast %add3A_476 : f32 to vector<16xf32>
        %add3A_478 = arith.addf %add3A_477, %exp3A_397 : vector<16xf32>
        %div3A_479 = arith.constant 1.000000e+00 : f32
        %div3A_480 = vector.broadcast %div3A_479 : f32 to vector<16xf32>
        %div3A_481 = arith.divf %div3A_480, %add3A_478 : vector<16xf32>
        %add3A_482 = arith.constant 1.000000e+00 : f32
        %add3A_483 = vector.broadcast %add3A_482 : f32 to vector<16xf32>
        %add3A_484 = arith.addf %add3A_483, %exp3A_401 : vector<16xf32>
        %div3A_485 = arith.constant 1.000000e+00 : f32
        %div3A_486 = vector.broadcast %div3A_485 : f32 to vector<16xf32>
        %div3A_487 = arith.divf %div3A_486, %add3A_484 : vector<16xf32>
        %add3A_488 = arith.constant 1.000000e+00 : f32
        %add3A_489 = vector.broadcast %add3A_488 : f32 to vector<16xf32>
        %add3A_490 = arith.addf %add3A_489, %exp3A_405 : vector<16xf32>
        %div3A_491 = arith.constant 1.000000e+00 : f32
        %div3A_492 = vector.broadcast %div3A_491 : f32 to vector<16xf32>
        %div3A_493 = arith.divf %div3A_492, %add3A_490 : vector<16xf32>
        %add3A_494 = arith.constant 1.000000e+00 : f32
        %add3A_495 = vector.broadcast %add3A_494 : f32 to vector<16xf32>
        %add3A_496 = arith.addf %add3A_495, %exp3A_409 : vector<16xf32>
        %div3A_497 = arith.constant 1.000000e+00 : f32
        %div3A_498 = vector.broadcast %div3A_497 : f32 to vector<16xf32>
        %div3A_499 = arith.divf %div3A_498, %add3A_496 : vector<16xf32>
        %add3A_500 = arith.constant 1.000000e+00 : f32
        %add3A_501 = vector.broadcast %add3A_500 : f32 to vector<16xf32>
        %add3A_502 = arith.addf %add3A_501, %exp3A_413 : vector<16xf32>
        %div3A_503 = arith.constant 1.000000e+00 : f32
        %div3A_504 = vector.broadcast %div3A_503 : f32 to vector<16xf32>
        %div3A_505 = arith.divf %div3A_504, %add3A_502 : vector<16xf32>
        %add3A_506 = arith.constant 1.000000e+00 : f32
        %add3A_507 = vector.broadcast %add3A_506 : f32 to vector<16xf32>
        %add3A_508 = arith.addf %add3A_507, %exp3A_417 : vector<16xf32>
        %div3A_509 = arith.constant 1.000000e+00 : f32
        %div3A_510 = vector.broadcast %div3A_509 : f32 to vector<16xf32>
        %div3A_511 = arith.divf %div3A_510, %add3A_508 : vector<16xf32>
        %add3A_512 = arith.constant 1.000000e+00 : f32
        %add3A_513 = vector.broadcast %add3A_512 : f32 to vector<16xf32>
        %add3A_514 = arith.addf %add3A_513, %exp3A_421 : vector<16xf32>
        %div3A_515 = arith.constant 1.000000e+00 : f32
        %div3A_516 = vector.broadcast %div3A_515 : f32 to vector<16xf32>
        %div3A_517 = arith.divf %div3A_516, %add3A_514 : vector<16xf32>
        %add3A_518 = arith.addf %div3A_427, %div3A_427 : vector<16xf32>
        %sub3A_519 = arith.constant 1.000000e+00 : f32
        %sub3A_520 = vector.broadcast %sub3A_519 : f32 to vector<16xf32>
        %sub3A_521 = arith.subf %add3A_518, %sub3A_520 : vector<16xf32>
        %add3A_522 = arith.addf %div3A_433, %div3A_433 : vector<16xf32>
        %sub3A_523 = arith.constant 1.000000e+00 : f32
        %sub3A_524 = vector.broadcast %sub3A_523 : f32 to vector<16xf32>
        %sub3A_525 = arith.subf %add3A_522, %sub3A_524 : vector<16xf32>
        %add3A_526 = arith.addf %div3A_439, %div3A_439 : vector<16xf32>
        %sub3A_527 = arith.constant 1.000000e+00 : f32
        %sub3A_528 = vector.broadcast %sub3A_527 : f32 to vector<16xf32>
        %sub3A_529 = arith.subf %add3A_526, %sub3A_528 : vector<16xf32>
        %add3A_530 = arith.addf %div3A_445, %div3A_445 : vector<16xf32>
        %sub3A_531 = arith.constant 1.000000e+00 : f32
        %sub3A_532 = vector.broadcast %sub3A_531 : f32 to vector<16xf32>
        %sub3A_533 = arith.subf %add3A_530, %sub3A_532 : vector<16xf32>
        %add3A_534 = arith.addf %div3A_451, %div3A_451 : vector<16xf32>
        %sub3A_535 = arith.constant 1.000000e+00 : f32
        %sub3A_536 = vector.broadcast %sub3A_535 : f32 to vector<16xf32>
        %sub3A_537 = arith.subf %add3A_534, %sub3A_536 : vector<16xf32>
        %add3A_538 = arith.addf %div3A_457, %div3A_457 : vector<16xf32>
        %sub3A_539 = arith.constant 1.000000e+00 : f32
        %sub3A_540 = vector.broadcast %sub3A_539 : f32 to vector<16xf32>
        %sub3A_541 = arith.subf %add3A_538, %sub3A_540 : vector<16xf32>
        %add3A_542 = arith.addf %div3A_463, %div3A_463 : vector<16xf32>
        %sub3A_543 = arith.constant 1.000000e+00 : f32
        %sub3A_544 = vector.broadcast %sub3A_543 : f32 to vector<16xf32>
        %sub3A_545 = arith.subf %add3A_542, %sub3A_544 : vector<16xf32>
        %add3A_546 = arith.addf %div3A_469, %div3A_469 : vector<16xf32>
        %sub3A_547 = arith.constant 1.000000e+00 : f32
        %sub3A_548 = vector.broadcast %sub3A_547 : f32 to vector<16xf32>
        %sub3A_549 = arith.subf %add3A_546, %sub3A_548 : vector<16xf32>
        %add3A_550 = arith.addf %div3A_475, %div3A_475 : vector<16xf32>
        %sub3A_551 = arith.constant 1.000000e+00 : f32
        %sub3A_552 = vector.broadcast %sub3A_551 : f32 to vector<16xf32>
        %sub3A_553 = arith.subf %add3A_550, %sub3A_552 : vector<16xf32>
        %add3A_554 = arith.addf %div3A_481, %div3A_481 : vector<16xf32>
        %sub3A_555 = arith.constant 1.000000e+00 : f32
        %sub3A_556 = vector.broadcast %sub3A_555 : f32 to vector<16xf32>
        %sub3A_557 = arith.subf %add3A_554, %sub3A_556 : vector<16xf32>
        %add3A_558 = arith.addf %div3A_487, %div3A_487 : vector<16xf32>
        %sub3A_559 = arith.constant 1.000000e+00 : f32
        %sub3A_560 = vector.broadcast %sub3A_559 : f32 to vector<16xf32>
        %sub3A_561 = arith.subf %add3A_558, %sub3A_560 : vector<16xf32>
        %add3A_562 = arith.addf %div3A_493, %div3A_493 : vector<16xf32>
        %sub3A_563 = arith.constant 1.000000e+00 : f32
        %sub3A_564 = vector.broadcast %sub3A_563 : f32 to vector<16xf32>
        %sub3A_565 = arith.subf %add3A_562, %sub3A_564 : vector<16xf32>
        %add3A_566 = arith.addf %div3A_499, %div3A_499 : vector<16xf32>
        %sub3A_567 = arith.constant 1.000000e+00 : f32
        %sub3A_568 = vector.broadcast %sub3A_567 : f32 to vector<16xf32>
        %sub3A_569 = arith.subf %add3A_566, %sub3A_568 : vector<16xf32>
        %add3A_570 = arith.addf %div3A_505, %div3A_505 : vector<16xf32>
        %sub3A_571 = arith.constant 1.000000e+00 : f32
        %sub3A_572 = vector.broadcast %sub3A_571 : f32 to vector<16xf32>
        %sub3A_573 = arith.subf %add3A_570, %sub3A_572 : vector<16xf32>
        %add3A_574 = arith.addf %div3A_511, %div3A_511 : vector<16xf32>
        %sub3A_575 = arith.constant 1.000000e+00 : f32
        %sub3A_576 = vector.broadcast %sub3A_575 : f32 to vector<16xf32>
        %sub3A_577 = arith.subf %add3A_574, %sub3A_576 : vector<16xf32>
        %add3A_578 = arith.addf %div3A_517, %div3A_517 : vector<16xf32>
        %sub3A_579 = arith.constant 1.000000e+00 : f32
        %sub3A_580 = vector.broadcast %sub3A_579 : f32 to vector<16xf32>
        %sub3A_581 = arith.subf %add3A_578, %sub3A_580 : vector<16xf32>
        %abs3A = math.absf %sub3A_521 : vector<16xf32>
        %min3A = vector.broadcast %scan3A_73 : f32 to vector<16xf32>
        %min3A_582 = arith.minimumf %abs3A, %min3A : vector<16xf32>
        %abs3A_583 = math.absf %sub3A_525 : vector<16xf32>
        %min3A_584 = vector.broadcast %scan3A_73 : f32 to vector<16xf32>
        %min3A_585 = arith.minimumf %abs3A_583, %min3A_584 : vector<16xf32>
        %abs3A_586 = math.absf %sub3A_529 : vector<16xf32>
        %min3A_587 = vector.broadcast %scan3A_73 : f32 to vector<16xf32>
        %min3A_588 = arith.minimumf %abs3A_586, %min3A_587 : vector<16xf32>
        %abs3A_589 = math.absf %sub3A_533 : vector<16xf32>
        %min3A_590 = vector.broadcast %scan3A_73 : f32 to vector<16xf32>
        %min3A_591 = arith.minimumf %abs3A_589, %min3A_590 : vector<16xf32>
        %abs3A_592 = math.absf %sub3A_537 : vector<16xf32>
        %min3A_593 = vector.broadcast %scan3A_73 : f32 to vector<16xf32>
        %min3A_594 = arith.minimumf %abs3A_592, %min3A_593 : vector<16xf32>
        %abs3A_595 = math.absf %sub3A_541 : vector<16xf32>
        %min3A_596 = vector.broadcast %scan3A_73 : f32 to vector<16xf32>
        %min3A_597 = arith.minimumf %abs3A_595, %min3A_596 : vector<16xf32>
        %abs3A_598 = math.absf %sub3A_545 : vector<16xf32>
        %min3A_599 = vector.broadcast %scan3A_73 : f32 to vector<16xf32>
        %min3A_600 = arith.minimumf %abs3A_598, %min3A_599 : vector<16xf32>
        %abs3A_601 = math.absf %sub3A_549 : vector<16xf32>
        %min3A_602 = vector.broadcast %scan3A_73 : f32 to vector<16xf32>
        %min3A_603 = arith.minimumf %abs3A_601, %min3A_602 : vector<16xf32>
        %abs3A_604 = math.absf %sub3A_553 : vector<16xf32>
        %min3A_605 = vector.broadcast %scan3A_73 : f32 to vector<16xf32>
        %min3A_606 = arith.minimumf %abs3A_604, %min3A_605 : vector<16xf32>
        %abs3A_607 = math.absf %sub3A_557 : vector<16xf32>
        %min3A_608 = vector.broadcast %scan3A_73 : f32 to vector<16xf32>
        %min3A_609 = arith.minimumf %abs3A_607, %min3A_608 : vector<16xf32>
        %abs3A_610 = math.absf %sub3A_561 : vector<16xf32>
        %min3A_611 = vector.broadcast %scan3A_73 : f32 to vector<16xf32>
        %min3A_612 = arith.minimumf %abs3A_610, %min3A_611 : vector<16xf32>
        %abs3A_613 = math.absf %sub3A_565 : vector<16xf32>
        %min3A_614 = vector.broadcast %scan3A_73 : f32 to vector<16xf32>
        %min3A_615 = arith.minimumf %abs3A_613, %min3A_614 : vector<16xf32>
        %abs3A_616 = math.absf %sub3A_569 : vector<16xf32>
        %min3A_617 = vector.broadcast %scan3A_73 : f32 to vector<16xf32>
        %min3A_618 = arith.minimumf %abs3A_616, %min3A_617 : vector<16xf32>
        %abs3A_619 = math.absf %sub3A_573 : vector<16xf32>
        %min3A_620 = vector.broadcast %scan3A_73 : f32 to vector<16xf32>
        %min3A_621 = arith.minimumf %abs3A_619, %min3A_620 : vector<16xf32>
        %abs3A_622 = math.absf %sub3A_577 : vector<16xf32>
        %min3A_623 = vector.broadcast %scan3A_73 : f32 to vector<16xf32>
        %min3A_624 = arith.minimumf %abs3A_622, %min3A_623 : vector<16xf32>
        %abs3A_625 = math.absf %sub3A_581 : vector<16xf32>
        %min3A_626 = vector.broadcast %scan3A_73 : f32 to vector<16xf32>
        %min3A_627 = arith.minimumf %abs3A_625, %min3A_626 : vector<16xf32>
        %mul3A_628 = arith.constant 1.024000e+03 : f32
        %mul3A_629 = vector.broadcast %mul3A_628 : f32 to vector<16xf32>
        %mul3A_630 = arith.mulf %div3A_427, %mul3A_629 : vector<16xf32>
        %convert_element_type3A_631 = arith.fptosi %mul3A_630 : vector<16xf32> to vector<16xi32>
        %mul3A_632 = arith.constant 1.024000e+03 : f32
        %mul3A_633 = vector.broadcast %mul3A_632 : f32 to vector<16xf32>
        %mul3A_634 = arith.mulf %div3A_433, %mul3A_633 : vector<16xf32>
        %convert_element_type3A_635 = arith.fptosi %mul3A_634 : vector<16xf32> to vector<16xi32>
        %mul3A_636 = arith.constant 1.024000e+03 : f32
        %mul3A_637 = vector.broadcast %mul3A_636 : f32 to vector<16xf32>
        %mul3A_638 = arith.mulf %div3A_439, %mul3A_637 : vector<16xf32>
        %convert_element_type3A_639 = arith.fptosi %mul3A_638 : vector<16xf32> to vector<16xi32>
        %mul3A_640 = arith.constant 1.024000e+03 : f32
        %mul3A_641 = vector.broadcast %mul3A_640 : f32 to vector<16xf32>
        %mul3A_642 = arith.mulf %div3A_445, %mul3A_641 : vector<16xf32>
        %convert_element_type3A_643 = arith.fptosi %mul3A_642 : vector<16xf32> to vector<16xi32>
        %mul3A_644 = arith.constant 1.024000e+03 : f32
        %mul3A_645 = vector.broadcast %mul3A_644 : f32 to vector<16xf32>
        %mul3A_646 = arith.mulf %div3A_451, %mul3A_645 : vector<16xf32>
        %convert_element_type3A_647 = arith.fptosi %mul3A_646 : vector<16xf32> to vector<16xi32>
        %mul3A_648 = arith.constant 1.024000e+03 : f32
        %mul3A_649 = vector.broadcast %mul3A_648 : f32 to vector<16xf32>
        %mul3A_650 = arith.mulf %div3A_457, %mul3A_649 : vector<16xf32>
        %convert_element_type3A_651 = arith.fptosi %mul3A_650 : vector<16xf32> to vector<16xi32>
        %mul3A_652 = arith.constant 1.024000e+03 : f32
        %mul3A_653 = vector.broadcast %mul3A_652 : f32 to vector<16xf32>
        %mul3A_654 = arith.mulf %div3A_463, %mul3A_653 : vector<16xf32>
        %convert_element_type3A_655 = arith.fptosi %mul3A_654 : vector<16xf32> to vector<16xi32>
        %mul3A_656 = arith.constant 1.024000e+03 : f32
        %mul3A_657 = vector.broadcast %mul3A_656 : f32 to vector<16xf32>
        %mul3A_658 = arith.mulf %div3A_469, %mul3A_657 : vector<16xf32>
        %convert_element_type3A_659 = arith.fptosi %mul3A_658 : vector<16xf32> to vector<16xi32>
        %mul3A_660 = arith.constant 1.024000e+03 : f32
        %mul3A_661 = vector.broadcast %mul3A_660 : f32 to vector<16xf32>
        %mul3A_662 = arith.mulf %div3A_475, %mul3A_661 : vector<16xf32>
        %convert_element_type3A_663 = arith.fptosi %mul3A_662 : vector<16xf32> to vector<16xi32>
        %mul3A_664 = arith.constant 1.024000e+03 : f32
        %mul3A_665 = vector.broadcast %mul3A_664 : f32 to vector<16xf32>
        %mul3A_666 = arith.mulf %div3A_481, %mul3A_665 : vector<16xf32>
        %convert_element_type3A_667 = arith.fptosi %mul3A_666 : vector<16xf32> to vector<16xi32>
        %mul3A_668 = arith.constant 1.024000e+03 : f32
        %mul3A_669 = vector.broadcast %mul3A_668 : f32 to vector<16xf32>
        %mul3A_670 = arith.mulf %div3A_487, %mul3A_669 : vector<16xf32>
        %convert_element_type3A_671 = arith.fptosi %mul3A_670 : vector<16xf32> to vector<16xi32>
        %mul3A_672 = arith.constant 1.024000e+03 : f32
        %mul3A_673 = vector.broadcast %mul3A_672 : f32 to vector<16xf32>
        %mul3A_674 = arith.mulf %div3A_493, %mul3A_673 : vector<16xf32>
        %convert_element_type3A_675 = arith.fptosi %mul3A_674 : vector<16xf32> to vector<16xi32>
        %mul3A_676 = arith.constant 1.024000e+03 : f32
        %mul3A_677 = vector.broadcast %mul3A_676 : f32 to vector<16xf32>
        %mul3A_678 = arith.mulf %div3A_499, %mul3A_677 : vector<16xf32>
        %convert_element_type3A_679 = arith.fptosi %mul3A_678 : vector<16xf32> to vector<16xi32>
        %mul3A_680 = arith.constant 1.024000e+03 : f32
        %mul3A_681 = vector.broadcast %mul3A_680 : f32 to vector<16xf32>
        %mul3A_682 = arith.mulf %div3A_505, %mul3A_681 : vector<16xf32>
        %convert_element_type3A_683 = arith.fptosi %mul3A_682 : vector<16xf32> to vector<16xi32>
        %mul3A_684 = arith.constant 1.024000e+03 : f32
        %mul3A_685 = vector.broadcast %mul3A_684 : f32 to vector<16xf32>
        %mul3A_686 = arith.mulf %div3A_511, %mul3A_685 : vector<16xf32>
        %convert_element_type3A_687 = arith.fptosi %mul3A_686 : vector<16xf32> to vector<16xi32>
        %mul3A_688 = arith.constant 1.024000e+03 : f32
        %mul3A_689 = vector.broadcast %mul3A_688 : f32 to vector<16xf32>
        %mul3A_690 = arith.mulf %div3A_517, %mul3A_689 : vector<16xf32>
        %convert_element_type3A_691 = arith.fptosi %mul3A_690 : vector<16xf32> to vector<16xi32>
        %min3A_692 = arith.constant 1023 : i32
        %min3A_693 = vector.broadcast %min3A_692 : i32 to vector<16xi32>
        %min3A_694 = arith.minsi %convert_element_type3A_631, %min3A_693 : vector<16xi32>
        %min3A_695 = arith.constant 1023 : i32
        %min3A_696 = vector.broadcast %min3A_695 : i32 to vector<16xi32>
        %min3A_697 = arith.minsi %convert_element_type3A_635, %min3A_696 : vector<16xi32>
        %min3A_698 = arith.constant 1023 : i32
        %min3A_699 = vector.broadcast %min3A_698 : i32 to vector<16xi32>
        %min3A_700 = arith.minsi %convert_element_type3A_639, %min3A_699 : vector<16xi32>
        %min3A_701 = arith.constant 1023 : i32
        %min3A_702 = vector.broadcast %min3A_701 : i32 to vector<16xi32>
        %min3A_703 = arith.minsi %convert_element_type3A_643, %min3A_702 : vector<16xi32>
        %min3A_704 = arith.constant 1023 : i32
        %min3A_705 = vector.broadcast %min3A_704 : i32 to vector<16xi32>
        %min3A_706 = arith.minsi %convert_element_type3A_647, %min3A_705 : vector<16xi32>
        %min3A_707 = arith.constant 1023 : i32
        %min3A_708 = vector.broadcast %min3A_707 : i32 to vector<16xi32>
        %min3A_709 = arith.minsi %convert_element_type3A_651, %min3A_708 : vector<16xi32>
        %min3A_710 = arith.constant 1023 : i32
        %min3A_711 = vector.broadcast %min3A_710 : i32 to vector<16xi32>
        %min3A_712 = arith.minsi %convert_element_type3A_655, %min3A_711 : vector<16xi32>
        %min3A_713 = arith.constant 1023 : i32
        %min3A_714 = vector.broadcast %min3A_713 : i32 to vector<16xi32>
        %min3A_715 = arith.minsi %convert_element_type3A_659, %min3A_714 : vector<16xi32>
        %min3A_716 = arith.constant 1023 : i32
        %min3A_717 = vector.broadcast %min3A_716 : i32 to vector<16xi32>
        %min3A_718 = arith.minsi %convert_element_type3A_663, %min3A_717 : vector<16xi32>
        %min3A_719 = arith.constant 1023 : i32
        %min3A_720 = vector.broadcast %min3A_719 : i32 to vector<16xi32>
        %min3A_721 = arith.minsi %convert_element_type3A_667, %min3A_720 : vector<16xi32>
        %min3A_722 = arith.constant 1023 : i32
        %min3A_723 = vector.broadcast %min3A_722 : i32 to vector<16xi32>
        %min3A_724 = arith.minsi %convert_element_type3A_671, %min3A_723 : vector<16xi32>
        %min3A_725 = arith.constant 1023 : i32
        %min3A_726 = vector.broadcast %min3A_725 : i32 to vector<16xi32>
        %min3A_727 = arith.minsi %convert_element_type3A_675, %min3A_726 : vector<16xi32>
        %min3A_728 = arith.constant 1023 : i32
        %min3A_729 = vector.broadcast %min3A_728 : i32 to vector<16xi32>
        %min3A_730 = arith.minsi %convert_element_type3A_679, %min3A_729 : vector<16xi32>
        %min3A_731 = arith.constant 1023 : i32
        %min3A_732 = vector.broadcast %min3A_731 : i32 to vector<16xi32>
        %min3A_733 = arith.minsi %convert_element_type3A_683, %min3A_732 : vector<16xi32>
        %min3A_734 = arith.constant 1023 : i32
        %min3A_735 = vector.broadcast %min3A_734 : i32 to vector<16xi32>
        %min3A_736 = arith.minsi %convert_element_type3A_687, %min3A_735 : vector<16xi32>
        %min3A_737 = arith.constant 1023 : i32
        %min3A_738 = vector.broadcast %min3A_737 : i32 to vector<16xi32>
        %min3A_739 = arith.minsi %convert_element_type3A_691, %min3A_738 : vector<16xi32>
        %shift_left3A = arith.constant 14 : i32
        %shift_left3A_740 = vector.broadcast %shift_left3A : i32 to vector<16xi32>
        %shift_left3A_741 = arith.shli %get3A_284, %shift_left3A_740 : vector<16xi32>
        %or3A = arith.ori %shift_left3A_741, %mul3A_33 : vector<16xi32>
        %or3A_742 = arith.ori %or3A, %min3A_694 : vector<16xi32>
        %shift_left3A_743 = arith.constant 14 : i32
        %shift_left3A_744 = vector.broadcast %shift_left3A_743 : i32 to vector<16xi32>
        %shift_left3A_745 = arith.shli %get3A_289, %shift_left3A_744 : vector<16xi32>
        %or3A_746 = arith.ori %shift_left3A_745, %mul3A_33 : vector<16xi32>
        %or3A_747 = arith.ori %or3A_746, %min3A_697 : vector<16xi32>
        %shift_left3A_748 = arith.constant 14 : i32
        %shift_left3A_749 = vector.broadcast %shift_left3A_748 : i32 to vector<16xi32>
        %shift_left3A_750 = arith.shli %get3A_294, %shift_left3A_749 : vector<16xi32>
        %or3A_751 = arith.ori %shift_left3A_750, %mul3A_33 : vector<16xi32>
        %or3A_752 = arith.ori %or3A_751, %min3A_700 : vector<16xi32>
        %shift_left3A_753 = arith.constant 14 : i32
        %shift_left3A_754 = vector.broadcast %shift_left3A_753 : i32 to vector<16xi32>
        %shift_left3A_755 = arith.shli %get3A_299, %shift_left3A_754 : vector<16xi32>
        %or3A_756 = arith.ori %shift_left3A_755, %mul3A_33 : vector<16xi32>
        %or3A_757 = arith.ori %or3A_756, %min3A_703 : vector<16xi32>
        %shift_left3A_758 = arith.constant 14 : i32
        %shift_left3A_759 = vector.broadcast %shift_left3A_758 : i32 to vector<16xi32>
        %shift_left3A_760 = arith.shli %get3A_304, %shift_left3A_759 : vector<16xi32>
        %or3A_761 = arith.ori %shift_left3A_760, %mul3A_33 : vector<16xi32>
        %or3A_762 = arith.ori %or3A_761, %min3A_706 : vector<16xi32>
        %shift_left3A_763 = arith.constant 14 : i32
        %shift_left3A_764 = vector.broadcast %shift_left3A_763 : i32 to vector<16xi32>
        %shift_left3A_765 = arith.shli %get3A_309, %shift_left3A_764 : vector<16xi32>
        %or3A_766 = arith.ori %shift_left3A_765, %mul3A_33 : vector<16xi32>
        %or3A_767 = arith.ori %or3A_766, %min3A_709 : vector<16xi32>
        %shift_left3A_768 = arith.constant 14 : i32
        %shift_left3A_769 = vector.broadcast %shift_left3A_768 : i32 to vector<16xi32>
        %shift_left3A_770 = arith.shli %get3A_314, %shift_left3A_769 : vector<16xi32>
        %or3A_771 = arith.ori %shift_left3A_770, %mul3A_33 : vector<16xi32>
        %or3A_772 = arith.ori %or3A_771, %min3A_712 : vector<16xi32>
        %shift_left3A_773 = arith.constant 14 : i32
        %shift_left3A_774 = vector.broadcast %shift_left3A_773 : i32 to vector<16xi32>
        %shift_left3A_775 = arith.shli %get3A_319, %shift_left3A_774 : vector<16xi32>
        %or3A_776 = arith.ori %shift_left3A_775, %mul3A_33 : vector<16xi32>
        %or3A_777 = arith.ori %or3A_776, %min3A_715 : vector<16xi32>
        %shift_left3A_778 = arith.constant 14 : i32
        %shift_left3A_779 = vector.broadcast %shift_left3A_778 : i32 to vector<16xi32>
        %shift_left3A_780 = arith.shli %get3A_324, %shift_left3A_779 : vector<16xi32>
        %or3A_781 = arith.ori %shift_left3A_780, %mul3A_33 : vector<16xi32>
        %or3A_782 = arith.ori %or3A_781, %min3A_718 : vector<16xi32>
        %shift_left3A_783 = arith.constant 14 : i32
        %shift_left3A_784 = vector.broadcast %shift_left3A_783 : i32 to vector<16xi32>
        %shift_left3A_785 = arith.shli %get3A_329, %shift_left3A_784 : vector<16xi32>
        %or3A_786 = arith.ori %shift_left3A_785, %mul3A_33 : vector<16xi32>
        %or3A_787 = arith.ori %or3A_786, %min3A_721 : vector<16xi32>
        %shift_left3A_788 = arith.constant 14 : i32
        %shift_left3A_789 = vector.broadcast %shift_left3A_788 : i32 to vector<16xi32>
        %shift_left3A_790 = arith.shli %get3A_334, %shift_left3A_789 : vector<16xi32>
        %or3A_791 = arith.ori %shift_left3A_790, %mul3A_33 : vector<16xi32>
        %or3A_792 = arith.ori %or3A_791, %min3A_724 : vector<16xi32>
        %shift_left3A_793 = arith.constant 14 : i32
        %shift_left3A_794 = vector.broadcast %shift_left3A_793 : i32 to vector<16xi32>
        %shift_left3A_795 = arith.shli %get3A_339, %shift_left3A_794 : vector<16xi32>
        %or3A_796 = arith.ori %shift_left3A_795, %mul3A_33 : vector<16xi32>
        %or3A_797 = arith.ori %or3A_796, %min3A_727 : vector<16xi32>
        %shift_left3A_798 = arith.constant 14 : i32
        %shift_left3A_799 = vector.broadcast %shift_left3A_798 : i32 to vector<16xi32>
        %shift_left3A_800 = arith.shli %get3A_344, %shift_left3A_799 : vector<16xi32>
        %or3A_801 = arith.ori %shift_left3A_800, %mul3A_33 : vector<16xi32>
        %or3A_802 = arith.ori %or3A_801, %min3A_730 : vector<16xi32>
        %shift_left3A_803 = arith.constant 14 : i32
        %shift_left3A_804 = vector.broadcast %shift_left3A_803 : i32 to vector<16xi32>
        %shift_left3A_805 = arith.shli %get3A_349, %shift_left3A_804 : vector<16xi32>
        %or3A_806 = arith.ori %shift_left3A_805, %mul3A_33 : vector<16xi32>
        %or3A_807 = arith.ori %or3A_806, %min3A_733 : vector<16xi32>
        %shift_left3A_808 = arith.constant 14 : i32
        %shift_left3A_809 = vector.broadcast %shift_left3A_808 : i32 to vector<16xi32>
        %shift_left3A_810 = arith.shli %get3A_354, %shift_left3A_809 : vector<16xi32>
        %or3A_811 = arith.ori %shift_left3A_810, %mul3A_33 : vector<16xi32>
        %or3A_812 = arith.ori %or3A_811, %min3A_736 : vector<16xi32>
        %shift_left3A_813 = arith.constant 14 : i32
        %shift_left3A_814 = vector.broadcast %shift_left3A_813 : i32 to vector<16xi32>
        %shift_left3A_815 = arith.shli %get3A_359, %shift_left3A_814 : vector<16xi32>
        %or3A_816 = arith.ori %shift_left3A_815, %mul3A_33 : vector<16xi32>
        %or3A_817 = arith.ori %or3A_816, %min3A_739 : vector<16xi32>
        %add3A_818 = arith.constant 2.048000e+03 : f32
        %add3A_819 = vector.broadcast %add3A_818 : f32 to vector<16xf32>
        %add3A_820 = arith.addf %min3A_582, %add3A_819 : vector<16xf32>
        tpu.vector_store_idx %arg9[%or3A_742], %add3A_820 {add = true} : memref<32768xf32, #tpu.memory_space<vmem>>[vector<16xi32>], vector<16xf32>,
        %add3A_821 = arith.constant 2.048000e+03 : f32
        %add3A_822 = vector.broadcast %add3A_821 : f32 to vector<16xf32>
        %add3A_823 = arith.addf %min3A_585, %add3A_822 : vector<16xf32>
        tpu.vector_store_idx %arg9[%or3A_747], %add3A_823 {add = true} : memref<32768xf32, #tpu.memory_space<vmem>>[vector<16xi32>], vector<16xf32>,
        %add3A_824 = arith.constant 2.048000e+03 : f32
        %add3A_825 = vector.broadcast %add3A_824 : f32 to vector<16xf32>
        %add3A_826 = arith.addf %min3A_588, %add3A_825 : vector<16xf32>
        tpu.vector_store_idx %arg9[%or3A_752], %add3A_826 {add = true} : memref<32768xf32, #tpu.memory_space<vmem>>[vector<16xi32>], vector<16xf32>,
        %add3A_827 = arith.constant 2.048000e+03 : f32
        %add3A_828 = vector.broadcast %add3A_827 : f32 to vector<16xf32>
        %add3A_829 = arith.addf %min3A_591, %add3A_828 : vector<16xf32>
        tpu.vector_store_idx %arg9[%or3A_757], %add3A_829 {add = true} : memref<32768xf32, #tpu.memory_space<vmem>>[vector<16xi32>], vector<16xf32>,
        %add3A_830 = arith.constant 2.048000e+03 : f32
        %add3A_831 = vector.broadcast %add3A_830 : f32 to vector<16xf32>
        %add3A_832 = arith.addf %min3A_594, %add3A_831 : vector<16xf32>
        tpu.vector_store_idx %arg9[%or3A_762], %add3A_832 {add = true} : memref<32768xf32, #tpu.memory_space<vmem>>[vector<16xi32>], vector<16xf32>,
        %add3A_833 = arith.constant 2.048000e+03 : f32
        %add3A_834 = vector.broadcast %add3A_833 : f32 to vector<16xf32>
        %add3A_835 = arith.addf %min3A_597, %add3A_834 : vector<16xf32>
        tpu.vector_store_idx %arg9[%or3A_767], %add3A_835 {add = true} : memref<32768xf32, #tpu.memory_space<vmem>>[vector<16xi32>], vector<16xf32>,
        %add3A_836 = arith.constant 2.048000e+03 : f32
        %add3A_837 = vector.broadcast %add3A_836 : f32 to vector<16xf32>
        %add3A_838 = arith.addf %min3A_600, %add3A_837 : vector<16xf32>
        tpu.vector_store_idx %arg9[%or3A_772], %add3A_838 {add = true} : memref<32768xf32, #tpu.memory_space<vmem>>[vector<16xi32>], vector<16xf32>,
        %add3A_839 = arith.constant 2.048000e+03 : f32
        %add3A_840 = vector.broadcast %add3A_839 : f32 to vector<16xf32>
        %add3A_841 = arith.addf %min3A_603, %add3A_840 : vector<16xf32>
        tpu.vector_store_idx %arg9[%or3A_777], %add3A_841 {add = true} : memref<32768xf32, #tpu.memory_space<vmem>>[vector<16xi32>], vector<16xf32>,
        %add3A_842 = arith.constant 2.048000e+03 : f32
        %add3A_843 = vector.broadcast %add3A_842 : f32 to vector<16xf32>
        %add3A_844 = arith.addf %min3A_606, %add3A_843 : vector<16xf32>
        tpu.vector_store_idx %arg9[%or3A_782], %add3A_844 {add = true} : memref<32768xf32, #tpu.memory_space<vmem>>[vector<16xi32>], vector<16xf32>,
        %add3A_845 = arith.constant 2.048000e+03 : f32
        %add3A_846 = vector.broadcast %add3A_845 : f32 to vector<16xf32>
        %add3A_847 = arith.addf %min3A_609, %add3A_846 : vector<16xf32>
        tpu.vector_store_idx %arg9[%or3A_787], %add3A_847 {add = true} : memref<32768xf32, #tpu.memory_space<vmem>>[vector<16xi32>], vector<16xf32>,
        %add3A_848 = arith.constant 2.048000e+03 : f32
        %add3A_849 = vector.broadcast %add3A_848 : f32 to vector<16xf32>
        %add3A_850 = arith.addf %min3A_612, %add3A_849 : vector<16xf32>
        tpu.vector_store_idx %arg9[%or3A_792], %add3A_850 {add = true} : memref<32768xf32, #tpu.memory_space<vmem>>[vector<16xi32>], vector<16xf32>,
        %add3A_851 = arith.constant 2.048000e+03 : f32
        %add3A_852 = vector.broadcast %add3A_851 : f32 to vector<16xf32>
        %add3A_853 = arith.addf %min3A_615, %add3A_852 : vector<16xf32>
        tpu.vector_store_idx %arg9[%or3A_797], %add3A_853 {add = true} : memref<32768xf32, #tpu.memory_space<vmem>>[vector<16xi32>], vector<16xf32>,
        %add3A_854 = arith.constant 2.048000e+03 : f32
        %add3A_855 = vector.broadcast %add3A_854 : f32 to vector<16xf32>
        %add3A_856 = arith.addf %min3A_618, %add3A_855 : vector<16xf32>
        tpu.vector_store_idx %arg9[%or3A_802], %add3A_856 {add = true} : memref<32768xf32, #tpu.memory_space<vmem>>[vector<16xi32>], vector<16xf32>,
        %add3A_857 = arith.constant 2.048000e+03 : f32
        %add3A_858 = vector.broadcast %add3A_857 : f32 to vector<16xf32>
        %add3A_859 = arith.addf %min3A_621, %add3A_858 : vector<16xf32>
        tpu.vector_store_idx %arg9[%or3A_807], %add3A_859 {add = true} : memref<32768xf32, #tpu.memory_space<vmem>>[vector<16xi32>], vector<16xf32>,
        %add3A_860 = arith.constant 2.048000e+03 : f32
        %add3A_861 = vector.broadcast %add3A_860 : f32 to vector<16xf32>
        %add3A_862 = arith.addf %min3A_624, %add3A_861 : vector<16xf32>
        tpu.vector_store_idx %arg9[%or3A_812], %add3A_862 {add = true} : memref<32768xf32, #tpu.memory_space<vmem>>[vector<16xi32>], vector<16xf32>,
        %add3A_863 = arith.constant 2.048000e+03 : f32
        %add3A_864 = vector.broadcast %add3A_863 : f32 to vector<16xf32>
        %add3A_865 = arith.addf %min3A_627, %add3A_864 : vector<16xf32>
        tpu.vector_store_idx %arg9[%or3A_817], %add3A_865 {add = true} : memref<32768xf32, #tpu.memory_space<vmem>>[vector<16xi32>], vector<16xf32>,
      }
      %scan3A_115 = arith.constant 32 : i32
      %add3A_116 = arith.constant 2 : i32
      %add3A_117 = arith.addi %add3A_92, %add3A_116 : i32
      %lt3A_118 = arith.constant 8 : i32
      %lt3A_119 = arith.cmpi slt, %add3A_117, %lt3A_118 : i32
      %convert_element_type3A_120 = arith.extui %lt3A_119 : i1 to i32
      %cond3A_121 = arith.constant 0 : i32
      %cond3A_122 = arith.cmpi ne, %convert_element_type3A_120, %cond3A_121 : i32
      scf.if %cond3A_122 {
        %add3A_158 = arith.constant 2 : i32
        %add3A_159 = arith.addi %add3A_92, %add3A_158 : i32
        %mul3A_160 = arith.constant 16 : i32
        %mul3A_161 = arith.muli %add3A_159, %mul3A_160 : i32
        %add3A_162 = arith.addi %mul3A_38, %mul3A_161 : i32
        %multiple_of3A_163 = tpu.assume_multiple %add3A_162, 16 : i32
        %dma_start3A_164 = arith.constant 0 : i32
        %dma_start3A_165 = tpu.memref_slice %arg2[%add3A, %multiple_of3A_163, %dma_start3A_164] : memref<8x512x512xf32, #tpu.memory_space<hbm>> -> memref<1x16x512xf32, #tpu.memory_space<hbm>>
        %dma_start3A_166 = tpu.memref_squeeze %dma_start3A_165 : memref<1x16x512xf32, #tpu.memory_space<hbm>> -> memref<16x512xf32, #tpu.memory_space<hbm>>
        %dma_start3A_167 = arith.constant 0 : i32
        %dma_start3A_168 = tpu.memref_slice %arg2[%add3A, %multiple_of3A_163, %dma_start3A_167] : memref<8x512x512xf32, #tpu.memory_space<hbm>> -> memref<1x16x512xf32, #tpu.memory_space<hbm>>
        %dma_start3A_169 = tpu.memref_squeeze %dma_start3A_168 : memref<1x16x512xf32, #tpu.memory_space<hbm>> -> memref<16x512xf32, #tpu.memory_space<hbm>>
        tpu.enqueue_dma source(%dma_start3A_169 : memref<16x512xf32, #tpu.memory_space<hbm>>) target(%arg5 : memref<16x512xf32, #tpu.memory_space<vmem>>) target_semaphore(%arg14 : memref<!tpu.dma_semaphore, #tpu.memory_space<semaphore_mem>>)
        %dma_start3A_170 = arith.constant 0 : i32
        %dma_start3A_171 = tpu.memref_slice %arg3[%add3A, %multiple_of3A_163, %dma_start3A_170] : memref<8x512x512xi32, #tpu.memory_space<hbm>> -> memref<1x16x512xi32, #tpu.memory_space<hbm>>
        %dma_start3A_172 = tpu.memref_squeeze %dma_start3A_171 : memref<1x16x512xi32, #tpu.memory_space<hbm>> -> memref<16x512xi32, #tpu.memory_space<hbm>>
        %dma_start3A_173 = arith.constant 0 : i32
        %dma_start3A_174 = tpu.memref_slice %arg3[%add3A, %multiple_of3A_163, %dma_start3A_173] : memref<8x512x512xi32, #tpu.memory_space<hbm>> -> memref<1x16x512xi32, #tpu.memory_space<hbm>>
        %dma_start3A_175 = tpu.memref_squeeze %dma_start3A_174 : memref<1x16x512xi32, #tpu.memory_space<hbm>> -> memref<16x512xi32, #tpu.memory_space<hbm>>
        tpu.enqueue_dma source(%dma_start3A_175 : memref<16x512xi32, #tpu.memory_space<hbm>>) target(%arg6 : memref<16x512xi32, #tpu.memory_space<vmem>>) target_semaphore(%arg15 : memref<!tpu.dma_semaphore, #tpu.memory_space<semaphore_mem>>)
      } else {
      }
      %mul3A_123 = arith.constant 2 : i32
      %mul3A_124 = arith.muli %scan3A_88, %mul3A_123 : i32
      %add3A_125 = arith.constant 1 : i32
      %add3A_126 = arith.addi %mul3A_124, %add3A_125 : i32
      %dma_wait3A_127 = arith.constant 0 : i32
      %dma_wait3A_128 = arith.constant 0 : i32
      %dma_wait3A_129 = arith.constant 0 : i32
      %dma_wait3A_130 = tpu.memref_slice %arg2[%dma_wait3A_127, %dma_wait3A_128, %dma_wait3A_129] : memref<8x512x512xf32, #tpu.memory_space<hbm>> -> memref<1x16x512xf32, #tpu.memory_space<hbm>>
      %dma_wait3A_131 = tpu.memref_squeeze %dma_wait3A_130 : memref<1x16x512xf32, #tpu.memory_space<hbm>> -> memref<16x512xf32, #tpu.memory_space<hbm>>
      %dma_wait3A_132 = arith.constant 0 : i32
      %dma_wait3A_133 = arith.constant 0 : i32
      %dma_wait3A_134 = tpu.memref_slice %arg2[%dma_wait3A_127, %dma_wait3A_132, %dma_wait3A_133] : memref<8x512x512xf32, #tpu.memory_space<hbm>> -> memref<1x16x512xf32, #tpu.memory_space<hbm>>
      %dma_wait3A_135 = tpu.memref_squeeze %dma_wait3A_134 : memref<1x16x512xf32, #tpu.memory_space<hbm>> -> memref<16x512xf32, #tpu.memory_space<hbm>>
      tpu.wait_dma2 semaphore(%arg16 : memref<!tpu.dma_semaphore, #tpu.memory_space<semaphore_mem>>) src(%dma_wait3A_135 : memref<16x512xf32, #tpu.memory_space<hbm>>) dst(%arg7 : memref<16x512xf32, #tpu.memory_space<vmem>>)
      %dma_wait3A_136 = arith.constant 0 : i32
      %dma_wait3A_137 = arith.constant 0 : i32
      %dma_wait3A_138 = arith.constant 0 : i32
      %dma_wait3A_139 = tpu.memref_slice %arg3[%dma_wait3A_136, %dma_wait3A_137, %dma_wait3A_138] : memref<8x512x512xi32, #tpu.memory_space<hbm>> -> memref<1x16x512xi32, #tpu.memory_space<hbm>>
      %dma_wait3A_140 = tpu.memref_squeeze %dma_wait3A_139 : memref<1x16x512xi32, #tpu.memory_space<hbm>> -> memref<16x512xi32, #tpu.memory_space<hbm>>
      %dma_wait3A_141 = arith.constant 0 : i32
      %dma_wait3A_142 = arith.constant 0 : i32
      %dma_wait3A_143 = tpu.memref_slice %arg3[%dma_wait3A_136, %dma_wait3A_141, %dma_wait3A_142] : memref<8x512x512xi32, #tpu.memory_space<hbm>> -> memref<1x16x512xi32, #tpu.memory_space<hbm>>
      %dma_wait3A_144 = tpu.memref_squeeze %dma_wait3A_143 : memref<1x16x512xi32, #tpu.memory_space<hbm>> -> memref<16x512xi32, #tpu.memory_space<hbm>>
      tpu.wait_dma2 semaphore(%arg17 : memref<!tpu.dma_semaphore, #tpu.memory_space<semaphore_mem>>) src(%dma_wait3A_144 : memref<16x512xi32, #tpu.memory_space<hbm>>) dst(%arg8 : memref<16x512xi32, #tpu.memory_space<vmem>>)
      %scan3A_145 = arith.constant 0 : i32
      %scan3A_146 = arith.constant 0 : i32
      %scan3A_147 = arith.constant 32 : i32
      %scan3A_148 = arith.addi %scan3A_146, %scan3A_147 : i32
      %scan3A_149 = arith.constant 1 : i32
      scf.for %scan3A_158 = %scan3A_146 to %scan3A_148 step %scan3A_149  : i32 {
        %jit3A_159 = arith.constant 2 : i32
        %div3A_160 = arith.divsi %scan3A_158, %jit3A_159 : i32
        %sign3A_161 = arith.constant 0 : i32
        %sign3A_162 = arith.cmpi sgt, %scan3A_158, %sign3A_161 : i32
        %sign3A_163 = arith.extui %sign3A_162 : i1 to i32
        %sign3A_164 = arith.constant 0 : i32
        %sign3A_165 = arith.cmpi slt, %scan3A_158, %sign3A_164 : i32
        %sign3A_166 = arith.extui %sign3A_165 : i1 to i32
        %sign3A_167 = arith.subi %sign3A_163, %sign3A_166 : i32
        %sign3A_168 = arith.constant 0 : i32
        %sign3A_169 = arith.cmpi sgt, %jit3A_159, %sign3A_168 : i32
        %sign3A_170 = arith.extui %sign3A_169 : i1 to i32
        %sign3A_171 = arith.constant 0 : i32
        %sign3A_172 = arith.cmpi slt, %jit3A_159, %sign3A_171 : i32
        %sign3A_173 = arith.extui %sign3A_172 : i1 to i32
        %sign3A_174 = arith.subi %sign3A_170, %sign3A_173 : i32
        %ne3A_175 = arith.cmpi ne, %sign3A_167, %sign3A_174 : i32
        %rem3A_176 = arith.remsi %scan3A_158, %jit3A_159 : i32
        %ne3A_177 = arith.constant 0 : i32
        %ne3A_178 = arith.cmpi ne, %rem3A_176, %ne3A_177 : i32
        %and3A_179 = arith.andi %ne3A_175, %ne3A_178 : i1
        %sub3A_180 = arith.constant 1 : i32
        %sub3A_181 = arith.subi %div3A_160, %sub3A_180 : i32
        %select_n3A_182 = arith.select %and3A_179, %sub3A_181, %div3A_160 : i32
        %jit3A_183 = arith.constant 2 : i32
        %eq3A_184 = arith.constant 0 : i32
        %eq3A_185 = arith.cmpi eq, %jit3A_183, %eq3A_184 : i32
        %jit3A_186 = arith.constant 1 : i32
        %select_n3A_187 = arith.select %eq3A_185, %jit3A_186, %jit3A_183 : i32
        %rem3A_188 = arith.remsi %scan3A_158, %select_n3A_187 : i32
        %ne3A_189 = arith.constant 0 : i32
        %ne3A_190 = arith.cmpi ne, %rem3A_188, %ne3A_189 : i32
        %lt3A_191 = arith.constant 0 : i32
        %lt3A_192 = arith.cmpi slt, %rem3A_188, %lt3A_191 : i32
        %lt3A_193 = arith.constant 0 : i32
        %lt3A_194 = arith.cmpi slt, %select_n3A_187, %lt3A_193 : i32
        %ne3A_195 = arith.xori %lt3A_192, %lt3A_194 : i1
        %and3A_196 = arith.andi %ne3A_195, %ne3A_190 : i1
        %add3A_197 = arith.addi %rem3A_188, %select_n3A_187 : i32
        %select_n3A_198 = arith.select %and3A_196, %add3A_197, %rem3A_188 : i32
        %mul3A_199 = arith.constant 256 : i32
        %mul3A_200 = arith.muli %select_n3A_198, %mul3A_199 : i32
        %add3A_201 = arith.constant 0 : i32
        %add3A_202 = arith.addi %mul3A_200, %add3A_201 : i32
        %get3A = arith.index_cast %select_n3A_182 : i32 to index
        %get3A_203 = arith.index_cast %add3A_202 : i32 to index
        %get3A_204 = tpu.vector_load %arg7[%get3A, %get3A_203] {strides = array<i32>} : memref<16x512xf32, #tpu.memory_space<vmem>>, vector<16xf32>,
        %add3A_205 = arith.constant 16 : i32
        %add3A_206 = arith.addi %mul3A_200, %add3A_205 : i32
        %get3A_207 = arith.index_cast %select_n3A_182 : i32 to index
        %get3A_208 = arith.index_cast %add3A_206 : i32 to index
        %get3A_209 = tpu.vector_load %arg7[%get3A_207, %get3A_208] {strides = array<i32>} : memref<16x512xf32, #tpu.memory_space<vmem>>, vector<16xf32>,
        %add3A_210 = arith.constant 32 : i32
        %add3A_211 = arith.addi %mul3A_200, %add3A_210 : i32
        %get3A_212 = arith.index_cast %select_n3A_182 : i32 to index
        %get3A_213 = arith.index_cast %add3A_211 : i32 to index
        %get3A_214 = tpu.vector_load %arg7[%get3A_212, %get3A_213] {strides = array<i32>} : memref<16x512xf32, #tpu.memory_space<vmem>>, vector<16xf32>,
        %add3A_215 = arith.constant 48 : i32
        %add3A_216 = arith.addi %mul3A_200, %add3A_215 : i32
        %get3A_217 = arith.index_cast %select_n3A_182 : i32 to index
        %get3A_218 = arith.index_cast %add3A_216 : i32 to index
        %get3A_219 = tpu.vector_load %arg7[%get3A_217, %get3A_218] {strides = array<i32>} : memref<16x512xf32, #tpu.memory_space<vmem>>, vector<16xf32>,
        %add3A_220 = arith.constant 64 : i32
        %add3A_221 = arith.addi %mul3A_200, %add3A_220 : i32
        %get3A_222 = arith.index_cast %select_n3A_182 : i32 to index
        %get3A_223 = arith.index_cast %add3A_221 : i32 to index
        %get3A_224 = tpu.vector_load %arg7[%get3A_222, %get3A_223] {strides = array<i32>} : memref<16x512xf32, #tpu.memory_space<vmem>>, vector<16xf32>,
        %add3A_225 = arith.constant 80 : i32
        %add3A_226 = arith.addi %mul3A_200, %add3A_225 : i32
        %get3A_227 = arith.index_cast %select_n3A_182 : i32 to index
        %get3A_228 = arith.index_cast %add3A_226 : i32 to index
        %get3A_229 = tpu.vector_load %arg7[%get3A_227, %get3A_228] {strides = array<i32>} : memref<16x512xf32, #tpu.memory_space<vmem>>, vector<16xf32>,
        %add3A_230 = arith.constant 96 : i32
        %add3A_231 = arith.addi %mul3A_200, %add3A_230 : i32
        %get3A_232 = arith.index_cast %select_n3A_182 : i32 to index
        %get3A_233 = arith.index_cast %add3A_231 : i32 to index
        %get3A_234 = tpu.vector_load %arg7[%get3A_232, %get3A_233] {strides = array<i32>} : memref<16x512xf32, #tpu.memory_space<vmem>>, vector<16xf32>,
        %add3A_235 = arith.constant 112 : i32
        %add3A_236 = arith.addi %mul3A_200, %add3A_235 : i32
        %get3A_237 = arith.index_cast %select_n3A_182 : i32 to index
        %get3A_238 = arith.index_cast %add3A_236 : i32 to index
        %get3A_239 = tpu.vector_load %arg7[%get3A_237, %get3A_238] {strides = array<i32>} : memref<16x512xf32, #tpu.memory_space<vmem>>, vector<16xf32>,
        %add3A_240 = arith.constant 128 : i32
        %add3A_241 = arith.addi %mul3A_200, %add3A_240 : i32
        %get3A_242 = arith.index_cast %select_n3A_182 : i32 to index
        %get3A_243 = arith.index_cast %add3A_241 : i32 to index
        %get3A_244 = tpu.vector_load %arg7[%get3A_242, %get3A_243] {strides = array<i32>} : memref<16x512xf32, #tpu.memory_space<vmem>>, vector<16xf32>,
        %add3A_245 = arith.constant 144 : i32
        %add3A_246 = arith.addi %mul3A_200, %add3A_245 : i32
        %get3A_247 = arith.index_cast %select_n3A_182 : i32 to index
        %get3A_248 = arith.index_cast %add3A_246 : i32 to index
        %get3A_249 = tpu.vector_load %arg7[%get3A_247, %get3A_248] {strides = array<i32>} : memref<16x512xf32, #tpu.memory_space<vmem>>, vector<16xf32>,
        %add3A_250 = arith.constant 160 : i32
        %add3A_251 = arith.addi %mul3A_200, %add3A_250 : i32
        %get3A_252 = arith.index_cast %select_n3A_182 : i32 to index
        %get3A_253 = arith.index_cast %add3A_251 : i32 to index
        %get3A_254 = tpu.vector_load %arg7[%get3A_252, %get3A_253] {strides = array<i32>} : memref<16x512xf32, #tpu.memory_space<vmem>>, vector<16xf32>,
        %add3A_255 = arith.constant 176 : i32
        %add3A_256 = arith.addi %mul3A_200, %add3A_255 : i32
        %get3A_257 = arith.index_cast %select_n3A_182 : i32 to index
        %get3A_258 = arith.index_cast %add3A_256 : i32 to index
        %get3A_259 = tpu.vector_load %arg7[%get3A_257, %get3A_258] {strides = array<i32>} : memref<16x512xf32, #tpu.memory_space<vmem>>, vector<16xf32>,
        %add3A_260 = arith.constant 192 : i32
        %add3A_261 = arith.addi %mul3A_200, %add3A_260 : i32
        %get3A_262 = arith.index_cast %select_n3A_182 : i32 to index
        %get3A_263 = arith.index_cast %add3A_261 : i32 to index
        %get3A_264 = tpu.vector_load %arg7[%get3A_262, %get3A_263] {strides = array<i32>} : memref<16x512xf32, #tpu.memory_space<vmem>>, vector<16xf32>,
        %add3A_265 = arith.constant 208 : i32
        %add3A_266 = arith.addi %mul3A_200, %add3A_265 : i32
        %get3A_267 = arith.index_cast %select_n3A_182 : i32 to index
        %get3A_268 = arith.index_cast %add3A_266 : i32 to index
        %get3A_269 = tpu.vector_load %arg7[%get3A_267, %get3A_268] {strides = array<i32>} : memref<16x512xf32, #tpu.memory_space<vmem>>, vector<16xf32>,
        %add3A_270 = arith.constant 224 : i32
        %add3A_271 = arith.addi %mul3A_200, %add3A_270 : i32
        %get3A_272 = arith.index_cast %select_n3A_182 : i32 to index
        %get3A_273 = arith.index_cast %add3A_271 : i32 to index
        %get3A_274 = tpu.vector_load %arg7[%get3A_272, %get3A_273] {strides = array<i32>} : memref<16x512xf32, #tpu.memory_space<vmem>>, vector<16xf32>,
        %add3A_275 = arith.constant 240 : i32
        %add3A_276 = arith.addi %mul3A_200, %add3A_275 : i32
        %get3A_277 = arith.index_cast %select_n3A_182 : i32 to index
        %get3A_278 = arith.index_cast %add3A_276 : i32 to index
        %get3A_279 = tpu.vector_load %arg7[%get3A_277, %get3A_278] {strides = array<i32>} : memref<16x512xf32, #tpu.memory_space<vmem>>, vector<16xf32>,
        %add3A_280 = arith.constant 0 : i32
        %add3A_281 = arith.addi %mul3A_200, %add3A_280 : i32
        %get3A_282 = arith.index_cast %select_n3A_182 : i32 to index
        %get3A_283 = arith.index_cast %add3A_281 : i32 to index
        %get3A_284 = tpu.vector_load %arg8[%get3A_282, %get3A_283] {strides = array<i32>} : memref<16x512xi32, #tpu.memory_space<vmem>>, vector<16xi32>,
        %add3A_285 = arith.constant 16 : i32
        %add3A_286 = arith.addi %mul3A_200, %add3A_285 : i32
        %get3A_287 = arith.index_cast %select_n3A_182 : i32 to index
        %get3A_288 = arith.index_cast %add3A_286 : i32 to index
        %get3A_289 = tpu.vector_load %arg8[%get3A_287, %get3A_288] {strides = array<i32>} : memref<16x512xi32, #tpu.memory_space<vmem>>, vector<16xi32>,
        %add3A_290 = arith.constant 32 : i32
        %add3A_291 = arith.addi %mul3A_200, %add3A_290 : i32
        %get3A_292 = arith.index_cast %select_n3A_182 : i32 to index
        %get3A_293 = arith.index_cast %add3A_291 : i32 to index
        %get3A_294 = tpu.vector_load %arg8[%get3A_292, %get3A_293] {strides = array<i32>} : memref<16x512xi32, #tpu.memory_space<vmem>>, vector<16xi32>,
        %add3A_295 = arith.constant 48 : i32
        %add3A_296 = arith.addi %mul3A_200, %add3A_295 : i32
        %get3A_297 = arith.index_cast %select_n3A_182 : i32 to index
        %get3A_298 = arith.index_cast %add3A_296 : i32 to index
        %get3A_299 = tpu.vector_load %arg8[%get3A_297, %get3A_298] {strides = array<i32>} : memref<16x512xi32, #tpu.memory_space<vmem>>, vector<16xi32>,
        %add3A_300 = arith.constant 64 : i32
        %add3A_301 = arith.addi %mul3A_200, %add3A_300 : i32
        %get3A_302 = arith.index_cast %select_n3A_182 : i32 to index
        %get3A_303 = arith.index_cast %add3A_301 : i32 to index
        %get3A_304 = tpu.vector_load %arg8[%get3A_302, %get3A_303] {strides = array<i32>} : memref<16x512xi32, #tpu.memory_space<vmem>>, vector<16xi32>,
        %add3A_305 = arith.constant 80 : i32
        %add3A_306 = arith.addi %mul3A_200, %add3A_305 : i32
        %get3A_307 = arith.index_cast %select_n3A_182 : i32 to index
        %get3A_308 = arith.index_cast %add3A_306 : i32 to index
        %get3A_309 = tpu.vector_load %arg8[%get3A_307, %get3A_308] {strides = array<i32>} : memref<16x512xi32, #tpu.memory_space<vmem>>, vector<16xi32>,
        %add3A_310 = arith.constant 96 : i32
        %add3A_311 = arith.addi %mul3A_200, %add3A_310 : i32
        %get3A_312 = arith.index_cast %select_n3A_182 : i32 to index
        %get3A_313 = arith.index_cast %add3A_311 : i32 to index
        %get3A_314 = tpu.vector_load %arg8[%get3A_312, %get3A_313] {strides = array<i32>} : memref<16x512xi32, #tpu.memory_space<vmem>>, vector<16xi32>,
        %add3A_315 = arith.constant 112 : i32
        %add3A_316 = arith.addi %mul3A_200, %add3A_315 : i32
        %get3A_317 = arith.index_cast %select_n3A_182 : i32 to index
        %get3A_318 = arith.index_cast %add3A_316 : i32 to index
        %get3A_319 = tpu.vector_load %arg8[%get3A_317, %get3A_318] {strides = array<i32>} : memref<16x512xi32, #tpu.memory_space<vmem>>, vector<16xi32>,
        %add3A_320 = arith.constant 128 : i32
        %add3A_321 = arith.addi %mul3A_200, %add3A_320 : i32
        %get3A_322 = arith.index_cast %select_n3A_182 : i32 to index
        %get3A_323 = arith.index_cast %add3A_321 : i32 to index
        %get3A_324 = tpu.vector_load %arg8[%get3A_322, %get3A_323] {strides = array<i32>} : memref<16x512xi32, #tpu.memory_space<vmem>>, vector<16xi32>,
        %add3A_325 = arith.constant 144 : i32
        %add3A_326 = arith.addi %mul3A_200, %add3A_325 : i32
        %get3A_327 = arith.index_cast %select_n3A_182 : i32 to index
        %get3A_328 = arith.index_cast %add3A_326 : i32 to index
        %get3A_329 = tpu.vector_load %arg8[%get3A_327, %get3A_328] {strides = array<i32>} : memref<16x512xi32, #tpu.memory_space<vmem>>, vector<16xi32>,
        %add3A_330 = arith.constant 160 : i32
        %add3A_331 = arith.addi %mul3A_200, %add3A_330 : i32
        %get3A_332 = arith.index_cast %select_n3A_182 : i32 to index
        %get3A_333 = arith.index_cast %add3A_331 : i32 to index
        %get3A_334 = tpu.vector_load %arg8[%get3A_332, %get3A_333] {strides = array<i32>} : memref<16x512xi32, #tpu.memory_space<vmem>>, vector<16xi32>,
        %add3A_335 = arith.constant 176 : i32
        %add3A_336 = arith.addi %mul3A_200, %add3A_335 : i32
        %get3A_337 = arith.index_cast %select_n3A_182 : i32 to index
        %get3A_338 = arith.index_cast %add3A_336 : i32 to index
        %get3A_339 = tpu.vector_load %arg8[%get3A_337, %get3A_338] {strides = array<i32>} : memref<16x512xi32, #tpu.memory_space<vmem>>, vector<16xi32>,
        %add3A_340 = arith.constant 192 : i32
        %add3A_341 = arith.addi %mul3A_200, %add3A_340 : i32
        %get3A_342 = arith.index_cast %select_n3A_182 : i32 to index
        %get3A_343 = arith.index_cast %add3A_341 : i32 to index
        %get3A_344 = tpu.vector_load %arg8[%get3A_342, %get3A_343] {strides = array<i32>} : memref<16x512xi32, #tpu.memory_space<vmem>>, vector<16xi32>,
        %add3A_345 = arith.constant 208 : i32
        %add3A_346 = arith.addi %mul3A_200, %add3A_345 : i32
        %get3A_347 = arith.index_cast %select_n3A_182 : i32 to index
        %get3A_348 = arith.index_cast %add3A_346 : i32 to index
        %get3A_349 = tpu.vector_load %arg8[%get3A_347, %get3A_348] {strides = array<i32>} : memref<16x512xi32, #tpu.memory_space<vmem>>, vector<16xi32>,
        %add3A_350 = arith.constant 224 : i32
        %add3A_351 = arith.addi %mul3A_200, %add3A_350 : i32
        %get3A_352 = arith.index_cast %select_n3A_182 : i32 to index
        %get3A_353 = arith.index_cast %add3A_351 : i32 to index
        %get3A_354 = tpu.vector_load %arg8[%get3A_352, %get3A_353] {strides = array<i32>} : memref<16x512xi32, #tpu.memory_space<vmem>>, vector<16xi32>,
        %add3A_355 = arith.constant 240 : i32
        %add3A_356 = arith.addi %mul3A_200, %add3A_355 : i32
        %get3A_357 = arith.index_cast %select_n3A_182 : i32 to index
        %get3A_358 = arith.index_cast %add3A_356 : i32 to index
        %get3A_359 = tpu.vector_load %arg8[%get3A_357, %get3A_358] {strides = array<i32>} : memref<16x512xi32, #tpu.memory_space<vmem>>, vector<16xi32>,
        %neg3A = arith.constant 0.000000e+00 : f32
        %neg3A_360 = vector.broadcast %neg3A : f32 to vector<16xf32>
        %neg3A_361 = arith.subf %neg3A_360, %get3A_204 : vector<16xf32>
        %exp3A = math.exp %neg3A_361 : vector<16xf32>
        %neg3A_362 = arith.constant 0.000000e+00 : f32
        %neg3A_363 = vector.broadcast %neg3A_362 : f32 to vector<16xf32>
        %neg3A_364 = arith.subf %neg3A_363, %get3A_209 : vector<16xf32>
        %exp3A_365 = math.exp %neg3A_364 : vector<16xf32>
        %neg3A_366 = arith.constant 0.000000e+00 : f32
        %neg3A_367 = vector.broadcast %neg3A_366 : f32 to vector<16xf32>
        %neg3A_368 = arith.subf %neg3A_367, %get3A_214 : vector<16xf32>
        %exp3A_369 = math.exp %neg3A_368 : vector<16xf32>
        %neg3A_370 = arith.constant 0.000000e+00 : f32
        %neg3A_371 = vector.broadcast %neg3A_370 : f32 to vector<16xf32>
        %neg3A_372 = arith.subf %neg3A_371, %get3A_219 : vector<16xf32>
        %exp3A_373 = math.exp %neg3A_372 : vector<16xf32>
        %neg3A_374 = arith.constant 0.000000e+00 : f32
        %neg3A_375 = vector.broadcast %neg3A_374 : f32 to vector<16xf32>
        %neg3A_376 = arith.subf %neg3A_375, %get3A_224 : vector<16xf32>
        %exp3A_377 = math.exp %neg3A_376 : vector<16xf32>
        %neg3A_378 = arith.constant 0.000000e+00 : f32
        %neg3A_379 = vector.broadcast %neg3A_378 : f32 to vector<16xf32>
        %neg3A_380 = arith.subf %neg3A_379, %get3A_229 : vector<16xf32>
        %exp3A_381 = math.exp %neg3A_380 : vector<16xf32>
        %neg3A_382 = arith.constant 0.000000e+00 : f32
        %neg3A_383 = vector.broadcast %neg3A_382 : f32 to vector<16xf32>
        %neg3A_384 = arith.subf %neg3A_383, %get3A_234 : vector<16xf32>
        %exp3A_385 = math.exp %neg3A_384 : vector<16xf32>
        %neg3A_386 = arith.constant 0.000000e+00 : f32
        %neg3A_387 = vector.broadcast %neg3A_386 : f32 to vector<16xf32>
        %neg3A_388 = arith.subf %neg3A_387, %get3A_239 : vector<16xf32>
        %exp3A_389 = math.exp %neg3A_388 : vector<16xf32>
        %neg3A_390 = arith.constant 0.000000e+00 : f32
        %neg3A_391 = vector.broadcast %neg3A_390 : f32 to vector<16xf32>
        %neg3A_392 = arith.subf %neg3A_391, %get3A_244 : vector<16xf32>
        %exp3A_393 = math.exp %neg3A_392 : vector<16xf32>
        %neg3A_394 = arith.constant 0.000000e+00 : f32
        %neg3A_395 = vector.broadcast %neg3A_394 : f32 to vector<16xf32>
        %neg3A_396 = arith.subf %neg3A_395, %get3A_249 : vector<16xf32>
        %exp3A_397 = math.exp %neg3A_396 : vector<16xf32>
        %neg3A_398 = arith.constant 0.000000e+00 : f32
        %neg3A_399 = vector.broadcast %neg3A_398 : f32 to vector<16xf32>
        %neg3A_400 = arith.subf %neg3A_399, %get3A_254 : vector<16xf32>
        %exp3A_401 = math.exp %neg3A_400 : vector<16xf32>
        %neg3A_402 = arith.constant 0.000000e+00 : f32
        %neg3A_403 = vector.broadcast %neg3A_402 : f32 to vector<16xf32>
        %neg3A_404 = arith.subf %neg3A_403, %get3A_259 : vector<16xf32>
        %exp3A_405 = math.exp %neg3A_404 : vector<16xf32>
        %neg3A_406 = arith.constant 0.000000e+00 : f32
        %neg3A_407 = vector.broadcast %neg3A_406 : f32 to vector<16xf32>
        %neg3A_408 = arith.subf %neg3A_407, %get3A_264 : vector<16xf32>
        %exp3A_409 = math.exp %neg3A_408 : vector<16xf32>
        %neg3A_410 = arith.constant 0.000000e+00 : f32
        %neg3A_411 = vector.broadcast %neg3A_410 : f32 to vector<16xf32>
        %neg3A_412 = arith.subf %neg3A_411, %get3A_269 : vector<16xf32>
        %exp3A_413 = math.exp %neg3A_412 : vector<16xf32>
        %neg3A_414 = arith.constant 0.000000e+00 : f32
        %neg3A_415 = vector.broadcast %neg3A_414 : f32 to vector<16xf32>
        %neg3A_416 = arith.subf %neg3A_415, %get3A_274 : vector<16xf32>
        %exp3A_417 = math.exp %neg3A_416 : vector<16xf32>
        %neg3A_418 = arith.constant 0.000000e+00 : f32
        %neg3A_419 = vector.broadcast %neg3A_418 : f32 to vector<16xf32>
        %neg3A_420 = arith.subf %neg3A_419, %get3A_279 : vector<16xf32>
        %exp3A_421 = math.exp %neg3A_420 : vector<16xf32>
        %add3A_422 = arith.constant 1.000000e+00 : f32
        %add3A_423 = vector.broadcast %add3A_422 : f32 to vector<16xf32>
        %add3A_424 = arith.addf %add3A_423, %exp3A : vector<16xf32>
        %div3A_425 = arith.constant 1.000000e+00 : f32
        %div3A_426 = vector.broadcast %div3A_425 : f32 to vector<16xf32>
        %div3A_427 = arith.divf %div3A_426, %add3A_424 : vector<16xf32>
        %add3A_428 = arith.constant 1.000000e+00 : f32
        %add3A_429 = vector.broadcast %add3A_428 : f32 to vector<16xf32>
        %add3A_430 = arith.addf %add3A_429, %exp3A_365 : vector<16xf32>
        %div3A_431 = arith.constant 1.000000e+00 : f32
        %div3A_432 = vector.broadcast %div3A_431 : f32 to vector<16xf32>
        %div3A_433 = arith.divf %div3A_432, %add3A_430 : vector<16xf32>
        %add3A_434 = arith.constant 1.000000e+00 : f32
        %add3A_435 = vector.broadcast %add3A_434 : f32 to vector<16xf32>
        %add3A_436 = arith.addf %add3A_435, %exp3A_369 : vector<16xf32>
        %div3A_437 = arith.constant 1.000000e+00 : f32
        %div3A_438 = vector.broadcast %div3A_437 : f32 to vector<16xf32>
        %div3A_439 = arith.divf %div3A_438, %add3A_436 : vector<16xf32>
        %add3A_440 = arith.constant 1.000000e+00 : f32
        %add3A_441 = vector.broadcast %add3A_440 : f32 to vector<16xf32>
        %add3A_442 = arith.addf %add3A_441, %exp3A_373 : vector<16xf32>
        %div3A_443 = arith.constant 1.000000e+00 : f32
        %div3A_444 = vector.broadcast %div3A_443 : f32 to vector<16xf32>
        %div3A_445 = arith.divf %div3A_444, %add3A_442 : vector<16xf32>
        %add3A_446 = arith.constant 1.000000e+00 : f32
        %add3A_447 = vector.broadcast %add3A_446 : f32 to vector<16xf32>
        %add3A_448 = arith.addf %add3A_447, %exp3A_377 : vector<16xf32>
        %div3A_449 = arith.constant 1.000000e+00 : f32
        %div3A_450 = vector.broadcast %div3A_449 : f32 to vector<16xf32>
        %div3A_451 = arith.divf %div3A_450, %add3A_448 : vector<16xf32>
        %add3A_452 = arith.constant 1.000000e+00 : f32
        %add3A_453 = vector.broadcast %add3A_452 : f32 to vector<16xf32>
        %add3A_454 = arith.addf %add3A_453, %exp3A_381 : vector<16xf32>
        %div3A_455 = arith.constant 1.000000e+00 : f32
        %div3A_456 = vector.broadcast %div3A_455 : f32 to vector<16xf32>
        %div3A_457 = arith.divf %div3A_456, %add3A_454 : vector<16xf32>
        %add3A_458 = arith.constant 1.000000e+00 : f32
        %add3A_459 = vector.broadcast %add3A_458 : f32 to vector<16xf32>
        %add3A_460 = arith.addf %add3A_459, %exp3A_385 : vector<16xf32>
        %div3A_461 = arith.constant 1.000000e+00 : f32
        %div3A_462 = vector.broadcast %div3A_461 : f32 to vector<16xf32>
        %div3A_463 = arith.divf %div3A_462, %add3A_460 : vector<16xf32>
        %add3A_464 = arith.constant 1.000000e+00 : f32
        %add3A_465 = vector.broadcast %add3A_464 : f32 to vector<16xf32>
        %add3A_466 = arith.addf %add3A_465, %exp3A_389 : vector<16xf32>
        %div3A_467 = arith.constant 1.000000e+00 : f32
        %div3A_468 = vector.broadcast %div3A_467 : f32 to vector<16xf32>
        %div3A_469 = arith.divf %div3A_468, %add3A_466 : vector<16xf32>
        %add3A_470 = arith.constant 1.000000e+00 : f32
        %add3A_471 = vector.broadcast %add3A_470 : f32 to vector<16xf32>
        %add3A_472 = arith.addf %add3A_471, %exp3A_393 : vector<16xf32>
        %div3A_473 = arith.constant 1.000000e+00 : f32
        %div3A_474 = vector.broadcast %div3A_473 : f32 to vector<16xf32>
        %div3A_475 = arith.divf %div3A_474, %add3A_472 : vector<16xf32>
        %add3A_476 = arith.constant 1.000000e+00 : f32
        %add3A_477 = vector.broadcast %add3A_476 : f32 to vector<16xf32>
        %add3A_478 = arith.addf %add3A_477, %exp3A_397 : vector<16xf32>
        %div3A_479 = arith.constant 1.000000e+00 : f32
        %div3A_480 = vector.broadcast %div3A_479 : f32 to vector<16xf32>
        %div3A_481 = arith.divf %div3A_480, %add3A_478 : vector<16xf32>
        %add3A_482 = arith.constant 1.000000e+00 : f32
        %add3A_483 = vector.broadcast %add3A_482 : f32 to vector<16xf32>
        %add3A_484 = arith.addf %add3A_483, %exp3A_401 : vector<16xf32>
        %div3A_485 = arith.constant 1.000000e+00 : f32
        %div3A_486 = vector.broadcast %div3A_485 : f32 to vector<16xf32>
        %div3A_487 = arith.divf %div3A_486, %add3A_484 : vector<16xf32>
        %add3A_488 = arith.constant 1.000000e+00 : f32
        %add3A_489 = vector.broadcast %add3A_488 : f32 to vector<16xf32>
        %add3A_490 = arith.addf %add3A_489, %exp3A_405 : vector<16xf32>
        %div3A_491 = arith.constant 1.000000e+00 : f32
        %div3A_492 = vector.broadcast %div3A_491 : f32 to vector<16xf32>
        %div3A_493 = arith.divf %div3A_492, %add3A_490 : vector<16xf32>
        %add3A_494 = arith.constant 1.000000e+00 : f32
        %add3A_495 = vector.broadcast %add3A_494 : f32 to vector<16xf32>
        %add3A_496 = arith.addf %add3A_495, %exp3A_409 : vector<16xf32>
        %div3A_497 = arith.constant 1.000000e+00 : f32
        %div3A_498 = vector.broadcast %div3A_497 : f32 to vector<16xf32>
        %div3A_499 = arith.divf %div3A_498, %add3A_496 : vector<16xf32>
        %add3A_500 = arith.constant 1.000000e+00 : f32
        %add3A_501 = vector.broadcast %add3A_500 : f32 to vector<16xf32>
        %add3A_502 = arith.addf %add3A_501, %exp3A_413 : vector<16xf32>
        %div3A_503 = arith.constant 1.000000e+00 : f32
        %div3A_504 = vector.broadcast %div3A_503 : f32 to vector<16xf32>
        %div3A_505 = arith.divf %div3A_504, %add3A_502 : vector<16xf32>
        %add3A_506 = arith.constant 1.000000e+00 : f32
        %add3A_507 = vector.broadcast %add3A_506 : f32 to vector<16xf32>
        %add3A_508 = arith.addf %add3A_507, %exp3A_417 : vector<16xf32>
        %div3A_509 = arith.constant 1.000000e+00 : f32
        %div3A_510 = vector.broadcast %div3A_509 : f32 to vector<16xf32>
        %div3A_511 = arith.divf %div3A_510, %add3A_508 : vector<16xf32>
        %add3A_512 = arith.constant 1.000000e+00 : f32
        %add3A_513 = vector.broadcast %add3A_512 : f32 to vector<16xf32>
        %add3A_514 = arith.addf %add3A_513, %exp3A_421 : vector<16xf32>
        %div3A_515 = arith.constant 1.000000e+00 : f32
        %div3A_516 = vector.broadcast %div3A_515 : f32 to vector<16xf32>
        %div3A_517 = arith.divf %div3A_516, %add3A_514 : vector<16xf32>
        %add3A_518 = arith.addf %div3A_427, %div3A_427 : vector<16xf32>
        %sub3A_519 = arith.constant 1.000000e+00 : f32
        %sub3A_520 = vector.broadcast %sub3A_519 : f32 to vector<16xf32>
        %sub3A_521 = arith.subf %add3A_518, %sub3A_520 : vector<16xf32>
        %add3A_522 = arith.addf %div3A_433, %div3A_433 : vector<16xf32>
        %sub3A_523 = arith.constant 1.000000e+00 : f32
        %sub3A_524 = vector.broadcast %sub3A_523 : f32 to vector<16xf32>
        %sub3A_525 = arith.subf %add3A_522, %sub3A_524 : vector<16xf32>
        %add3A_526 = arith.addf %div3A_439, %div3A_439 : vector<16xf32>
        %sub3A_527 = arith.constant 1.000000e+00 : f32
        %sub3A_528 = vector.broadcast %sub3A_527 : f32 to vector<16xf32>
        %sub3A_529 = arith.subf %add3A_526, %sub3A_528 : vector<16xf32>
        %add3A_530 = arith.addf %div3A_445, %div3A_445 : vector<16xf32>
        %sub3A_531 = arith.constant 1.000000e+00 : f32
        %sub3A_532 = vector.broadcast %sub3A_531 : f32 to vector<16xf32>
        %sub3A_533 = arith.subf %add3A_530, %sub3A_532 : vector<16xf32>
        %add3A_534 = arith.addf %div3A_451, %div3A_451 : vector<16xf32>
        %sub3A_535 = arith.constant 1.000000e+00 : f32
        %sub3A_536 = vector.broadcast %sub3A_535 : f32 to vector<16xf32>
        %sub3A_537 = arith.subf %add3A_534, %sub3A_536 : vector<16xf32>
        %add3A_538 = arith.addf %div3A_457, %div3A_457 : vector<16xf32>
        %sub3A_539 = arith.constant 1.000000e+00 : f32
        %sub3A_540 = vector.broadcast %sub3A_539 : f32 to vector<16xf32>
        %sub3A_541 = arith.subf %add3A_538, %sub3A_540 : vector<16xf32>
        %add3A_542 = arith.addf %div3A_463, %div3A_463 : vector<16xf32>
        %sub3A_543 = arith.constant 1.000000e+00 : f32
        %sub3A_544 = vector.broadcast %sub3A_543 : f32 to vector<16xf32>
        %sub3A_545 = arith.subf %add3A_542, %sub3A_544 : vector<16xf32>
        %add3A_546 = arith.addf %div3A_469, %div3A_469 : vector<16xf32>
        %sub3A_547 = arith.constant 1.000000e+00 : f32
        %sub3A_548 = vector.broadcast %sub3A_547 : f32 to vector<16xf32>
        %sub3A_549 = arith.subf %add3A_546, %sub3A_548 : vector<16xf32>
        %add3A_550 = arith.addf %div3A_475, %div3A_475 : vector<16xf32>
        %sub3A_551 = arith.constant 1.000000e+00 : f32
        %sub3A_552 = vector.broadcast %sub3A_551 : f32 to vector<16xf32>
        %sub3A_553 = arith.subf %add3A_550, %sub3A_552 : vector<16xf32>
        %add3A_554 = arith.addf %div3A_481, %div3A_481 : vector<16xf32>
        %sub3A_555 = arith.constant 1.000000e+00 : f32
        %sub3A_556 = vector.broadcast %sub3A_555 : f32 to vector<16xf32>
        %sub3A_557 = arith.subf %add3A_554, %sub3A_556 : vector<16xf32>
        %add3A_558 = arith.addf %div3A_487, %div3A_487 : vector<16xf32>
        %sub3A_559 = arith.constant 1.000000e+00 : f32
        %sub3A_560 = vector.broadcast %sub3A_559 : f32 to vector<16xf32>
        %sub3A_561 = arith.subf %add3A_558, %sub3A_560 : vector<16xf32>
        %add3A_562 = arith.addf %div3A_493, %div3A_493 : vector<16xf32>
        %sub3A_563 = arith.constant 1.000000e+00 : f32
        %sub3A_564 = vector.broadcast %sub3A_563 : f32 to vector<16xf32>
        %sub3A_565 = arith.subf %add3A_562, %sub3A_564 : vector<16xf32>
        %add3A_566 = arith.addf %div3A_499, %div3A_499 : vector<16xf32>
        %sub3A_567 = arith.constant 1.000000e+00 : f32
        %sub3A_568 = vector.broadcast %sub3A_567 : f32 to vector<16xf32>
        %sub3A_569 = arith.subf %add3A_566, %sub3A_568 : vector<16xf32>
        %add3A_570 = arith.addf %div3A_505, %div3A_505 : vector<16xf32>
        %sub3A_571 = arith.constant 1.000000e+00 : f32
        %sub3A_572 = vector.broadcast %sub3A_571 : f32 to vector<16xf32>
        %sub3A_573 = arith.subf %add3A_570, %sub3A_572 : vector<16xf32>
        %add3A_574 = arith.addf %div3A_511, %div3A_511 : vector<16xf32>
        %sub3A_575 = arith.constant 1.000000e+00 : f32
        %sub3A_576 = vector.broadcast %sub3A_575 : f32 to vector<16xf32>
        %sub3A_577 = arith.subf %add3A_574, %sub3A_576 : vector<16xf32>
        %add3A_578 = arith.addf %div3A_517, %div3A_517 : vector<16xf32>
        %sub3A_579 = arith.constant 1.000000e+00 : f32
        %sub3A_580 = vector.broadcast %sub3A_579 : f32 to vector<16xf32>
        %sub3A_581 = arith.subf %add3A_578, %sub3A_580 : vector<16xf32>
        %abs3A = math.absf %sub3A_521 : vector<16xf32>
        %min3A = vector.broadcast %scan3A_73 : f32 to vector<16xf32>
        %min3A_582 = arith.minimumf %abs3A, %min3A : vector<16xf32>
        %abs3A_583 = math.absf %sub3A_525 : vector<16xf32>
        %min3A_584 = vector.broadcast %scan3A_73 : f32 to vector<16xf32>
        %min3A_585 = arith.minimumf %abs3A_583, %min3A_584 : vector<16xf32>
        %abs3A_586 = math.absf %sub3A_529 : vector<16xf32>
        %min3A_587 = vector.broadcast %scan3A_73 : f32 to vector<16xf32>
        %min3A_588 = arith.minimumf %abs3A_586, %min3A_587 : vector<16xf32>
        %abs3A_589 = math.absf %sub3A_533 : vector<16xf32>
        %min3A_590 = vector.broadcast %scan3A_73 : f32 to vector<16xf32>
        %min3A_591 = arith.minimumf %abs3A_589, %min3A_590 : vector<16xf32>
        %abs3A_592 = math.absf %sub3A_537 : vector<16xf32>
        %min3A_593 = vector.broadcast %scan3A_73 : f32 to vector<16xf32>
        %min3A_594 = arith.minimumf %abs3A_592, %min3A_593 : vector<16xf32>
        %abs3A_595 = math.absf %sub3A_541 : vector<16xf32>
        %min3A_596 = vector.broadcast %scan3A_73 : f32 to vector<16xf32>
        %min3A_597 = arith.minimumf %abs3A_595, %min3A_596 : vector<16xf32>
        %abs3A_598 = math.absf %sub3A_545 : vector<16xf32>
        %min3A_599 = vector.broadcast %scan3A_73 : f32 to vector<16xf32>
        %min3A_600 = arith.minimumf %abs3A_598, %min3A_599 : vector<16xf32>
        %abs3A_601 = math.absf %sub3A_549 : vector<16xf32>
        %min3A_602 = vector.broadcast %scan3A_73 : f32 to vector<16xf32>
        %min3A_603 = arith.minimumf %abs3A_601, %min3A_602 : vector<16xf32>
        %abs3A_604 = math.absf %sub3A_553 : vector<16xf32>
        %min3A_605 = vector.broadcast %scan3A_73 : f32 to vector<16xf32>
        %min3A_606 = arith.minimumf %abs3A_604, %min3A_605 : vector<16xf32>
        %abs3A_607 = math.absf %sub3A_557 : vector<16xf32>
        %min3A_608 = vector.broadcast %scan3A_73 : f32 to vector<16xf32>
        %min3A_609 = arith.minimumf %abs3A_607, %min3A_608 : vector<16xf32>
        %abs3A_610 = math.absf %sub3A_561 : vector<16xf32>
        %min3A_611 = vector.broadcast %scan3A_73 : f32 to vector<16xf32>
        %min3A_612 = arith.minimumf %abs3A_610, %min3A_611 : vector<16xf32>
        %abs3A_613 = math.absf %sub3A_565 : vector<16xf32>
        %min3A_614 = vector.broadcast %scan3A_73 : f32 to vector<16xf32>
        %min3A_615 = arith.minimumf %abs3A_613, %min3A_614 : vector<16xf32>
        %abs3A_616 = math.absf %sub3A_569 : vector<16xf32>
        %min3A_617 = vector.broadcast %scan3A_73 : f32 to vector<16xf32>
        %min3A_618 = arith.minimumf %abs3A_616, %min3A_617 : vector<16xf32>
        %abs3A_619 = math.absf %sub3A_573 : vector<16xf32>
        %min3A_620 = vector.broadcast %scan3A_73 : f32 to vector<16xf32>
        %min3A_621 = arith.minimumf %abs3A_619, %min3A_620 : vector<16xf32>
        %abs3A_622 = math.absf %sub3A_577 : vector<16xf32>
        %min3A_623 = vector.broadcast %scan3A_73 : f32 to vector<16xf32>
        %min3A_624 = arith.minimumf %abs3A_622, %min3A_623 : vector<16xf32>
        %abs3A_625 = math.absf %sub3A_581 : vector<16xf32>
        %min3A_626 = vector.broadcast %scan3A_73 : f32 to vector<16xf32>
        %min3A_627 = arith.minimumf %abs3A_625, %min3A_626 : vector<16xf32>
        %mul3A_628 = arith.constant 1.024000e+03 : f32
        %mul3A_629 = vector.broadcast %mul3A_628 : f32 to vector<16xf32>
        %mul3A_630 = arith.mulf %div3A_427, %mul3A_629 : vector<16xf32>
        %convert_element_type3A_631 = arith.fptosi %mul3A_630 : vector<16xf32> to vector<16xi32>
        %mul3A_632 = arith.constant 1.024000e+03 : f32
        %mul3A_633 = vector.broadcast %mul3A_632 : f32 to vector<16xf32>
        %mul3A_634 = arith.mulf %div3A_433, %mul3A_633 : vector<16xf32>
        %convert_element_type3A_635 = arith.fptosi %mul3A_634 : vector<16xf32> to vector<16xi32>
        %mul3A_636 = arith.constant 1.024000e+03 : f32
        %mul3A_637 = vector.broadcast %mul3A_636 : f32 to vector<16xf32>
        %mul3A_638 = arith.mulf %div3A_439, %mul3A_637 : vector<16xf32>
        %convert_element_type3A_639 = arith.fptosi %mul3A_638 : vector<16xf32> to vector<16xi32>
        %mul3A_640 = arith.constant 1.024000e+03 : f32
        %mul3A_641 = vector.broadcast %mul3A_640 : f32 to vector<16xf32>
        %mul3A_642 = arith.mulf %div3A_445, %mul3A_641 : vector<16xf32>
        %convert_element_type3A_643 = arith.fptosi %mul3A_642 : vector<16xf32> to vector<16xi32>
        %mul3A_644 = arith.constant 1.024000e+03 : f32
        %mul3A_645 = vector.broadcast %mul3A_644 : f32 to vector<16xf32>
        %mul3A_646 = arith.mulf %div3A_451, %mul3A_645 : vector<16xf32>
        %convert_element_type3A_647 = arith.fptosi %mul3A_646 : vector<16xf32> to vector<16xi32>
        %mul3A_648 = arith.constant 1.024000e+03 : f32
        %mul3A_649 = vector.broadcast %mul3A_648 : f32 to vector<16xf32>
        %mul3A_650 = arith.mulf %div3A_457, %mul3A_649 : vector<16xf32>
        %convert_element_type3A_651 = arith.fptosi %mul3A_650 : vector<16xf32> to vector<16xi32>
        %mul3A_652 = arith.constant 1.024000e+03 : f32
        %mul3A_653 = vector.broadcast %mul3A_652 : f32 to vector<16xf32>
        %mul3A_654 = arith.mulf %div3A_463, %mul3A_653 : vector<16xf32>
        %convert_element_type3A_655 = arith.fptosi %mul3A_654 : vector<16xf32> to vector<16xi32>
        %mul3A_656 = arith.constant 1.024000e+03 : f32
        %mul3A_657 = vector.broadcast %mul3A_656 : f32 to vector<16xf32>
        %mul3A_658 = arith.mulf %div3A_469, %mul3A_657 : vector<16xf32>
        %convert_element_type3A_659 = arith.fptosi %mul3A_658 : vector<16xf32> to vector<16xi32>
        %mul3A_660 = arith.constant 1.024000e+03 : f32
        %mul3A_661 = vector.broadcast %mul3A_660 : f32 to vector<16xf32>
        %mul3A_662 = arith.mulf %div3A_475, %mul3A_661 : vector<16xf32>
        %convert_element_type3A_663 = arith.fptosi %mul3A_662 : vector<16xf32> to vector<16xi32>
        %mul3A_664 = arith.constant 1.024000e+03 : f32
        %mul3A_665 = vector.broadcast %mul3A_664 : f32 to vector<16xf32>
        %mul3A_666 = arith.mulf %div3A_481, %mul3A_665 : vector<16xf32>
        %convert_element_type3A_667 = arith.fptosi %mul3A_666 : vector<16xf32> to vector<16xi32>
        %mul3A_668 = arith.constant 1.024000e+03 : f32
        %mul3A_669 = vector.broadcast %mul3A_668 : f32 to vector<16xf32>
        %mul3A_670 = arith.mulf %div3A_487, %mul3A_669 : vector<16xf32>
        %convert_element_type3A_671 = arith.fptosi %mul3A_670 : vector<16xf32> to vector<16xi32>
        %mul3A_672 = arith.constant 1.024000e+03 : f32
        %mul3A_673 = vector.broadcast %mul3A_672 : f32 to vector<16xf32>
        %mul3A_674 = arith.mulf %div3A_493, %mul3A_673 : vector<16xf32>
        %convert_element_type3A_675 = arith.fptosi %mul3A_674 : vector<16xf32> to vector<16xi32>
        %mul3A_676 = arith.constant 1.024000e+03 : f32
        %mul3A_677 = vector.broadcast %mul3A_676 : f32 to vector<16xf32>
        %mul3A_678 = arith.mulf %div3A_499, %mul3A_677 : vector<16xf32>
        %convert_element_type3A_679 = arith.fptosi %mul3A_678 : vector<16xf32> to vector<16xi32>
        %mul3A_680 = arith.constant 1.024000e+03 : f32
        %mul3A_681 = vector.broadcast %mul3A_680 : f32 to vector<16xf32>
        %mul3A_682 = arith.mulf %div3A_505, %mul3A_681 : vector<16xf32>
        %convert_element_type3A_683 = arith.fptosi %mul3A_682 : vector<16xf32> to vector<16xi32>
        %mul3A_684 = arith.constant 1.024000e+03 : f32
        %mul3A_685 = vector.broadcast %mul3A_684 : f32 to vector<16xf32>
        %mul3A_686 = arith.mulf %div3A_511, %mul3A_685 : vector<16xf32>
        %convert_element_type3A_687 = arith.fptosi %mul3A_686 : vector<16xf32> to vector<16xi32>
        %mul3A_688 = arith.constant 1.024000e+03 : f32
        %mul3A_689 = vector.broadcast %mul3A_688 : f32 to vector<16xf32>
        %mul3A_690 = arith.mulf %div3A_517, %mul3A_689 : vector<16xf32>
        %convert_element_type3A_691 = arith.fptosi %mul3A_690 : vector<16xf32> to vector<16xi32>
        %min3A_692 = arith.constant 1023 : i32
        %min3A_693 = vector.broadcast %min3A_692 : i32 to vector<16xi32>
        %min3A_694 = arith.minsi %convert_element_type3A_631, %min3A_693 : vector<16xi32>
        %min3A_695 = arith.constant 1023 : i32
        %min3A_696 = vector.broadcast %min3A_695 : i32 to vector<16xi32>
        %min3A_697 = arith.minsi %convert_element_type3A_635, %min3A_696 : vector<16xi32>
        %min3A_698 = arith.constant 1023 : i32
        %min3A_699 = vector.broadcast %min3A_698 : i32 to vector<16xi32>
        %min3A_700 = arith.minsi %convert_element_type3A_639, %min3A_699 : vector<16xi32>
        %min3A_701 = arith.constant 1023 : i32
        %min3A_702 = vector.broadcast %min3A_701 : i32 to vector<16xi32>
        %min3A_703 = arith.minsi %convert_element_type3A_643, %min3A_702 : vector<16xi32>
        %min3A_704 = arith.constant 1023 : i32
        %min3A_705 = vector.broadcast %min3A_704 : i32 to vector<16xi32>
        %min3A_706 = arith.minsi %convert_element_type3A_647, %min3A_705 : vector<16xi32>
        %min3A_707 = arith.constant 1023 : i32
        %min3A_708 = vector.broadcast %min3A_707 : i32 to vector<16xi32>
        %min3A_709 = arith.minsi %convert_element_type3A_651, %min3A_708 : vector<16xi32>
        %min3A_710 = arith.constant 1023 : i32
        %min3A_711 = vector.broadcast %min3A_710 : i32 to vector<16xi32>
        %min3A_712 = arith.minsi %convert_element_type3A_655, %min3A_711 : vector<16xi32>
        %min3A_713 = arith.constant 1023 : i32
        %min3A_714 = vector.broadcast %min3A_713 : i32 to vector<16xi32>
        %min3A_715 = arith.minsi %convert_element_type3A_659, %min3A_714 : vector<16xi32>
        %min3A_716 = arith.constant 1023 : i32
        %min3A_717 = vector.broadcast %min3A_716 : i32 to vector<16xi32>
        %min3A_718 = arith.minsi %convert_element_type3A_663, %min3A_717 : vector<16xi32>
        %min3A_719 = arith.constant 1023 : i32
        %min3A_720 = vector.broadcast %min3A_719 : i32 to vector<16xi32>
        %min3A_721 = arith.minsi %convert_element_type3A_667, %min3A_720 : vector<16xi32>
        %min3A_722 = arith.constant 1023 : i32
        %min3A_723 = vector.broadcast %min3A_722 : i32 to vector<16xi32>
        %min3A_724 = arith.minsi %convert_element_type3A_671, %min3A_723 : vector<16xi32>
        %min3A_725 = arith.constant 1023 : i32
        %min3A_726 = vector.broadcast %min3A_725 : i32 to vector<16xi32>
        %min3A_727 = arith.minsi %convert_element_type3A_675, %min3A_726 : vector<16xi32>
        %min3A_728 = arith.constant 1023 : i32
        %min3A_729 = vector.broadcast %min3A_728 : i32 to vector<16xi32>
        %min3A_730 = arith.minsi %convert_element_type3A_679, %min3A_729 : vector<16xi32>
        %min3A_731 = arith.constant 1023 : i32
        %min3A_732 = vector.broadcast %min3A_731 : i32 to vector<16xi32>
        %min3A_733 = arith.minsi %convert_element_type3A_683, %min3A_732 : vector<16xi32>
        %min3A_734 = arith.constant 1023 : i32
        %min3A_735 = vector.broadcast %min3A_734 : i32 to vector<16xi32>
        %min3A_736 = arith.minsi %convert_element_type3A_687, %min3A_735 : vector<16xi32>
        %min3A_737 = arith.constant 1023 : i32
        %min3A_738 = vector.broadcast %min3A_737 : i32 to vector<16xi32>
        %min3A_739 = arith.minsi %convert_element_type3A_691, %min3A_738 : vector<16xi32>
        %shift_left3A = arith.constant 14 : i32
        %shift_left3A_740 = vector.broadcast %shift_left3A : i32 to vector<16xi32>
        %shift_left3A_741 = arith.shli %get3A_284, %shift_left3A_740 : vector<16xi32>
        %or3A = arith.ori %shift_left3A_741, %mul3A_33 : vector<16xi32>
        %or3A_742 = arith.ori %or3A, %min3A_694 : vector<16xi32>
        %shift_left3A_743 = arith.constant 14 : i32
        %shift_left3A_744 = vector.broadcast %shift_left3A_743 : i32 to vector<16xi32>
        %shift_left3A_745 = arith.shli %get3A_289, %shift_left3A_744 : vector<16xi32>
        %or3A_746 = arith.ori %shift_left3A_745, %mul3A_33 : vector<16xi32>
        %or3A_747 = arith.ori %or3A_746, %min3A_697 : vector<16xi32>
        %shift_left3A_748 = arith.constant 14 : i32
        %shift_left3A_749 = vector.broadcast %shift_left3A_748 : i32 to vector<16xi32>
        %shift_left3A_750 = arith.shli %get3A_294, %shift_left3A_749 : vector<16xi32>
        %or3A_751 = arith.ori %shift_left3A_750, %mul3A_33 : vector<16xi32>
        %or3A_752 = arith.ori %or3A_751, %min3A_700 : vector<16xi32>
        %shift_left3A_753 = arith.constant 14 : i32
        %shift_left3A_754 = vector.broadcast %shift_left3A_753 : i32 to vector<16xi32>
        %shift_left3A_755 = arith.shli %get3A_299, %shift_left3A_754 : vector<16xi32>
        %or3A_756 = arith.ori %shift_left3A_755, %mul3A_33 : vector<16xi32>
        %or3A_757 = arith.ori %or3A_756, %min3A_703 : vector<16xi32>
        %shift_left3A_758 = arith.constant 14 : i32
        %shift_left3A_759 = vector.broadcast %shift_left3A_758 : i32 to vector<16xi32>
        %shift_left3A_760 = arith.shli %get3A_304, %shift_left3A_759 : vector<16xi32>
        %or3A_761 = arith.ori %shift_left3A_760, %mul3A_33 : vector<16xi32>
        %or3A_762 = arith.ori %or3A_761, %min3A_706 : vector<16xi32>
        %shift_left3A_763 = arith.constant 14 : i32
        %shift_left3A_764 = vector.broadcast %shift_left3A_763 : i32 to vector<16xi32>
        %shift_left3A_765 = arith.shli %get3A_309, %shift_left3A_764 : vector<16xi32>
        %or3A_766 = arith.ori %shift_left3A_765, %mul3A_33 : vector<16xi32>
        %or3A_767 = arith.ori %or3A_766, %min3A_709 : vector<16xi32>
        %shift_left3A_768 = arith.constant 14 : i32
        %shift_left3A_769 = vector.broadcast %shift_left3A_768 : i32 to vector<16xi32>
        %shift_left3A_770 = arith.shli %get3A_314, %shift_left3A_769 : vector<16xi32>
        %or3A_771 = arith.ori %shift_left3A_770, %mul3A_33 : vector<16xi32>
        %or3A_772 = arith.ori %or3A_771, %min3A_712 : vector<16xi32>
        %shift_left3A_773 = arith.constant 14 : i32
        %shift_left3A_774 = vector.broadcast %shift_left3A_773 : i32 to vector<16xi32>
        %shift_left3A_775 = arith.shli %get3A_319, %shift_left3A_774 : vector<16xi32>
        %or3A_776 = arith.ori %shift_left3A_775, %mul3A_33 : vector<16xi32>
        %or3A_777 = arith.ori %or3A_776, %min3A_715 : vector<16xi32>
        %shift_left3A_778 = arith.constant 14 : i32
        %shift_left3A_779 = vector.broadcast %shift_left3A_778 : i32 to vector<16xi32>
        %shift_left3A_780 = arith.shli %get3A_324, %shift_left3A_779 : vector<16xi32>
        %or3A_781 = arith.ori %shift_left3A_780, %mul3A_33 : vector<16xi32>
        %or3A_782 = arith.ori %or3A_781, %min3A_718 : vector<16xi32>
        %shift_left3A_783 = arith.constant 14 : i32
        %shift_left3A_784 = vector.broadcast %shift_left3A_783 : i32 to vector<16xi32>
        %shift_left3A_785 = arith.shli %get3A_329, %shift_left3A_784 : vector<16xi32>
        %or3A_786 = arith.ori %shift_left3A_785, %mul3A_33 : vector<16xi32>
        %or3A_787 = arith.ori %or3A_786, %min3A_721 : vector<16xi32>
        %shift_left3A_788 = arith.constant 14 : i32
        %shift_left3A_789 = vector.broadcast %shift_left3A_788 : i32 to vector<16xi32>
        %shift_left3A_790 = arith.shli %get3A_334, %shift_left3A_789 : vector<16xi32>
        %or3A_791 = arith.ori %shift_left3A_790, %mul3A_33 : vector<16xi32>
        %or3A_792 = arith.ori %or3A_791, %min3A_724 : vector<16xi32>
        %shift_left3A_793 = arith.constant 14 : i32
        %shift_left3A_794 = vector.broadcast %shift_left3A_793 : i32 to vector<16xi32>
        %shift_left3A_795 = arith.shli %get3A_339, %shift_left3A_794 : vector<16xi32>
        %or3A_796 = arith.ori %shift_left3A_795, %mul3A_33 : vector<16xi32>
        %or3A_797 = arith.ori %or3A_796, %min3A_727 : vector<16xi32>
        %shift_left3A_798 = arith.constant 14 : i32
        %shift_left3A_799 = vector.broadcast %shift_left3A_798 : i32 to vector<16xi32>
        %shift_left3A_800 = arith.shli %get3A_344, %shift_left3A_799 : vector<16xi32>
        %or3A_801 = arith.ori %shift_left3A_800, %mul3A_33 : vector<16xi32>
        %or3A_802 = arith.ori %or3A_801, %min3A_730 : vector<16xi32>
        %shift_left3A_803 = arith.constant 14 : i32
        %shift_left3A_804 = vector.broadcast %shift_left3A_803 : i32 to vector<16xi32>
        %shift_left3A_805 = arith.shli %get3A_349, %shift_left3A_804 : vector<16xi32>
        %or3A_806 = arith.ori %shift_left3A_805, %mul3A_33 : vector<16xi32>
        %or3A_807 = arith.ori %or3A_806, %min3A_733 : vector<16xi32>
        %shift_left3A_808 = arith.constant 14 : i32
        %shift_left3A_809 = vector.broadcast %shift_left3A_808 : i32 to vector<16xi32>
        %shift_left3A_810 = arith.shli %get3A_354, %shift_left3A_809 : vector<16xi32>
        %or3A_811 = arith.ori %shift_left3A_810, %mul3A_33 : vector<16xi32>
        %or3A_812 = arith.ori %or3A_811, %min3A_736 : vector<16xi32>
        %shift_left3A_813 = arith.constant 14 : i32
        %shift_left3A_814 = vector.broadcast %shift_left3A_813 : i32 to vector<16xi32>
        %shift_left3A_815 = arith.shli %get3A_359, %shift_left3A_814 : vector<16xi32>
        %or3A_816 = arith.ori %shift_left3A_815, %mul3A_33 : vector<16xi32>
        %or3A_817 = arith.ori %or3A_816, %min3A_739 : vector<16xi32>
        %add3A_818 = arith.constant 2.048000e+03 : f32
        %add3A_819 = vector.broadcast %add3A_818 : f32 to vector<16xf32>
        %add3A_820 = arith.addf %min3A_582, %add3A_819 : vector<16xf32>
        tpu.vector_store_idx %arg9[%or3A_742], %add3A_820 {add = true} : memref<32768xf32, #tpu.memory_space<vmem>>[vector<16xi32>], vector<16xf32>,
        %add3A_821 = arith.constant 2.048000e+03 : f32
        %add3A_822 = vector.broadcast %add3A_821 : f32 to vector<16xf32>
        %add3A_823 = arith.addf %min3A_585, %add3A_822 : vector<16xf32>
        tpu.vector_store_idx %arg9[%or3A_747], %add3A_823 {add = true} : memref<32768xf32, #tpu.memory_space<vmem>>[vector<16xi32>], vector<16xf32>,
        %add3A_824 = arith.constant 2.048000e+03 : f32
        %add3A_825 = vector.broadcast %add3A_824 : f32 to vector<16xf32>
        %add3A_826 = arith.addf %min3A_588, %add3A_825 : vector<16xf32>
        tpu.vector_store_idx %arg9[%or3A_752], %add3A_826 {add = true} : memref<32768xf32, #tpu.memory_space<vmem>>[vector<16xi32>], vector<16xf32>,
        %add3A_827 = arith.constant 2.048000e+03 : f32
        %add3A_828 = vector.broadcast %add3A_827 : f32 to vector<16xf32>
        %add3A_829 = arith.addf %min3A_591, %add3A_828 : vector<16xf32>
        tpu.vector_store_idx %arg9[%or3A_757], %add3A_829 {add = true} : memref<32768xf32, #tpu.memory_space<vmem>>[vector<16xi32>], vector<16xf32>,
        %add3A_830 = arith.constant 2.048000e+03 : f32
        %add3A_831 = vector.broadcast %add3A_830 : f32 to vector<16xf32>
        %add3A_832 = arith.addf %min3A_594, %add3A_831 : vector<16xf32>
        tpu.vector_store_idx %arg9[%or3A_762], %add3A_832 {add = true} : memref<32768xf32, #tpu.memory_space<vmem>>[vector<16xi32>], vector<16xf32>,
        %add3A_833 = arith.constant 2.048000e+03 : f32
        %add3A_834 = vector.broadcast %add3A_833 : f32 to vector<16xf32>
        %add3A_835 = arith.addf %min3A_597, %add3A_834 : vector<16xf32>
        tpu.vector_store_idx %arg9[%or3A_767], %add3A_835 {add = true} : memref<32768xf32, #tpu.memory_space<vmem>>[vector<16xi32>], vector<16xf32>,
        %add3A_836 = arith.constant 2.048000e+03 : f32
        %add3A_837 = vector.broadcast %add3A_836 : f32 to vector<16xf32>
        %add3A_838 = arith.addf %min3A_600, %add3A_837 : vector<16xf32>
        tpu.vector_store_idx %arg9[%or3A_772], %add3A_838 {add = true} : memref<32768xf32, #tpu.memory_space<vmem>>[vector<16xi32>], vector<16xf32>,
        %add3A_839 = arith.constant 2.048000e+03 : f32
        %add3A_840 = vector.broadcast %add3A_839 : f32 to vector<16xf32>
        %add3A_841 = arith.addf %min3A_603, %add3A_840 : vector<16xf32>
        tpu.vector_store_idx %arg9[%or3A_777], %add3A_841 {add = true} : memref<32768xf32, #tpu.memory_space<vmem>>[vector<16xi32>], vector<16xf32>,
        %add3A_842 = arith.constant 2.048000e+03 : f32
        %add3A_843 = vector.broadcast %add3A_842 : f32 to vector<16xf32>
        %add3A_844 = arith.addf %min3A_606, %add3A_843 : vector<16xf32>
        tpu.vector_store_idx %arg9[%or3A_782], %add3A_844 {add = true} : memref<32768xf32, #tpu.memory_space<vmem>>[vector<16xi32>], vector<16xf32>,
        %add3A_845 = arith.constant 2.048000e+03 : f32
        %add3A_846 = vector.broadcast %add3A_845 : f32 to vector<16xf32>
        %add3A_847 = arith.addf %min3A_609, %add3A_846 : vector<16xf32>
        tpu.vector_store_idx %arg9[%or3A_787], %add3A_847 {add = true} : memref<32768xf32, #tpu.memory_space<vmem>>[vector<16xi32>], vector<16xf32>,
        %add3A_848 = arith.constant 2.048000e+03 : f32
        %add3A_849 = vector.broadcast %add3A_848 : f32 to vector<16xf32>
        %add3A_850 = arith.addf %min3A_612, %add3A_849 : vector<16xf32>
        tpu.vector_store_idx %arg9[%or3A_792], %add3A_850 {add = true} : memref<32768xf32, #tpu.memory_space<vmem>>[vector<16xi32>], vector<16xf32>,
        %add3A_851 = arith.constant 2.048000e+03 : f32
        %add3A_852 = vector.broadcast %add3A_851 : f32 to vector<16xf32>
        %add3A_853 = arith.addf %min3A_615, %add3A_852 : vector<16xf32>
        tpu.vector_store_idx %arg9[%or3A_797], %add3A_853 {add = true} : memref<32768xf32, #tpu.memory_space<vmem>>[vector<16xi32>], vector<16xf32>,
        %add3A_854 = arith.constant 2.048000e+03 : f32
        %add3A_855 = vector.broadcast %add3A_854 : f32 to vector<16xf32>
        %add3A_856 = arith.addf %min3A_618, %add3A_855 : vector<16xf32>
        tpu.vector_store_idx %arg9[%or3A_802], %add3A_856 {add = true} : memref<32768xf32, #tpu.memory_space<vmem>>[vector<16xi32>], vector<16xf32>,
        %add3A_857 = arith.constant 2.048000e+03 : f32
        %add3A_858 = vector.broadcast %add3A_857 : f32 to vector<16xf32>
        %add3A_859 = arith.addf %min3A_621, %add3A_858 : vector<16xf32>
        tpu.vector_store_idx %arg9[%or3A_807], %add3A_859 {add = true} : memref<32768xf32, #tpu.memory_space<vmem>>[vector<16xi32>], vector<16xf32>,
        %add3A_860 = arith.constant 2.048000e+03 : f32
        %add3A_861 = vector.broadcast %add3A_860 : f32 to vector<16xf32>
        %add3A_862 = arith.addf %min3A_624, %add3A_861 : vector<16xf32>
        tpu.vector_store_idx %arg9[%or3A_812], %add3A_862 {add = true} : memref<32768xf32, #tpu.memory_space<vmem>>[vector<16xi32>], vector<16xf32>,
        %add3A_863 = arith.constant 2.048000e+03 : f32
        %add3A_864 = vector.broadcast %add3A_863 : f32 to vector<16xf32>
        %add3A_865 = arith.addf %min3A_627, %add3A_864 : vector<16xf32>
        tpu.vector_store_idx %arg9[%or3A_817], %add3A_865 {add = true} : memref<32768xf32, #tpu.memory_space<vmem>>[vector<16xi32>], vector<16xf32>,
      }
      %scan3A_150 = arith.constant 32 : i32
      %add3A_151 = arith.constant 2 : i32
      %add3A_152 = arith.addi %add3A_126, %add3A_151 : i32
      %lt3A_153 = arith.constant 8 : i32
      %lt3A_154 = arith.cmpi slt, %add3A_152, %lt3A_153 : i32
      %convert_element_type3A_155 = arith.extui %lt3A_154 : i1 to i32
      %cond3A_156 = arith.constant 0 : i32
      %cond3A_157 = arith.cmpi ne, %convert_element_type3A_155, %cond3A_156 : i32
      scf.if %cond3A_157 {
        %add3A_158 = arith.constant 2 : i32
        %add3A_159 = arith.addi %add3A_126, %add3A_158 : i32
        %mul3A_160 = arith.constant 16 : i32
        %mul3A_161 = arith.muli %add3A_159, %mul3A_160 : i32
        %add3A_162 = arith.addi %mul3A_38, %mul3A_161 : i32
        %multiple_of3A_163 = tpu.assume_multiple %add3A_162, 16 : i32
        %dma_start3A_164 = arith.constant 0 : i32
        %dma_start3A_165 = tpu.memref_slice %arg2[%add3A, %multiple_of3A_163, %dma_start3A_164] : memref<8x512x512xf32, #tpu.memory_space<hbm>> -> memref<1x16x512xf32, #tpu.memory_space<hbm>>
        %dma_start3A_166 = tpu.memref_squeeze %dma_start3A_165 : memref<1x16x512xf32, #tpu.memory_space<hbm>> -> memref<16x512xf32, #tpu.memory_space<hbm>>
        %dma_start3A_167 = arith.constant 0 : i32
        %dma_start3A_168 = tpu.memref_slice %arg2[%add3A, %multiple_of3A_163, %dma_start3A_167] : memref<8x512x512xf32, #tpu.memory_space<hbm>> -> memref<1x16x512xf32, #tpu.memory_space<hbm>>
        %dma_start3A_169 = tpu.memref_squeeze %dma_start3A_168 : memref<1x16x512xf32, #tpu.memory_space<hbm>> -> memref<16x512xf32, #tpu.memory_space<hbm>>
        tpu.enqueue_dma source(%dma_start3A_169 : memref<16x512xf32, #tpu.memory_space<hbm>>) target(%arg7 : memref<16x512xf32, #tpu.memory_space<vmem>>) target_semaphore(%arg16 : memref<!tpu.dma_semaphore, #tpu.memory_space<semaphore_mem>>)
        %dma_start3A_170 = arith.constant 0 : i32
        %dma_start3A_171 = tpu.memref_slice %arg3[%add3A, %multiple_of3A_163, %dma_start3A_170] : memref<8x512x512xi32, #tpu.memory_space<hbm>> -> memref<1x16x512xi32, #tpu.memory_space<hbm>>
        %dma_start3A_172 = tpu.memref_squeeze %dma_start3A_171 : memref<1x16x512xi32, #tpu.memory_space<hbm>> -> memref<16x512xi32, #tpu.memory_space<hbm>>
        %dma_start3A_173 = arith.constant 0 : i32
        %dma_start3A_174 = tpu.memref_slice %arg3[%add3A, %multiple_of3A_163, %dma_start3A_173] : memref<8x512x512xi32, #tpu.memory_space<hbm>> -> memref<1x16x512xi32, #tpu.memory_space<hbm>>
        %dma_start3A_175 = tpu.memref_squeeze %dma_start3A_174 : memref<1x16x512xi32, #tpu.memory_space<hbm>> -> memref<16x512xi32, #tpu.memory_space<hbm>>
        tpu.enqueue_dma source(%dma_start3A_175 : memref<16x512xi32, #tpu.memory_space<hbm>>) target(%arg8 : memref<16x512xi32, #tpu.memory_space<vmem>>) target_semaphore(%arg17 : memref<!tpu.dma_semaphore, #tpu.memory_space<semaphore_mem>>)
      } else {
      }
    }
    %scan3A_78 = arith.constant 4 : i32
    %scan3A_79 = arith.constant 0 : i32
    %scan3A_80 = arith.constant 0 : i32
    %scan3A_81 = arith.constant 128 : i32
    %scan3A_82 = arith.addi %scan3A_80, %scan3A_81 : i32
    %scan3A_83 = arith.constant 1 : i32
    scf.for %scan3A_88 = %scan3A_80 to %scan3A_82 step %scan3A_83  : i32 {
      %jit3A_89 = arith.constant 64 : i32
      %div3A_90 = arith.divsi %scan3A_88, %jit3A_89 : i32
      %sign3A_91 = arith.constant 0 : i32
      %sign3A_92 = arith.cmpi sgt, %scan3A_88, %sign3A_91 : i32
      %sign3A_93 = arith.extui %sign3A_92 : i1 to i32
      %sign3A_94 = arith.constant 0 : i32
      %sign3A_95 = arith.cmpi slt, %scan3A_88, %sign3A_94 : i32
      %sign3A_96 = arith.extui %sign3A_95 : i1 to i32
      %sign3A_97 = arith.subi %sign3A_93, %sign3A_96 : i32
      %sign3A_98 = arith.constant 0 : i32
      %sign3A_99 = arith.cmpi sgt, %jit3A_89, %sign3A_98 : i32
      %sign3A_100 = arith.extui %sign3A_99 : i1 to i32
      %sign3A_101 = arith.constant 0 : i32
      %sign3A_102 = arith.cmpi slt, %jit3A_89, %sign3A_101 : i32
      %sign3A_103 = arith.extui %sign3A_102 : i1 to i32
      %sign3A_104 = arith.subi %sign3A_100, %sign3A_103 : i32
      %ne3A_105 = arith.cmpi ne, %sign3A_97, %sign3A_104 : i32
      %rem3A_106 = arith.remsi %scan3A_88, %jit3A_89 : i32
      %ne3A_107 = arith.constant 0 : i32
      %ne3A_108 = arith.cmpi ne, %rem3A_106, %ne3A_107 : i32
      %and3A_109 = arith.andi %ne3A_105, %ne3A_108 : i1
      %sub3A_110 = arith.constant 1 : i32
      %sub3A_111 = arith.subi %div3A_90, %sub3A_110 : i32
      %select_n3A_112 = arith.select %and3A_109, %sub3A_111, %div3A_90 : i32
      %jit3A_113 = arith.constant 64 : i32
      %eq3A_114 = arith.constant 0 : i32
      %eq3A_115 = arith.cmpi eq, %jit3A_113, %eq3A_114 : i32
      %jit3A_116 = arith.constant 1 : i32
      %select_n3A_117 = arith.select %eq3A_115, %jit3A_116, %jit3A_113 : i32
      %rem3A_118 = arith.remsi %scan3A_88, %select_n3A_117 : i32
      %ne3A_119 = arith.constant 0 : i32
      %ne3A_120 = arith.cmpi ne, %rem3A_118, %ne3A_119 : i32
      %lt3A_121 = arith.constant 0 : i32
      %lt3A_122 = arith.cmpi slt, %rem3A_118, %lt3A_121 : i32
      %lt3A_123 = arith.constant 0 : i32
      %lt3A_124 = arith.cmpi slt, %select_n3A_117, %lt3A_123 : i32
      %ne3A_125 = arith.xori %lt3A_122, %lt3A_124 : i1
      %and3A_126 = arith.andi %ne3A_125, %ne3A_120 : i1
      %add3A_127 = arith.addi %rem3A_118, %select_n3A_117 : i32
      %select_n3A_128 = arith.select %and3A_126, %add3A_127, %rem3A_118 : i32
      %mul3A_129 = arith.constant 16384 : i32
      %mul3A_130 = arith.muli %select_n3A_112, %mul3A_129 : i32
      %add3A_131 = arith.constant 0 : i32
      %add3A_132 = arith.addi %mul3A_130, %add3A_131 : i32
      %mul3A_133 = arith.constant 16 : i32
      %mul3A_134 = arith.muli %select_n3A_128, %mul3A_133 : i32
      %add3A_135 = arith.addi %add3A_132, %mul3A_134 : i32
      %get3A = arith.index_cast %add3A_135 : i32 to index
      %get3A_136 = tpu.vector_load %arg9[%get3A] {strides = array<i32>} : memref<32768xf32, #tpu.memory_space<vmem>>, vector<16xf32>,
      %mul3A_137 = arith.constant 16384 : i32
      %mul3A_138 = arith.muli %select_n3A_112, %mul3A_137 : i32
      %add3A_139 = arith.constant 1024 : i32
      %add3A_140 = arith.addi %mul3A_138, %add3A_139 : i32
      %mul3A_141 = arith.constant 16 : i32
      %mul3A_142 = arith.muli %select_n3A_128, %mul3A_141 : i32
      %add3A_143 = arith.addi %add3A_140, %mul3A_142 : i32
      %get3A_144 = arith.index_cast %add3A_143 : i32 to index
      %get3A_145 = tpu.vector_load %arg9[%get3A_144] {strides = array<i32>} : memref<32768xf32, #tpu.memory_space<vmem>>, vector<16xf32>,
      %mul3A_146 = arith.constant 16384 : i32
      %mul3A_147 = arith.muli %select_n3A_112, %mul3A_146 : i32
      %add3A_148 = arith.constant 2048 : i32
      %add3A_149 = arith.addi %mul3A_147, %add3A_148 : i32
      %mul3A_150 = arith.constant 16 : i32
      %mul3A_151 = arith.muli %select_n3A_128, %mul3A_150 : i32
      %add3A_152 = arith.addi %add3A_149, %mul3A_151 : i32
      %get3A_153 = arith.index_cast %add3A_152 : i32 to index
      %get3A_154 = tpu.vector_load %arg9[%get3A_153] {strides = array<i32>} : memref<32768xf32, #tpu.memory_space<vmem>>, vector<16xf32>,
      %mul3A_155 = arith.constant 16384 : i32
      %mul3A_156 = arith.muli %select_n3A_112, %mul3A_155 : i32
      %add3A_157 = arith.constant 3072 : i32
      %add3A_158 = arith.addi %mul3A_156, %add3A_157 : i32
      %mul3A_159 = arith.constant 16 : i32
      %mul3A_160 = arith.muli %select_n3A_128, %mul3A_159 : i32
      %add3A_161 = arith.addi %add3A_158, %mul3A_160 : i32
      %get3A_162 = arith.index_cast %add3A_161 : i32 to index
      %get3A_163 = tpu.vector_load %arg9[%get3A_162] {strides = array<i32>} : memref<32768xf32, #tpu.memory_space<vmem>>, vector<16xf32>,
      %mul3A_164 = arith.constant 16384 : i32
      %mul3A_165 = arith.muli %select_n3A_112, %mul3A_164 : i32
      %add3A_166 = arith.constant 4096 : i32
      %add3A_167 = arith.addi %mul3A_165, %add3A_166 : i32
      %mul3A_168 = arith.constant 16 : i32
      %mul3A_169 = arith.muli %select_n3A_128, %mul3A_168 : i32
      %add3A_170 = arith.addi %add3A_167, %mul3A_169 : i32
      %get3A_171 = arith.index_cast %add3A_170 : i32 to index
      %get3A_172 = tpu.vector_load %arg9[%get3A_171] {strides = array<i32>} : memref<32768xf32, #tpu.memory_space<vmem>>, vector<16xf32>,
      %mul3A_173 = arith.constant 16384 : i32
      %mul3A_174 = arith.muli %select_n3A_112, %mul3A_173 : i32
      %add3A_175 = arith.constant 5120 : i32
      %add3A_176 = arith.addi %mul3A_174, %add3A_175 : i32
      %mul3A_177 = arith.constant 16 : i32
      %mul3A_178 = arith.muli %select_n3A_128, %mul3A_177 : i32
      %add3A_179 = arith.addi %add3A_176, %mul3A_178 : i32
      %get3A_180 = arith.index_cast %add3A_179 : i32 to index
      %get3A_181 = tpu.vector_load %arg9[%get3A_180] {strides = array<i32>} : memref<32768xf32, #tpu.memory_space<vmem>>, vector<16xf32>,
      %mul3A_182 = arith.constant 16384 : i32
      %mul3A_183 = arith.muli %select_n3A_112, %mul3A_182 : i32
      %add3A_184 = arith.constant 6144 : i32
      %add3A_185 = arith.addi %mul3A_183, %add3A_184 : i32
      %mul3A_186 = arith.constant 16 : i32
      %mul3A_187 = arith.muli %select_n3A_128, %mul3A_186 : i32
      %add3A_188 = arith.addi %add3A_185, %mul3A_187 : i32
      %get3A_189 = arith.index_cast %add3A_188 : i32 to index
      %get3A_190 = tpu.vector_load %arg9[%get3A_189] {strides = array<i32>} : memref<32768xf32, #tpu.memory_space<vmem>>, vector<16xf32>,
      %mul3A_191 = arith.constant 16384 : i32
      %mul3A_192 = arith.muli %select_n3A_112, %mul3A_191 : i32
      %add3A_193 = arith.constant 7168 : i32
      %add3A_194 = arith.addi %mul3A_192, %add3A_193 : i32
      %mul3A_195 = arith.constant 16 : i32
      %mul3A_196 = arith.muli %select_n3A_128, %mul3A_195 : i32
      %add3A_197 = arith.addi %add3A_194, %mul3A_196 : i32
      %get3A_198 = arith.index_cast %add3A_197 : i32 to index
      %get3A_199 = tpu.vector_load %arg9[%get3A_198] {strides = array<i32>} : memref<32768xf32, #tpu.memory_space<vmem>>, vector<16xf32>,
      %mul3A_200 = arith.constant 16384 : i32
      %mul3A_201 = arith.muli %select_n3A_112, %mul3A_200 : i32
      %add3A_202 = arith.constant 8192 : i32
      %add3A_203 = arith.addi %mul3A_201, %add3A_202 : i32
      %mul3A_204 = arith.constant 16 : i32
      %mul3A_205 = arith.muli %select_n3A_128, %mul3A_204 : i32
      %add3A_206 = arith.addi %add3A_203, %mul3A_205 : i32
      %get3A_207 = arith.index_cast %add3A_206 : i32 to index
      %get3A_208 = tpu.vector_load %arg9[%get3A_207] {strides = array<i32>} : memref<32768xf32, #tpu.memory_space<vmem>>, vector<16xf32>,
      %mul3A_209 = arith.constant 16384 : i32
      %mul3A_210 = arith.muli %select_n3A_112, %mul3A_209 : i32
      %add3A_211 = arith.constant 9216 : i32
      %add3A_212 = arith.addi %mul3A_210, %add3A_211 : i32
      %mul3A_213 = arith.constant 16 : i32
      %mul3A_214 = arith.muli %select_n3A_128, %mul3A_213 : i32
      %add3A_215 = arith.addi %add3A_212, %mul3A_214 : i32
      %get3A_216 = arith.index_cast %add3A_215 : i32 to index
      %get3A_217 = tpu.vector_load %arg9[%get3A_216] {strides = array<i32>} : memref<32768xf32, #tpu.memory_space<vmem>>, vector<16xf32>,
      %mul3A_218 = arith.constant 16384 : i32
      %mul3A_219 = arith.muli %select_n3A_112, %mul3A_218 : i32
      %add3A_220 = arith.constant 10240 : i32
      %add3A_221 = arith.addi %mul3A_219, %add3A_220 : i32
      %mul3A_222 = arith.constant 16 : i32
      %mul3A_223 = arith.muli %select_n3A_128, %mul3A_222 : i32
      %add3A_224 = arith.addi %add3A_221, %mul3A_223 : i32
      %get3A_225 = arith.index_cast %add3A_224 : i32 to index
      %get3A_226 = tpu.vector_load %arg9[%get3A_225] {strides = array<i32>} : memref<32768xf32, #tpu.memory_space<vmem>>, vector<16xf32>,
      %mul3A_227 = arith.constant 16384 : i32
      %mul3A_228 = arith.muli %select_n3A_112, %mul3A_227 : i32
      %add3A_229 = arith.constant 11264 : i32
      %add3A_230 = arith.addi %mul3A_228, %add3A_229 : i32
      %mul3A_231 = arith.constant 16 : i32
      %mul3A_232 = arith.muli %select_n3A_128, %mul3A_231 : i32
      %add3A_233 = arith.addi %add3A_230, %mul3A_232 : i32
      %get3A_234 = arith.index_cast %add3A_233 : i32 to index
      %get3A_235 = tpu.vector_load %arg9[%get3A_234] {strides = array<i32>} : memref<32768xf32, #tpu.memory_space<vmem>>, vector<16xf32>,
      %mul3A_236 = arith.constant 16384 : i32
      %mul3A_237 = arith.muli %select_n3A_112, %mul3A_236 : i32
      %add3A_238 = arith.constant 12288 : i32
      %add3A_239 = arith.addi %mul3A_237, %add3A_238 : i32
      %mul3A_240 = arith.constant 16 : i32
      %mul3A_241 = arith.muli %select_n3A_128, %mul3A_240 : i32
      %add3A_242 = arith.addi %add3A_239, %mul3A_241 : i32
      %get3A_243 = arith.index_cast %add3A_242 : i32 to index
      %get3A_244 = tpu.vector_load %arg9[%get3A_243] {strides = array<i32>} : memref<32768xf32, #tpu.memory_space<vmem>>, vector<16xf32>,
      %mul3A_245 = arith.constant 16384 : i32
      %mul3A_246 = arith.muli %select_n3A_112, %mul3A_245 : i32
      %add3A_247 = arith.constant 13312 : i32
      %add3A_248 = arith.addi %mul3A_246, %add3A_247 : i32
      %mul3A_249 = arith.constant 16 : i32
      %mul3A_250 = arith.muli %select_n3A_128, %mul3A_249 : i32
      %add3A_251 = arith.addi %add3A_248, %mul3A_250 : i32
      %get3A_252 = arith.index_cast %add3A_251 : i32 to index
      %get3A_253 = tpu.vector_load %arg9[%get3A_252] {strides = array<i32>} : memref<32768xf32, #tpu.memory_space<vmem>>, vector<16xf32>,
      %mul3A_254 = arith.constant 16384 : i32
      %mul3A_255 = arith.muli %select_n3A_112, %mul3A_254 : i32
      %add3A_256 = arith.constant 14336 : i32
      %add3A_257 = arith.addi %mul3A_255, %add3A_256 : i32
      %mul3A_258 = arith.constant 16 : i32
      %mul3A_259 = arith.muli %select_n3A_128, %mul3A_258 : i32
      %add3A_260 = arith.addi %add3A_257, %mul3A_259 : i32
      %get3A_261 = arith.index_cast %add3A_260 : i32 to index
      %get3A_262 = tpu.vector_load %arg9[%get3A_261] {strides = array<i32>} : memref<32768xf32, #tpu.memory_space<vmem>>, vector<16xf32>,
      %mul3A_263 = arith.constant 16384 : i32
      %mul3A_264 = arith.muli %select_n3A_112, %mul3A_263 : i32
      %add3A_265 = arith.constant 15360 : i32
      %add3A_266 = arith.addi %mul3A_264, %add3A_265 : i32
      %mul3A_267 = arith.constant 16 : i32
      %mul3A_268 = arith.muli %select_n3A_128, %mul3A_267 : i32
      %add3A_269 = arith.addi %add3A_266, %mul3A_268 : i32
      %get3A_270 = arith.index_cast %add3A_269 : i32 to index
      %get3A_271 = tpu.vector_load %arg9[%get3A_270] {strides = array<i32>} : memref<32768xf32, #tpu.memory_space<vmem>>, vector<16xf32>,
      %add3A_272 = arith.addf %get3A_136, %get3A_145 : vector<16xf32>
      %add3A_273 = arith.addf %get3A_154, %get3A_163 : vector<16xf32>
      %add3A_274 = arith.addf %get3A_172, %get3A_181 : vector<16xf32>
      %add3A_275 = arith.addf %get3A_190, %get3A_199 : vector<16xf32>
      %add3A_276 = arith.addf %get3A_208, %get3A_217 : vector<16xf32>
      %add3A_277 = arith.addf %get3A_226, %get3A_235 : vector<16xf32>
      %add3A_278 = arith.addf %get3A_244, %get3A_253 : vector<16xf32>
      %add3A_279 = arith.addf %get3A_262, %get3A_271 : vector<16xf32>
      %add3A_280 = arith.addf %add3A_272, %add3A_273 : vector<16xf32>
      %add3A_281 = arith.addf %add3A_274, %add3A_275 : vector<16xf32>
      %add3A_282 = arith.addf %add3A_276, %add3A_277 : vector<16xf32>
      %add3A_283 = arith.addf %add3A_278, %add3A_279 : vector<16xf32>
      %add3A_284 = arith.addf %add3A_280, %add3A_281 : vector<16xf32>
      %add3A_285 = arith.addf %add3A_282, %add3A_283 : vector<16xf32>
      %add3A_286 = arith.addf %add3A_284, %add3A_285 : vector<16xf32>
      %mul3A_287 = arith.constant 16 : i32
      %mul3A_288 = arith.muli %scan3A_88, %mul3A_287 : i32
      %swap3A = arith.index_cast %mul3A_288 : i32 to index
      %swap3A_289 = tpu.vector_load %arg10[%swap3A] {strides = array<i32>} : memref<2048xf32, #tpu.memory_space<vmem>>, vector<16xf32>,
      tpu.vector_store %arg10[%swap3A], %add3A_286 {strides = array<i32>} : memref<2048xf32, #tpu.memory_space<vmem>>, vector<16xf32>,
    }
    %scan3A_84 = arith.constant 128 : i32
    "tpu.region"() ({
      %run_scoped3A = tpu.sem_alloc : memref<!tpu.dma_semaphore, #tpu.memory_space<semaphore_mem>>
      %dma_start3A_88 = arith.constant 0 : i32
      %dma_start3A_89 = tpu.memref_slice %arg13[%arg1, %dma_start3A_88] : memref<16x2048xf32, #tpu.memory_space<vmem_shared>> -> memref<1x2048xf32, #tpu.memory_space<vmem_shared>>
      %dma_start3A_90 = tpu.memref_squeeze %dma_start3A_89 : memref<1x2048xf32, #tpu.memory_space<vmem_shared>> -> memref<2048xf32, #tpu.memory_space<vmem_shared>>
      %dma_start3A_91 = arith.constant 0 : i32
      %dma_start3A_92 = tpu.memref_slice %arg13[%arg1, %dma_start3A_91] : memref<16x2048xf32, #tpu.memory_space<vmem_shared>> -> memref<1x2048xf32, #tpu.memory_space<vmem_shared>>
      %dma_start3A_93 = tpu.memref_squeeze %dma_start3A_92 : memref<1x2048xf32, #tpu.memory_space<vmem_shared>> -> memref<2048xf32, #tpu.memory_space<vmem_shared>>
      tpu.enqueue_dma source(%arg10 : memref<2048xf32, #tpu.memory_space<vmem>>) target(%dma_start3A_93 : memref<2048xf32, #tpu.memory_space<vmem_shared>>) target_semaphore(%run_scoped3A : memref<!tpu.dma_semaphore, #tpu.memory_space<semaphore_mem>>)
      %dma_wait3A = arith.constant 0 : i32
      %dma_wait3A_94 = tpu.memref_slice %arg13[%arg1, %dma_wait3A] : memref<16x2048xf32, #tpu.memory_space<vmem_shared>> -> memref<1x2048xf32, #tpu.memory_space<vmem_shared>>
      %dma_wait3A_95 = tpu.memref_squeeze %dma_wait3A_94 : memref<1x2048xf32, #tpu.memory_space<vmem_shared>> -> memref<2048xf32, #tpu.memory_space<vmem_shared>>
      %dma_wait3A_96 = arith.constant 0 : i32
      %dma_wait3A_97 = tpu.memref_slice %arg13[%arg1, %dma_wait3A_96] : memref<16x2048xf32, #tpu.memory_space<vmem_shared>> -> memref<1x2048xf32, #tpu.memory_space<vmem_shared>>
      %dma_wait3A_98 = tpu.memref_squeeze %dma_wait3A_97 : memref<1x2048xf32, #tpu.memory_space<vmem_shared>> -> memref<2048xf32, #tpu.memory_space<vmem_shared>>
      tpu.wait_dma2 semaphore(%run_scoped3A : memref<!tpu.dma_semaphore, #tpu.memory_space<semaphore_mem>>) src(%arg10 : memref<2048xf32, #tpu.memory_space<vmem>>) dst(%dma_wait3A_98 : memref<2048xf32, #tpu.memory_space<vmem_shared>>)
      tpu.yield
    }) : () -> ()
    %barrier3A = arith.constant 0 : index
    tpu.barrier barrier_id(%barrier3A)
    %eq3A_85 = arith.constant 0 : i32
    %eq3A_86 = arith.cmpi eq, %select_n3A_30, %eq3A_85 : i32
    %convert_element_type3A = arith.extui %eq3A_86 : i1 to i32
    %cond3A = arith.constant 0 : i32
    %cond3A_87 = arith.cmpi ne, %convert_element_type3A, %cond3A : i32
    scf.if %cond3A_87 {
      %add3A_88 = arith.constant 1 : i32
      %add3A_89 = arith.addi %arg1, %add3A_88 : i32
      "tpu.region"() ({
        %run_scoped3A = tpu.sem_alloc : memref<!tpu.dma_semaphore, #tpu.memory_space<semaphore_mem>>
        %dma_start3A_146 = arith.constant 0 : i32
        %dma_start3A_147 = tpu.memref_slice %arg13[%add3A_89, %dma_start3A_146] : memref<16x2048xf32, #tpu.memory_space<vmem_shared>> -> memref<1x2048xf32, #tpu.memory_space<vmem_shared>>
        %dma_start3A_148 = tpu.memref_squeeze %dma_start3A_147 : memref<1x2048xf32, #tpu.memory_space<vmem_shared>> -> memref<2048xf32, #tpu.memory_space<vmem_shared>>
        %dma_start3A_149 = arith.constant 0 : i32
        %dma_start3A_150 = tpu.memref_slice %arg13[%add3A_89, %dma_start3A_149] : memref<16x2048xf32, #tpu.memory_space<vmem_shared>> -> memref<1x2048xf32, #tpu.memory_space<vmem_shared>>
        %dma_start3A_151 = tpu.memref_squeeze %dma_start3A_150 : memref<1x2048xf32, #tpu.memory_space<vmem_shared>> -> memref<2048xf32, #tpu.memory_space<vmem_shared>>
        tpu.enqueue_dma source(%dma_start3A_151 : memref<2048xf32, #tpu.memory_space<vmem_shared>>) target(%arg11 : memref<2048xf32, #tpu.memory_space<vmem>>) target_semaphore(%run_scoped3A : memref<!tpu.dma_semaphore, #tpu.memory_space<semaphore_mem>>)
        %dma_wait3A = arith.constant 0 : i32
        %dma_wait3A_152 = tpu.memref_slice %arg13[%add3A_89, %dma_wait3A] : memref<16x2048xf32, #tpu.memory_space<vmem_shared>> -> memref<1x2048xf32, #tpu.memory_space<vmem_shared>>
        %dma_wait3A_153 = tpu.memref_squeeze %dma_wait3A_152 : memref<1x2048xf32, #tpu.memory_space<vmem_shared>> -> memref<2048xf32, #tpu.memory_space<vmem_shared>>
        %dma_wait3A_154 = arith.constant 0 : i32
        %dma_wait3A_155 = tpu.memref_slice %arg13[%add3A_89, %dma_wait3A_154] : memref<16x2048xf32, #tpu.memory_space<vmem_shared>> -> memref<1x2048xf32, #tpu.memory_space<vmem_shared>>
        %dma_wait3A_156 = tpu.memref_squeeze %dma_wait3A_155 : memref<1x2048xf32, #tpu.memory_space<vmem_shared>> -> memref<2048xf32, #tpu.memory_space<vmem_shared>>
        tpu.wait_dma2 semaphore(%run_scoped3A : memref<!tpu.dma_semaphore, #tpu.memory_space<semaphore_mem>>) src(%dma_wait3A_156 : memref<2048xf32, #tpu.memory_space<vmem_shared>>) dst(%arg11 : memref<2048xf32, #tpu.memory_space<vmem>>)
        tpu.yield
      }) : () -> ()
      %scan3A_90 = arith.constant 0 : i32
      %scan3A_91 = arith.constant 0 : i32
      %scan3A_92 = arith.constant 128 : i32
      %scan3A_93 = arith.addi %scan3A_91, %scan3A_92 : i32
      %scan3A_94 = arith.constant 1 : i32
      scf.for %scan3A_146 = %scan3A_91 to %scan3A_93 step %scan3A_94  : i32 {
        %mul3A_147 = arith.constant 16 : i32
        %mul3A_148 = arith.muli %scan3A_146, %mul3A_147 : i32
        %get3A = arith.index_cast %mul3A_148 : i32 to index
        %get3A_149 = tpu.vector_load %arg10[%get3A] {strides = array<i32>} : memref<2048xf32, #tpu.memory_space<vmem>>, vector<16xf32>,
        %mul3A_150 = arith.constant 16 : i32
        %mul3A_151 = arith.muli %scan3A_146, %mul3A_150 : i32
        %get3A_152 = arith.index_cast %mul3A_151 : i32 to index
        %get3A_153 = tpu.vector_load %arg11[%get3A_152] {strides = array<i32>} : memref<2048xf32, #tpu.memory_space<vmem>>, vector<16xf32>,
        %add3A_154 = arith.addf %get3A_149, %get3A_153 : vector<16xf32>
        %mul3A_155 = arith.constant 16 : i32
        %mul3A_156 = arith.muli %scan3A_146, %mul3A_155 : i32
        %swap3A_157 = arith.index_cast %mul3A_156 : i32 to index
        %swap3A_158 = tpu.vector_load %arg10[%swap3A_157] {strides = array<i32>} : memref<2048xf32, #tpu.memory_space<vmem>>, vector<16xf32>,
        tpu.vector_store %arg10[%swap3A_157], %add3A_154 {strides = array<i32>} : memref<2048xf32, #tpu.memory_space<vmem>>, vector<16xf32>,
      }
      %scan3A_95 = arith.constant 128 : i32
      %add3A_96 = arith.constant 2 : i32
      %add3A_97 = arith.addi %arg1, %add3A_96 : i32
      "tpu.region"() ({
        %run_scoped3A = tpu.sem_alloc : memref<!tpu.dma_semaphore, #tpu.memory_space<semaphore_mem>>
        %dma_start3A_146 = arith.constant 0 : i32
        %dma_start3A_147 = tpu.memref_slice %arg13[%add3A_97, %dma_start3A_146] : memref<16x2048xf32, #tpu.memory_space<vmem_shared>> -> memref<1x2048xf32, #tpu.memory_space<vmem_shared>>
        %dma_start3A_148 = tpu.memref_squeeze %dma_start3A_147 : memref<1x2048xf32, #tpu.memory_space<vmem_shared>> -> memref<2048xf32, #tpu.memory_space<vmem_shared>>
        %dma_start3A_149 = arith.constant 0 : i32
        %dma_start3A_150 = tpu.memref_slice %arg13[%add3A_97, %dma_start3A_149] : memref<16x2048xf32, #tpu.memory_space<vmem_shared>> -> memref<1x2048xf32, #tpu.memory_space<vmem_shared>>
        %dma_start3A_151 = tpu.memref_squeeze %dma_start3A_150 : memref<1x2048xf32, #tpu.memory_space<vmem_shared>> -> memref<2048xf32, #tpu.memory_space<vmem_shared>>
        tpu.enqueue_dma source(%dma_start3A_151 : memref<2048xf32, #tpu.memory_space<vmem_shared>>) target(%arg11 : memref<2048xf32, #tpu.memory_space<vmem>>) target_semaphore(%run_scoped3A : memref<!tpu.dma_semaphore, #tpu.memory_space<semaphore_mem>>)
        %dma_wait3A = arith.constant 0 : i32
        %dma_wait3A_152 = tpu.memref_slice %arg13[%add3A_97, %dma_wait3A] : memref<16x2048xf32, #tpu.memory_space<vmem_shared>> -> memref<1x2048xf32, #tpu.memory_space<vmem_shared>>
        %dma_wait3A_153 = tpu.memref_squeeze %dma_wait3A_152 : memref<1x2048xf32, #tpu.memory_space<vmem_shared>> -> memref<2048xf32, #tpu.memory_space<vmem_shared>>
        %dma_wait3A_154 = arith.constant 0 : i32
        %dma_wait3A_155 = tpu.memref_slice %arg13[%add3A_97, %dma_wait3A_154] : memref<16x2048xf32, #tpu.memory_space<vmem_shared>> -> memref<1x2048xf32, #tpu.memory_space<vmem_shared>>
        %dma_wait3A_156 = tpu.memref_squeeze %dma_wait3A_155 : memref<1x2048xf32, #tpu.memory_space<vmem_shared>> -> memref<2048xf32, #tpu.memory_space<vmem_shared>>
        tpu.wait_dma2 semaphore(%run_scoped3A : memref<!tpu.dma_semaphore, #tpu.memory_space<semaphore_mem>>) src(%dma_wait3A_156 : memref<2048xf32, #tpu.memory_space<vmem_shared>>) dst(%arg11 : memref<2048xf32, #tpu.memory_space<vmem>>)
        tpu.yield
      }) : () -> ()
      %scan3A_98 = arith.constant 0 : i32
      %scan3A_99 = arith.constant 0 : i32
      %scan3A_100 = arith.constant 128 : i32
      %scan3A_101 = arith.addi %scan3A_99, %scan3A_100 : i32
      %scan3A_102 = arith.constant 1 : i32
      scf.for %scan3A_146 = %scan3A_99 to %scan3A_101 step %scan3A_102  : i32 {
        %mul3A_147 = arith.constant 16 : i32
        %mul3A_148 = arith.muli %scan3A_146, %mul3A_147 : i32
        %get3A = arith.index_cast %mul3A_148 : i32 to index
        %get3A_149 = tpu.vector_load %arg10[%get3A] {strides = array<i32>} : memref<2048xf32, #tpu.memory_space<vmem>>, vector<16xf32>,
        %mul3A_150 = arith.constant 16 : i32
        %mul3A_151 = arith.muli %scan3A_146, %mul3A_150 : i32
        %get3A_152 = arith.index_cast %mul3A_151 : i32 to index
        %get3A_153 = tpu.vector_load %arg11[%get3A_152] {strides = array<i32>} : memref<2048xf32, #tpu.memory_space<vmem>>, vector<16xf32>,
        %add3A_154 = arith.addf %get3A_149, %get3A_153 : vector<16xf32>
        %mul3A_155 = arith.constant 16 : i32
        %mul3A_156 = arith.muli %scan3A_146, %mul3A_155 : i32
        %swap3A_157 = arith.index_cast %mul3A_156 : i32 to index
        %swap3A_158 = tpu.vector_load %arg10[%swap3A_157] {strides = array<i32>} : memref<2048xf32, #tpu.memory_space<vmem>>, vector<16xf32>,
        tpu.vector_store %arg10[%swap3A_157], %add3A_154 {strides = array<i32>} : memref<2048xf32, #tpu.memory_space<vmem>>, vector<16xf32>,
      }
      %scan3A_103 = arith.constant 128 : i32
      %add3A_104 = arith.constant 3 : i32
      %add3A_105 = arith.addi %arg1, %add3A_104 : i32
      "tpu.region"() ({
        %run_scoped3A = tpu.sem_alloc : memref<!tpu.dma_semaphore, #tpu.memory_space<semaphore_mem>>
        %dma_start3A_146 = arith.constant 0 : i32
        %dma_start3A_147 = tpu.memref_slice %arg13[%add3A_105, %dma_start3A_146] : memref<16x2048xf32, #tpu.memory_space<vmem_shared>> -> memref<1x2048xf32, #tpu.memory_space<vmem_shared>>
        %dma_start3A_148 = tpu.memref_squeeze %dma_start3A_147 : memref<1x2048xf32, #tpu.memory_space<vmem_shared>> -> memref<2048xf32, #tpu.memory_space<vmem_shared>>
        %dma_start3A_149 = arith.constant 0 : i32
        %dma_start3A_150 = tpu.memref_slice %arg13[%add3A_105, %dma_start3A_149] : memref<16x2048xf32, #tpu.memory_space<vmem_shared>> -> memref<1x2048xf32, #tpu.memory_space<vmem_shared>>
        %dma_start3A_151 = tpu.memref_squeeze %dma_start3A_150 : memref<1x2048xf32, #tpu.memory_space<vmem_shared>> -> memref<2048xf32, #tpu.memory_space<vmem_shared>>
        tpu.enqueue_dma source(%dma_start3A_151 : memref<2048xf32, #tpu.memory_space<vmem_shared>>) target(%arg11 : memref<2048xf32, #tpu.memory_space<vmem>>) target_semaphore(%run_scoped3A : memref<!tpu.dma_semaphore, #tpu.memory_space<semaphore_mem>>)
        %dma_wait3A = arith.constant 0 : i32
        %dma_wait3A_152 = tpu.memref_slice %arg13[%add3A_105, %dma_wait3A] : memref<16x2048xf32, #tpu.memory_space<vmem_shared>> -> memref<1x2048xf32, #tpu.memory_space<vmem_shared>>
        %dma_wait3A_153 = tpu.memref_squeeze %dma_wait3A_152 : memref<1x2048xf32, #tpu.memory_space<vmem_shared>> -> memref<2048xf32, #tpu.memory_space<vmem_shared>>
        %dma_wait3A_154 = arith.constant 0 : i32
        %dma_wait3A_155 = tpu.memref_slice %arg13[%add3A_105, %dma_wait3A_154] : memref<16x2048xf32, #tpu.memory_space<vmem_shared>> -> memref<1x2048xf32, #tpu.memory_space<vmem_shared>>
        %dma_wait3A_156 = tpu.memref_squeeze %dma_wait3A_155 : memref<1x2048xf32, #tpu.memory_space<vmem_shared>> -> memref<2048xf32, #tpu.memory_space<vmem_shared>>
        tpu.wait_dma2 semaphore(%run_scoped3A : memref<!tpu.dma_semaphore, #tpu.memory_space<semaphore_mem>>) src(%dma_wait3A_156 : memref<2048xf32, #tpu.memory_space<vmem_shared>>) dst(%arg11 : memref<2048xf32, #tpu.memory_space<vmem>>)
        tpu.yield
      }) : () -> ()
      %scan3A_106 = arith.constant 0 : i32
      %scan3A_107 = arith.constant 0 : i32
      %scan3A_108 = arith.constant 128 : i32
      %scan3A_109 = arith.addi %scan3A_107, %scan3A_108 : i32
      %scan3A_110 = arith.constant 1 : i32
      scf.for %scan3A_146 = %scan3A_107 to %scan3A_109 step %scan3A_110  : i32 {
        %mul3A_147 = arith.constant 16 : i32
        %mul3A_148 = arith.muli %scan3A_146, %mul3A_147 : i32
        %get3A = arith.index_cast %mul3A_148 : i32 to index
        %get3A_149 = tpu.vector_load %arg10[%get3A] {strides = array<i32>} : memref<2048xf32, #tpu.memory_space<vmem>>, vector<16xf32>,
        %mul3A_150 = arith.constant 16 : i32
        %mul3A_151 = arith.muli %scan3A_146, %mul3A_150 : i32
        %get3A_152 = arith.index_cast %mul3A_151 : i32 to index
        %get3A_153 = tpu.vector_load %arg11[%get3A_152] {strides = array<i32>} : memref<2048xf32, #tpu.memory_space<vmem>>, vector<16xf32>,
        %add3A_154 = arith.addf %get3A_149, %get3A_153 : vector<16xf32>
        %mul3A_155 = arith.constant 16 : i32
        %mul3A_156 = arith.muli %scan3A_146, %mul3A_155 : i32
        %swap3A_157 = arith.index_cast %mul3A_156 : i32 to index
        %swap3A_158 = tpu.vector_load %arg10[%swap3A_157] {strides = array<i32>} : memref<2048xf32, #tpu.memory_space<vmem>>, vector<16xf32>,
        tpu.vector_store %arg10[%swap3A_157], %add3A_154 {strides = array<i32>} : memref<2048xf32, #tpu.memory_space<vmem>>, vector<16xf32>,
      }
      %scan3A_111 = arith.constant 128 : i32
      %scan3A_112 = arith.constant 4.8828125E-4 : f32
      %scan3A_113 = arith.constant 0.000000e+00 : f32
      %scan3A_114 = arith.constant 0.000000e+00 : f32
      %scan3A_115 = arith.constant 0 : i32
      %scan3A_116 = arith.constant 64 : i32
      %scan3A_117 = arith.addi %scan3A_115, %scan3A_116 : i32
      %scan3A_118 = arith.constant 1 : i32
      %scan3A_119:4 = scf.for %scan3A_146 = %scan3A_115 to %scan3A_117 step %scan3A_118 iter_args(%scan3A_147 = %scan3A_113, %scan3A_148 = %scan3A_114, %scan3A_149 = %broadcast_in_dim3A_34, %scan3A_150 = %broadcast_in_dim3A_34) -> (f32, f32, vector<16xf32>, vector<16xf32>)  : i32 {
        %mul3A_151 = arith.constant 16 : i32
        %mul3A_152 = arith.muli %scan3A_146, %mul3A_151 : i32
        %sub3A_153 = arith.constant 1008 : i32
        %sub3A_154 = arith.subi %sub3A_153, %mul3A_152 : i32
        %get3A = arith.index_cast %sub3A_154 : i32 to index
        %get3A_155 = tpu.vector_load %arg10[%get3A] {strides = array<i32>} : memref<2048xf32, #tpu.memory_space<vmem>>, vector<16xf32>,
        %rev3A = arith.constant 15 : i32
        %rev3A_156 = vector.broadcast %rev3A : i32 to vector<16xi32>
        %rev3A_157 = tpu.iota {dimensions = array<i32: 0>} : vector<16xi32>
        %rev3A_158 = arith.subi %rev3A_156, %rev3A_157 : vector<16xi32>
        %rev3A_159 = tpu.dynamic_gather %get3A_155[%rev3A_158] in [0] : vector<16xf32>, vector<16xi32> -> vector<16xf32>
        %add3A_160 = arith.constant 1024 : i32
        %add3A_161 = arith.addi %add3A_160, %mul3A_152 : i32
        %get3A_162 = arith.index_cast %add3A_161 : i32 to index
        %get3A_163 = tpu.vector_load %arg10[%get3A_162] {strides = array<i32>} : memref<2048xf32, #tpu.memory_space<vmem>>, vector<16xf32>,
        %mul3A_164 = vector.broadcast %scan3A_112 : f32 to vector<16xf32>
        %mul3A_165 = arith.mulf %rev3A_159, %mul3A_164 : vector<16xf32>
        %convert_element_type3A_166 = arith.fptosi %mul3A_165 : vector<16xf32> to vector<16xi32>
        %convert_element_type3A_167 = arith.sitofp %convert_element_type3A_166 : vector<16xi32> to vector<16xf32>
        %mul3A_168 = vector.broadcast %scan3A_112 : f32 to vector<16xf32>
        %mul3A_169 = arith.mulf %get3A_163, %mul3A_168 : vector<16xf32>
        %convert_element_type3A_170 = arith.fptosi %mul3A_169 : vector<16xf32> to vector<16xi32>
        %convert_element_type3A_171 = arith.sitofp %convert_element_type3A_170 : vector<16xi32> to vector<16xf32>
        %mul3A_172 = arith.constant 2.048000e+03 : f32
        %mul3A_173 = vector.broadcast %mul3A_172 : f32 to vector<16xf32>
        %mul3A_174 = arith.mulf %mul3A_173, %convert_element_type3A_167 : vector<16xf32>
        %sub3A_175 = arith.subf %rev3A_159, %mul3A_174 : vector<16xf32>
        %mul3A_176 = arith.constant 2.048000e+03 : f32
        %mul3A_177 = vector.broadcast %mul3A_176 : f32 to vector<16xf32>
        %mul3A_178 = arith.mulf %mul3A_177, %convert_element_type3A_171 : vector<16xf32>
        %sub3A_179 = arith.subf %get3A_163, %mul3A_178 : vector<16xf32>
        %add3A_180 = arith.addf %convert_element_type3A_167, %convert_element_type3A_171 : vector<16xf32>
        %add3A_181 = arith.addf %sub3A_175, %sub3A_179 : vector<16xf32>
        %broadcast_in_dim3A_182 = arith.constant true
        %broadcast_in_dim3A_183 = vector.broadcast %broadcast_in_dim3A_182 : i1 to vector<16xi1>
        %masked_cumsum3A = tpu.scan <sum>, %add3A_180 masked %broadcast_in_dim3A_183 : vector<16xf32>, vector<16xi1> -> vector<16xf32>
        %broadcast_in_dim3A_184 = arith.constant true
        %broadcast_in_dim3A_185 = vector.broadcast %broadcast_in_dim3A_184 : i1 to vector<16xi1>
        %masked_cumsum3A_186 = tpu.scan <sum>, %add3A_181 masked %broadcast_in_dim3A_185 : vector<16xf32>, vector<16xi1> -> vector<16xf32>
        %add3A_187 = vector.broadcast %scan3A_147 : f32 to vector<16xf32>
        %add3A_188 = arith.addf %add3A_187, %masked_cumsum3A : vector<16xf32>
        %sub3A_189 = arith.subf %add3A_188, %add3A_180 : vector<16xf32>
        %add3A_190 = vector.broadcast %scan3A_148 : f32 to vector<16xf32>
        %add3A_191 = arith.addf %add3A_190, %masked_cumsum3A_186 : vector<16xf32>
        %sub3A_192 = arith.subf %add3A_191, %add3A_181 : vector<16xf32>
        %add3A_193 = arith.constant 1.000000e+00 : f32
        %add3A_194 = vector.broadcast %add3A_193 : f32 to vector<16xf32>
        %add3A_195 = arith.addf %add3A_180, %add3A_194 : vector<16xf32>
        %mul3A_196 = arith.constant 5.000000e-01 : f32
        %mul3A_197 = vector.broadcast %mul3A_196 : f32 to vector<16xf32>
        %mul3A_198 = arith.mulf %mul3A_197, %add3A_195 : vector<16xf32>
        %add3A_199 = arith.addf %sub3A_189, %mul3A_198 : vector<16xf32>
        %mul3A_200 = arith.mulf %convert_element_type3A_171, %add3A_199 : vector<16xf32>
        %add3A_201 = arith.addf %scan3A_150, %mul3A_200 : vector<16xf32>
        %mul3A_202 = arith.constant 5.000000e-01 : f32
        %mul3A_203 = vector.broadcast %mul3A_202 : f32 to vector<16xf32>
        %mul3A_204 = arith.mulf %mul3A_203, %add3A_181 : vector<16xf32>
        %add3A_205 = arith.addf %sub3A_192, %mul3A_204 : vector<16xf32>
        %mul3A_206 = arith.mulf %convert_element_type3A_171, %add3A_205 : vector<16xf32>
        %add3A_207 = arith.addf %scan3A_149, %mul3A_206 : vector<16xf32>
        %mul3A_208 = arith.constant 5.000000e-01 : f32
        %mul3A_209 = vector.broadcast %mul3A_208 : f32 to vector<16xf32>
        %mul3A_210 = arith.mulf %mul3A_209, %sub3A_179 : vector<16xf32>
        %add3A_211 = arith.addf %add3A_207, %mul3A_210 : vector<16xf32>
        %reduce_sum3A_212 = arith.constant true
        %reduce_sum3A_213 = vector.broadcast %reduce_sum3A_212 : i1 to vector<16xi1>
        %reduce_sum3A_214 = tpu.scan <sum>, %add3A_180 masked %reduce_sum3A_213 : vector<16xf32>, vector<16xi1> -> vector<16xf32>
        %reduce_sum3A_215 = vector.extract %reduce_sum3A_214[15] : f32 from vector<16xf32>
        %add3A_216 = arith.addf %scan3A_147, %reduce_sum3A_215 : f32
        %reduce_sum3A_217 = arith.constant true
        %reduce_sum3A_218 = vector.broadcast %reduce_sum3A_217 : i1 to vector<16xi1>
        %reduce_sum3A_219 = tpu.scan <sum>, %add3A_181 masked %reduce_sum3A_218 : vector<16xf32>, vector<16xi1> -> vector<16xf32>
        %reduce_sum3A_220 = vector.extract %reduce_sum3A_219[15] : f32 from vector<16xf32>
        %add3A_221 = arith.addf %scan3A_148, %reduce_sum3A_220 : f32
        scf.yield %add3A_216, %add3A_221, %add3A_211, %add3A_201 : f32, f32, vector<16xf32>, vector<16xf32>
      }
      %scan3A_120 = arith.constant 64 : i32
      %reduce_sum3A = arith.constant true
      %reduce_sum3A_121 = vector.broadcast %reduce_sum3A : i1 to vector<16xi1>
      %reduce_sum3A_122 = tpu.scan <sum>, %scan3A_119#2 masked %reduce_sum3A_121 : vector<16xf32>, vector<16xi1> -> vector<16xf32>
      %reduce_sum3A_123 = vector.extract %reduce_sum3A_122[15] : f32 from vector<16xf32>
      %add3A_124 = vector.broadcast %reduce_sum3A_123 : f32 to vector<16xf32>
      %add3A_125 = arith.addf %broadcast_in_dim3A_34, %add3A_124 : vector<16xf32>
      %reduce_sum3A_126 = arith.constant true
      %reduce_sum3A_127 = vector.broadcast %reduce_sum3A_126 : i1 to vector<16xi1>
      %reduce_sum3A_128 = tpu.scan <sum>, %scan3A_119#3 masked %reduce_sum3A_127 : vector<16xf32>, vector<16xi1> -> vector<16xf32>
      %reduce_sum3A_129 = vector.extract %reduce_sum3A_128[15] : f32 from vector<16xf32>
      %add3A_130 = vector.broadcast %reduce_sum3A_129 : f32 to vector<16xf32>
      %add3A_131 = arith.addf %broadcast_in_dim3A_34, %add3A_130 : vector<16xf32>
      %eq3A_132 = arith.constant 0.000000e+00 : f32
      %eq3A_133 = vector.broadcast %eq3A_132 : f32 to vector<16xf32>
      %eq3A_134 = arith.cmpf oeq, %add3A_131, %eq3A_133 : vector<16xf32>
      %jit3A_135 = arith.constant 1.000000e+00 : f32
      %broadcast_in_dim3A_136 = vector.broadcast %jit3A_135 : f32 to vector<16xf32>
      %select_n3A_137 = arith.select %eq3A_134, %broadcast_in_dim3A_136, %add3A_131 : vector<16xi1>, vector<16xf32>
      %eq3A_138 = arith.constant 0.000000e+00 : f32
      %eq3A_139 = vector.broadcast %eq3A_138 : f32 to vector<16xf32>
      %eq3A_140 = arith.cmpf oeq, %add3A_131, %eq3A_139 : vector<16xf32>
      %div3A_141 = arith.divf %add3A_125, %select_n3A_137 : vector<16xf32>
      %jit3A_142 = arith.constant 0.000000e+00 : f32
      %broadcast_in_dim3A_143 = vector.broadcast %jit3A_142 : f32 to vector<16xf32>
      %select_n3A_144 = arith.select %eq3A_140, %broadcast_in_dim3A_143, %div3A_141 : vector<16xi1>, vector<16xf32>
      %swap3A = arith.constant 0 : index
      %swap3A_145 = tpu.vector_load %arg12[%swap3A] {strides = array<i32>} : memref<16xf32, #tpu.memory_space<vmem>>, vector<16xf32>,
      tpu.vector_store %arg12[%swap3A], %select_n3A_144 {strides = array<i32>} : memref<16xf32, #tpu.memory_space<vmem>>, vector<16xf32>,
      "tpu.region"() ({
        %run_scoped3A = tpu.sem_alloc : memref<!tpu.dma_semaphore, #tpu.memory_space<semaphore_mem>>
        %dma_start3A_146 = arith.constant 0 : i32
        %dma_start3A_147 = tpu.memref_slice %arg4[%add3A, %dma_start3A_146] : memref<8x16xf32, #tpu.memory_space<hbm>> -> memref<1x16xf32, #tpu.memory_space<hbm>>
        %dma_start3A_148 = tpu.memref_squeeze %dma_start3A_147 : memref<1x16xf32, #tpu.memory_space<hbm>> -> memref<16xf32, #tpu.memory_space<hbm>>
        %dma_start3A_149 = arith.constant 0 : i32
        %dma_start3A_150 = tpu.memref_slice %arg4[%add3A, %dma_start3A_149] : memref<8x16xf32, #tpu.memory_space<hbm>> -> memref<1x16xf32, #tpu.memory_space<hbm>>
        %dma_start3A_151 = tpu.memref_squeeze %dma_start3A_150 : memref<1x16xf32, #tpu.memory_space<hbm>> -> memref<16xf32, #tpu.memory_space<hbm>>
        tpu.enqueue_dma source(%arg12 : memref<16xf32, #tpu.memory_space<vmem>>) target(%dma_start3A_151 : memref<16xf32, #tpu.memory_space<hbm>>) target_semaphore(%run_scoped3A : memref<!tpu.dma_semaphore, #tpu.memory_space<semaphore_mem>>)
        %dma_wait3A = arith.constant 0 : i32
        %dma_wait3A_152 = tpu.memref_slice %arg4[%add3A, %dma_wait3A] : memref<8x16xf32, #tpu.memory_space<hbm>> -> memref<1x16xf32, #tpu.memory_space<hbm>>
        %dma_wait3A_153 = tpu.memref_squeeze %dma_wait3A_152 : memref<1x16xf32, #tpu.memory_space<hbm>> -> memref<16xf32, #tpu.memory_space<hbm>>
        %dma_wait3A_154 = arith.constant 0 : i32
        %dma_wait3A_155 = tpu.memref_slice %arg4[%add3A, %dma_wait3A_154] : memref<8x16xf32, #tpu.memory_space<hbm>> -> memref<1x16xf32, #tpu.memory_space<hbm>>
        %dma_wait3A_156 = tpu.memref_squeeze %dma_wait3A_155 : memref<1x16xf32, #tpu.memory_space<hbm>> -> memref<16xf32, #tpu.memory_space<hbm>>
        tpu.wait_dma2 semaphore(%run_scoped3A : memref<!tpu.dma_semaphore, #tpu.memory_space<semaphore_mem>>) src(%arg12 : memref<16xf32, #tpu.memory_space<vmem>>) dst(%dma_wait3A_156 : memref<16xf32, #tpu.memory_space<hbm>>)
        tpu.yield
      }) : () -> ()
    } else {
    }
    return
  }
}

</mosaic_0001>

<sc_bundles>
// kernel: kernel.3.cloned.1.call-start
scs
__scs_entry_jumppad:
0x0: {  	(pc) =	sbr.rel $0x88, $3  }
0x1: {  	(tag) =	ssettag $0x0;
	lr =	simm.s32 $0x1  }
0x2: {  	[smem:$0x3F9F] =	sst lr;
	_ =	strace $0xD0000000  }
0x3: {  	_ = 	snop  }
0x4: {  	_ = 	snop  }
0x5: {  	_ = 	snop  }
0x6: {  	_ = 	snop  }
0x7: {  	_ = 	snop  }
__scs_overlays_trampoline_lowered:
0x8: {  	[smem:$0x3FAE] =	sst s0  }
0x9: {  	[smem:$0x3FAF] =	sst s1  }
0xa: {  	[smem:$0x3FB0] =	sst s2  }
0xb: {  	[smem:$0x3FB1] =	sst s3  }
0xc: {  	[smem:$0x3FB2] =	sst s4  }
0xd: {  	[smem:$0x3FB3] =	sst s5  }
0xe: {  	[smem:$0x3FB4] =	sst s6  }
0xf: {  	[smem:$0x3FB5] =	sst s7  }
0x10: {  	[smem:$0x3FB6] =	sst s8  }
0x11: {  	[smem:$0x3FB7] =	sst s9;
	s0 =	simm.s32 @!p0 $0x0  }
0x12: {  	s1 =	sld [smem:$0x3F9D];
	s0 =	simm.s32 @p0 $0x1  }
0x13: {  	[smem:$0x3FB8] =	sst s0;
	s0 =	simm.s32 @!p1 $0x0  }
0x14: {  	s2 =	sld [smem:$0x3F9C];
	s0 =	simm.s32 @p1 $0x1  }
0x15: {  	[smem:$0x3FB9] =	sst s0;
	s0 =	simm.s32 @!p2 $0x0  }
0x16: {  	s3 =	sld [smem:$0x3FDB];
	s0 =	simm.s32 @p2 $0x1  }
0x17: {  	s4 =	simm.s32 $0x1BF5;
	[smem:$0x3FBB] =	sst s0  }
0x18: {  	s0 =	sld [smem:$0x3F9E];
	_ =	swait.ge [sflag:s4], $0x0  }
0x19: {  	s7 =	sld [smem:$0x3F9F]  }
0x1a: {  	s8 =	sadd.s32 $0xFFFFE003, lr  }
0x1b: {  	s9 =	sadd.s32 $0xFFFFFEF7, lr;
	s5 =	simm.s32 $0xFFFFFFFF;
	p2 =	slt.u32 s8, $0xFFFFF086  }
0x1c: {  	p1 =	slt.u32 s9, $0xF7A;
	s5 =	simm.s32 @!p2 $0x0  }
0x1d: {  	s5 =	simm.s32 @p1 $0x1;
	p0 =	seq.s32 s7, s2  }
0x1e: {  	s7 =	smul.u32 @!p0 $0xF7A, s2;
	p2 =	seq.s32 @!p0 s5, $0x0  }
0x1f: {  	s9 =	smul.u32 $0xF7A, s1;
	s8 =	simm.s32 @!p0 $0x1BF5;
	p2 =	por !p2, p0  }
0x20: {  	[sflag:s8] =	ssyncset.s32 @!p0 $0xFFFFF086;
	s6 =	sadd.s32 @!p0 s3, s7;
	s7 =	simm.s32 @!p0 $0x108  }
0x21: {  	s3 =	sadd.s32 s3, s9;
	s6 =	sadd.s32 @!p0 $0x88, s6;
	s7 =	simm.s32 @p2 $0x1082  }
0x22: {  	[simem:s7], [sflag:s8] =	dma.local @!p0 [hbm:s6], $0xF7A  }
0x23: {  	s9 =	sor.u32 $0xD0000000, s2;
	s6 =	simm.s32 $0x108;
	_ =	swait.ge @!p0 [sflag:s8], $0x0  }
0x24: {  	s3 =	sadd.s32 $0x88, s3;
	s6 =	simm.s32 @!p1 $0x1082;
	[sflag:s4] =	ssyncset.s32 $0xFFFFF086  }
0x25: {  	[simem:s6], [sflag:s4] =	dma.local [hbm:s3], $0xF7A  }
0x26: {  	[smem:$0x3F9F] =	sst s1;
	(tag) =	ssettag s2;
	_ =	strace s9  }
0x27: {  	s1 =	sld [smem:$0x3FAF]  }
0x28: {  	s2 =	sld [smem:$0x3FB0]  }
0x29: {  	s4 =	sld [smem:$0x3FB2]  }
0x2a: {  	p0 =	seq.s32 s5, $0x0;
	s5 =	sld [smem:$0x3FB3]  }
0x2b: {  	s6 =	sld [smem:$0x3FB4]  }
0x2c: {  	s7 =	sld [smem:$0x3FB5]  }
0x2d: {  	s3 =	simm.s32 $0x108;
	s8 =	sld [smem:$0x3FB6]  }
0x2e: {  	s3 =	simm.s32 @!p0 $0x1082;
	s9 =	sld [smem:$0x3FB7]  }
0x2f: {  	lr =	sadd.s32 s0, s3;
	s0 =	sld [smem:$0x3FAE]  }
0x30: {  	s3 =	sld [smem:$0x3FB1]  }
0x31: {  	[smem:$0x3FBA] =	sst s10  }
0x32: {  	s10 =	sld [smem:$0x3FB8];
	_ =	sdelay $0x3  }
0x33: {  	p0 =	seq.s32 s10, $0x1;
	s10 =	sld [smem:$0x3FBA];
	_ =	sdelay $0x3  }
0x34: {  	[smem:$0x3FBA] =	sst s10  }
0x35: {  	s10 =	sld [smem:$0x3FB9];
	_ =	sdelay $0x3  }
0x36: {  	p1 =	seq.s32 s10, $0x1;
	s10 =	sld [smem:$0x3FBA];
	_ =	sdelay $0x3  }
0x37: {  	[smem:$0x3FBA] =	sst s10  }
0x38: {  	s10 =	sld [smem:$0x3FBB]  }
0x39: {  	_ = 	snop;
	(pc) =	sbr.ind lr, $3  }
0x3a: {  	_ = 	snop  }
0x3b: {  	_ = 	snop  }
0x3c: {  	p2 =	seq.s32 s10, $0x1;
	s10 =	sld [smem:$0x3FBA]  }
0x3d: {  	_ =	shalt  }
0x3e: {  	_ =	shalt  }
0x3f: {  	_ =	shalt  }
0x40: {  	_ =	shalt  }
0x41: {  	_ =	shalt  }
0x42: {  	_ =	shalt  }
0x43: {  	_ =	shalt  }
0x44: {  	_ =	shalt  }
0x45: {  	_ =	shalt  }
0x46: {  	_ =	shalt  }
0x47: {  	_ =	shalt  }
0x48: {  	_ =	shalt  }
0x49: {  	_ =	shalt  }
0x4a: {  	_ =	shalt  }
0x4b: {  	_ =	shalt  }
0x4c: {  	_ =	shalt  }
0x4d: {  	_ =	shalt  }
0x4e: {  	_ =	shalt  }
0x4f: {  	_ =	shalt  }
0x50: {  	_ =	shalt  }
0x51: {  	_ =	shalt  }
0x52: {  	_ =	shalt  }
0x53: {  	_ =	shalt  }
0x54: {  	_ =	shalt  }
0x55: {  	_ =	shalt  }
0x56: {  	_ =	shalt  }
0x57: {  	_ =	shalt  }
0x58: {  	_ =	shalt  }
0x59: {  	_ =	shalt  }
0x5a: {  	_ =	shalt  }
0x5b: {  	_ =	shalt  }
0x5c: {  	_ =	shalt  }
0x5d: {  	_ =	shalt  }
0x5e: {  	_ =	shalt  }
0x5f: {  	_ =	shalt  }
0x60: {  	_ =	shalt  }
0x61: {  	_ =	shalt  }
0x62: {  	_ =	shalt  }
0x63: {  	_ =	shalt  }
0x64: {  	_ =	shalt  }
0x65: {  	_ =	shalt  }
0x66: {  	_ =	shalt  }
0x67: {  	_ =	shalt  }
0x68: {  	_ =	shalt  }
0x69: {  	_ =	shalt  }
0x6a: {  	_ =	shalt  }
0x6b: {  	_ =	shalt  }
0x6c: {  	_ =	shalt  }
0x6d: {  	_ =	shalt  }
0x6e: {  	_ =	shalt  }
0x6f: {  	_ =	shalt  }
0x70: {  	_ =	shalt  }
0x71: {  	_ =	shalt  }
0x72: {  	_ =	shalt  }
0x73: {  	_ =	shalt  }
0x74: {  	_ =	shalt  }
0x75: {  	_ =	shalt  }
0x76: {  	_ =	shalt  }
0x77: {  	_ =	shalt  }
0x78: {  	_ =	shalt  }
0x79: {  	_ =	shalt  }
0x7a: {  	_ =	shalt  }
0x7b: {  	_ =	shalt  }
0x7c: {  	_ =	shalt  }
0x7d: {  	_ =	shalt  }
0x7e: {  	_ =	shalt  }
0x7f: {  	_ =	shalt  }
0x80: {  	_ =	shalt  }
0x81: {  	_ =	shalt  }
0x82: {  	_ =	shalt  }
0x83: {  	_ =	shalt  }
0x84: {  	_ =	shalt  }
0x85: {  	_ =	shalt  }
0x86: {  	_ =	shalt  }
0x87: {  	_ =	shalt  }
.Lfunc_end0:
.L_simem_size_0:
called_computation_lowered:
.L_overlay_start_0:
0x88: {  	s2 =	sld [smem:$0x3FD9]  }
0x89: {  	s3 =	sld [smem:$0x3FFE];
	_ =	sdelay $0x1  }
0x8a: {  	s1 =	srdreg.scid  }
0x8b: {  	s0 =	sand.u32 $0x1, s1  }
0x8c: {  	s17 =	sshll.u32 s0, $0xA;
	s2 =	sadd.s32 s3, s2  }
0x8d: {  	s2 =	sadd.s32 s2, s17  }
0x8e: {  	[smem:$0x3FC6] =	sst s2  }
0x8f: {  	_ = 	snop  }
0x90: {  	s2 =	sld [smem:$0x3FC9]  }
0x91: {  	s18 =	sld [smem:$0x3FC8];
	(tm) =	ssettm $0x1  }
0x92: {  	s4 =	sld [smem:$0x3FFB];
	_ =	sdelay $0x3  }
0x93: {  	_ =	strace s4  }
0x94: {  	s4 =	sld [smem:$0x3FFC];
	_ =	sdelay $0x3  }
0x95: {  	_ =	strace s4  }
0x96: {  	s4 =	sld [smem:$0x3FFD];
	_ =	sdelay $0x3  }
0x97: {  	_ =	strace s4  }
0x98: {  	_ =	strace $0x8FFFFFFF  }
0x99: {  	s19 =	sld [smem:$0x3FDB];
	_ =	sdelay $0x1  }
0x9a: {  	s5 =	simm.s32 $_scs_section_size  }
0x9b: {  	s6 =	simm.s32 $_size__tile_overlayer_lowered;
	s7 =	simm.s32 $_tile_overlayer_lowered  }
0x9c: {  	s22 =	simm.s32 $0x1BFF;
	s21 =	sshll.u32 s7, $0x1;
	s4 =	sadd.s32 s5, s19  }
0x9d: {  	s8 =	simm.s32 $0x0;
	s20 =	sshll.u32 s6, $0x1;
	s6 =	sadd.s32 s21, s4  }
0x9e: {  	[timem:s8], [sflag:s22] =	dma.local [hbm:s6], s20  }
0x9f: {  	_ =	swait.ge [sflag:s22], s20  }
0xa0: {  	s5 =	ssub.s32 $0x0, s20;
	[sflag:s22] =	ssyncset.done $0x0  }
0xa1: {  	[sflag:s22] =	ssyncadd.s32 s5;
	_ =	sdelay $0x1  }
0xa2: {  	s23 =	simm.s32 $0x1B8B  }
0xa3: {  	_ =	swait.ge [sflag:s23], $0x1  }
0xa4: {  	[sflag:s23] =	ssyncset.done $0x0  }
0xa5: {  	s25 =	simm.s32 $0x1B8E;
	s24 =	sld [smem:$0x3FFE];
	[sflag:s23] =	ssyncadd.s32 $0xFFFFFFFF  }
0xa6: {  	s26 =	simm.s32 $execute0_lowered;
	[smem:$0x3FD2] =	sst s25  }
0xa7: {  	s6 =	sshll.u32 s26, $0x1;
	_ =	strace $0x80000046;
	[dreg:$0x1] =	wrdreg $0xFFFFFFFF  }
0xa8: {  	s28 =	simm.s32 $_size_execute0_lowered;
	s4 =	sadd.s32 s4, s6;
	[dreg:$0x0] =	wrdreg $0x0  }
0xa9: {  	s6 =	sshll.u32 s28, $0x1;
	[dreg:$0x2] =	wrdreg s4  }
0xaa: {  	[dreg:$0x3] =	wrdreg s6  }
0xab: {  	[dreg:$0x4] =	wrdreg $0xC0  }
0xac: {  	_ =	task [dreg:s8], $0x5FFFF  }
0xad: {  	[dreg:$0x1] =	wrdreg $0xFFFFFFFF  }
0xae: {  	[dreg:$0x0] =	wrdreg $0x60  }
0xaf: {  	[dreg:$0x2] =	wrdreg s2  }
0xb0: {  	[dreg:$0x3] =	wrdreg s18  }
0xb1: {  	[dreg:$0x4] =	wrdreg s24  }
0xb2: {  	[dreg:$0x5] =	wrdreg $0x110800  }
0xb3: {  	[dreg:$0x6] =	wrdreg $0x9  }
0xb4: {  	_ =	task.clear_ibuf [dreg:s8], $0x7FFFF;
	_ =	strace $0x90000046  }
0xb5: {  	s29 =	simm.s32 $0x9;
	_ =	strace $0x80000048  }
0xb6: {  	_ =	swait.ge [sflag:s29], $0x1  }
0xb7: {  	[sflag:s29] =	ssyncadd.s32 $0xFFFFFFFF  }
0xb8: {  	_ =	strace $0x90000048  }
0xb9: {  	_ =	sfence  }
0xba: {  	s30 =	sld [smem:$0x0];
	_ =	sdelay $0x2  }
0xbb: {  	s31 =	sshll.u32 s1, $0xD;
	s1 =	sshrl.u32 s1, $0x2  }
0xbc: {  	s3 =	sand.u32 $0x4000, s31;
	s1 =	sadd.s32 s1, s30  }
0xbd: {  	s0 =	sor.u32 s3, s0;
	s1 =	sshll.u32 s1, $0x11  }
0xbe: {  	s0 =	sor.u32 s1, s0  }
0xbf: {  	s0 =	sadd.s32 $0x8F2B, s0  }
0xc0: {  	[sflag:s0] =	ssyncadd.remote.s32 $0x1  }
0xc1: {  	_ =	sfence.sel $0xFFFF  }
0xc2: {  	[dreg:$0x0] =	wrdreg $0xFFFFFFFF;
	(pc) =	sbr.abs _section_cstart, $3  }
0xc3: {  	[dreg:$0x1] =	wrdreg $0xFFFFFFFF  }
0xc4: {  	_ =	task.clear_ibuf [dreg:s8], $0x2FFFF;
	_ =	strace $0x9FFFFFFF  }
0xc5: {  	(tm) =	ssettm $0x7FFFFFFF  }
tec
execute0_lowered:
.L_overlay_start_1:
0x0: {  	(tag) =	ssettag $0x1  }
0x1: {  	s1 =	rddreg [dreg:$0x0]  }
0x2: {  	s2 =	rddreg [dreg:$0x1]  }
0x3: {  	s0 =	srdreg.scid;
	s3 =	rddreg [dreg:$0x2]  }
0x4: {  	s14 =	stileid.u32;
	s9 =	rddreg [dreg:$0x3];
	s18 =	simm.s32 $0x4000  }
0x5: {  	s19 =	simm.s32 $0x6000;
	s20 =	simm.s32 $0x1;
	s21 =	simm.s32 $0x2  }
0x6: {  	s22 =	simm.s32 $0x8000;
	s28 =	simm.s32 $0x10000;
	s29 =	simm.s32 $0x5  }
0x7: {  	s30 =	simm.s32 $0x10800;
	s0 =	sand.u32 $0x1, s0;
	s5 =	sshrl.u32 s14, $0x2  }
0x8: {  	s12 =	sand.u32 $0x3, s14;
	s11 =	sshll.u32 s14, $0xB;
	s14 =	sshll.u32 s14, $0x7  }
0x9: {  	s4 =	sshll.u32 s0, $0x2;
	s23 =	sshll.u32 s12, $0x10;
	s0 =	ssub.s32 $0x2, s0  }
0xa: {  	s11 =	sand.u32 $0x4000, s11;
	s15 =	sand.u32 $0x200, s14;
	s14 =	sand.u32 $0x380, s14  }
0xb: {  	p0 =	sne.s32 s12, $0x0;
	s13 =	sor.u32 s5, s4;
	s4 =	simm.s32 $0x0  }
0xc: {  	s24 =	sshrl.u32 s0, $0x1;
	s11 =	sadd.s32 s11, s9;
	s6 =	sshll.u32 s13, $0x12  }
0xd: {  	[smem:$0x7FF] =	sst s4;
	s0 =	ssub.s32 s0, s24;
	s15 =	sadd.s32 s15, s11  }
0xe: {  	s11 =	sadd.s32 s14, s11;
	s13 =	sshll.u32 s13, $0x4;
	s24 =	simm.s32 $0x4  }
0xf: {  	s10 =	sor.u32 s23, s6;
	_ =	strace $0x80000047;
	s25 =	sadd.s32 $0x80, s15  }
0x10: {  	s26 =	sadd.s32 $0x100, s15;
	s31 =	sadd.s32 $0x180, s15;
	s3 =	sadd.s32 s3, s13  }
0x11: {  	s16 =	smax.u32 s0, $0x1;
	s23 =	simm.s32 $0x3;
	[dreg:$0x5] =	wrdreg s25  }
.Ltmp0:
0x12: {  	s7 =	sshrl.u32 s10, $0x3;
	[dreg:$0x6] =	wrdreg s26;
	(pc) =	sbr.rel .LBB2_1-.Ltmp0, $4  }
0x13: {  	s9 =	sor.u32 $0x4000, s10;
	s10 =	sor.u32 $0x6000, s10;
	[dreg:$0x7] =	wrdreg s31  }
0x14: {  	[dreg:$0x8] =	wrdreg s3;
	s25 =	simm.s32 $0x80;
	s26 =	simm.s32 $0x400  }
0x15: {  	v0 =	vlaneseq.u32;
	s3 =	simm.s32 $0x0;
	s5 =	sadd.s32 s1, s7;
	s8 =	sor.u32 $0x400, s7  }
0x16: {  	v1 =	vimm.f32 $0.0e+00;
	v2 =	vmul.u32 $0x400, v0;
	s6 =	sadd.s32 s2, s7;
	s7 =	sadd.s32 s1, s8;
	s8 =	sadd.s32 s2, s8  }
.LBB2_20:
0x17: {  	v24 =	vmul.f32 $2.048000000e+03, v23;
	v25 =	vmul.f32 $2.048000000e+03, v12;
	_ =	sdelay $0x1  }
0x18: {  	v20 =	vsub.f32 v20, v24;
	v19 =	vsub.f32 v19, v25  }
0x19: {  	v33 =	vadd.f32 v12, v23  }
0x1a: {  	v20 =	vadd.f32 v19, v20  }
0x1b: {  	(xrf2) =	vadd.scan.msk.f32 $0xffff, v33  }
0x1c: {  	v34 =	vld [tilespmem:s31+$0x10400];
	(xrf2) =	vadd.scan.msk.f32 $0xffff, v20;
	_ =	sdelay $0x2  }
0x1d: {  	v6 =	vperm.xlane v22, v6;
	_ =	sdelay $0x1  }
0x1e: {  	v35, _, _ =	vpop (xrf2);
	v22 =	vmul.f32 $4.882812500e-04, v6;
	v26 =	vmul.f32 $4.882812500e-04, v34  }
0x1f: {  	v27, _, _ =	vpop (xrf2);
	(v2sf) =	vpush v35, $0xF  }
0x20: {  	(v2sf) =	vpush v27, $0xF;
	v22 =	vtrunc.f32 v22;
	v26 =	vtrunc.f32 v26  }
0x21: {  	v22 =	vcvt.f32.s32 v22;
	v26 =	vcvt.f32.s32 v26  }
0x22: {  	v28, _, _ =	vpop (xrf2)  }
0x23: {  	v22 =	vcvt.s32.f32 v22;
	v26 =	vcvt.s32.f32 v26;
	(v2sf) =	vpush v28, $0xF;
	v29, _, _ =	vpop (xrf2)  }
0x24: {  	(v2sf) =	vpush v29, $0xF  }
0x25: {  	v30 =	vmul.f32 $2.048000000e+03, v22;
	v31 =	vmul.f32 $2.048000000e+03, v26;
	_ =	sdelay $0x1  }
0x26: {  	v6 =	vsub.f32 v6, v30;
	v24 =	vsub.f32 v34, v31  }
0x27: {  	v22 =	vadd.f32 v26, v22  }
0x28: {  	v18 =	vadd.f32 s12, v18;
	s13 =	spop (v2sf);
	v6 =	vadd.f32 v24, v6  }
0x29: {  	s14 =	spop (v2sf);
	(xrf2) =	vadd.scan.msk.f32 $0xffff, v22  }
0x2a: {  	v36 =	vmul.f32 $5.000000000e-01, v10;
	v18 =	vsub.f32 v18, v10;
	s15 =	sadd.f32 s14, s12;
	(xrf2) =	vadd.scan.msk.f32 $0xffff, v6  }
0x2b: {  	v7 =	vsub.f32 v21, v7  }
0x2c: {  	v10 =	vadd.f32 v18, v36;
	v37 =	vadd.f32 s15, v27  }
0x2d: {  	v39 =	vmul.f32 $5.000000000e-01, v15;
	v8 =	vadd.f32 v16, v8;
	s0 =	sadd.f32 s13, s0;
	s13 =	spop (v2sf)  }
0x2e: {  	v7 =	vadd.f32 v7, v13;
	v10 =	vmul.f32 v4, v10;
	v38 =	vsub.f32 v37, v15;
	s17 =	spop (v2sf)  }
0x2f: {  	v5 =	vmul.f32 $5.000000000e-01, v5;
	v40 =	vadd.f32 $1.000000000e+00, v33;
	v41 =	vadd.f32 s0, v35;
	s12 =	sadd.f32 s17, s15  }
0x30: {  	v42 =	vmul.f32 v4, v7;
	v10 =	vadd.f32 v10, v17;
	v13 =	vadd.f32 v38, v39  }
0x31: {  	v43 =	vsub.f32 v41, v11;
	v44 =	vadd.f32 s12, v29;
	s31 =	spop (v2sf)  }
0x32: {  	v4 =	vadd.f32 v42, v8;
	v5 =	vadd.f32 v10, v5;
	v13 =	vmul.f32 v3, v13;
	s15 =	spop (v2sf)  }
0x33: {  	v47 =	vmul.f32 $5.000000000e-01, v20;
	v7 =	vadd.f32 v43, v14;
	v11 =	vsub.f32 v44, v20;
	v46, _, _ =	vpop (xrf2);
	s12 =	sadd.f32 s15, s12  }
0x34: {  	v9 =	vmul.f32 $5.000000000e-01, v9;
	v45 =	vadd.f32 $1.000000000e+00, v22;
	v5 =	vadd.f32 v13, v5;
	s0 =	sadd.f32 s13, s0;
	v48, _, _ =	vpop (xrf2)  }
0x35: {  	v11 =	vadd.f32 v11, v47;
	v49 =	vadd.f32 s12, v48  }
0x36: {  	v50 =	vmul.f32 $5.000000000e-01, v40;
	v5 =	vadd.f32 v5, v9;
	v51 =	vadd.f32 s0, v28;
	s0 =	sadd.f32 s31, s0  }
0x37: {  	v52 =	vmul.f32 v12, v11;
	v53 =	vsub.f32 v49, v6;
	v6 =	vmul.f32 $5.000000000e-01, v6  }
0x38: {  	v56 =	vmul.f32 $5.000000000e-01, v19;
	v54 =	vsub.f32 v51, v33;
	v55 =	vadd.f32 s0, v46  }
0x39: {  	v3 =	vmul.f32 v3, v7;
	v5 =	vadd.f32 v52, v5;
	v6 =	vadd.f32 v53, v6  }
0x3a: {  	v10 =	vmul.f32 $5.000000000e-01, v45;
	v57 =	vadd.f32 v54, v50;
	v58 =	vsub.f32 v55, v22  }
0x3b: {  	v5 =	vadd.f32 v5, v56;
	v6 =	vmul.f32 v26, v6  }
0x3c: {  	v3 =	vadd.f32 v3, v4;
	v59 =	vmul.f32 v12, v57;
	v60 =	vadd.f32 v58, v10  }
0x3d: {  	v61 =	vmul.f32 $5.000000000e-01, v24;
	v5 =	vadd.f32 v6, v5  }
0x3e: {  	v3 =	vadd.f32 v59, v3;
	v62 =	vmul.f32 v26, v60  }
0x3f: {  	v5 =	vadd.f32 v5, v61  }
0x40: {  	v3 =	vadd.f32 v62, v3  }
0x41: {  	(xrf2) =	vadd.scan.msk.f32 $0xffff, v5  }
0x42: {  	(xrf2) =	vadd.scan.msk.f32 $0xffff, v3;
	_ =	sdelay $0x8  }
0x43: {  	v3, _, _ =	vpop (xrf2)  }
0x44: {  	v63, _, _ =	vpop (xrf2)  }
0x45: {  	v4 =	vadd.f32 $0.0e+00, v63;
	_ =	sdelay $0x1  }
0x46: {  	v4 =	vbroadcast v4, $0xF  }
0x47: {  	(v2sf) =	vpush v46, $0xF  }
0x48: {  	(v2sf) =	vpush v48, $0xF;
	vm0 =	veq.f32 v4, $0.0e+00  }
0x49: {  	v4 =	vsel vm0, $0x3F800000, v4  }
0x4a: {  	(erf) = vrcp.f32 v4;
	_ =	sdelay $0x5  }
0x4b: {  	v3 =	vadd.f32 $0.0e+00, v3;
	_ =	sdelay $0x1  }
0x4c: {  	v3 =	vbroadcast v3, $0xF  }
0x4d: {  	v4 =	vpop (erf)  }
0x4e: {  	v3 =	vmul.f32 v4, v3;
	_ =	sdelay $0x1  }
0x4f: {  	s15 =	spop (v2sf);
	v3 =	vsel vm0, $0x0, v3  }
0x50: {  	s31 =	simm.s32 $0x11000;
	s0 =	rddreg [dreg:$0x8];
	s17 =	spop (v2sf);
	[tilespmem:$0x11000] =	vst v3  }
0x51: {  	[hbm4b:s0+s4] =	stream.linear.scatter [tilespmem:s31], [sflag:$0x5], $0x80, $0x38;
	[tilespmem:$0x11880] =	vst v63  }
0x52: {  	_ =	swait.ge [sflag:s29], $0x80  }
0x53: {  	[sflag:s29] =	ssyncset.done $0x0  }
0x54: {  	[sflag:s29] =	ssyncadd.s32 $0xFFFFFF80  }
.LBB2_21:
0x55: {  	s3 =	sadd.s32 $0x1, s3  }
0x56: {  	p1 =	sne.s32 s3, s16  }
.Ltmp1:
0x57: {  	_ = 	snop;
	(pc) =	sbr.rel @!p1 .LBB2_22-.Ltmp1, $1  }
0x58: {  	_ =	sdelay $0x3  }
.LBB2_1:
0x59: {  	[tilespmem:s4], [sflag:$0x1] =	stream.linear.gather [hbm4b:s5+s4], $0x2000, $0x38;
	[tilespmem:$0x11880] =	vst v63  }
0x5a: {  	s0 =	simm.s32 $0x2000  }
0x5b: {  	[tilespmem:s0], [sflag:$0x2] =	stream.linear.gather [hbm4b:s6+s4], $0x2000, $0x38;
	[tilespmem:$0x11880] =	vst v63  }
0x5c: {  	_ = 	snop  }
0x5d: {  	[tilespmem:s18], [sflag:$0x3] =	stream.linear.gather [hbm4b:s7+s4], $0x2000, $0x38;
	[tilespmem:$0x11880] =	vst v63  }
0x5e: {  	s12 =	simm.s32 $0x0;
	s0 =	simm.s32 $0x40  }
0x5f: {  	[tilespmem:s19], [sflag:$0x4] =	stream.linear.gather [hbm4b:s8+s4], $0x2000, $0x38;
	[tilespmem:$0x11880] =	vst v63  }
.LBB2_2:
0x60: {  	p1 =	sne.s32 s0, $0x1FFC0;
	[tilespmem:s12+$0x8000] =	vst v1;
	s12 =	smov.u32 s0;
	s0 =	sadd.s32 $0x40, s0  }
.Ltmp2:
0x61: {  	(pc) =	sbr.rel @p1 .LBB2_2-.Ltmp2, $2  }
0x62: {  	_ =	sdelay $0x2  }
0x63: {  	s12 =	sshra.s32 s12, $0x2  }
0x64: {  	[tilespmem:s12+$0x8000] =	vst v1;
	s0 =	simm.s32 $0x0  }
.LBB2_4:
0x65: {  	_ =	swait.ge [sflag:s20], $0x2000  }
0x66: {  	[sflag:s20] =	ssyncset.done $0x0  }
0x67: {  	[sflag:s20] =	ssyncadd.s32 $0xFFFFE000  }
0x68: {  	_ =	swait.ge [sflag:s21], $0x2000  }
0x69: {  	[sflag:s21] =	ssyncset.done $0x0  }
0x6a: {  	s31 =	simm.s32 $0x0;
	s12 =	simm.s32 $0x0;
	[sflag:s21] =	ssyncadd.s32 $0xFFFFE000  }
.LBB2_5:
0x6b: {  	s13 =	sshll.u32 s12, $0x8  }
0x6c: {  	s14 =	sand.u32 $0x800, s31;
	s15 =	sshll.u32 s12, $0x6;
	s13 =	sand.u32 $0x1000, s13  }
0x6d: {  	s17 =	sand.u32 $0x380, s15;
	s13 =	sor.u32 s14, s13  }
0x6e: {  	s13 =	sor.u32 s17, s13  }
0x6f: {  	v3 =	vld [tilespmem:s13+$0x0]  }
0x70: {  	v4 =	vld [tilespmem:s13+$0x10]  }
0x71: {  	v5 =	vld [tilespmem:s13+$0x20]  }
0x72: {  	v6 =	vld [tilespmem:s13+$0x30]  }
0x73: {  	v7 =	vld [tilespmem:s13+$0x40]  }
0x74: {  	v8 =	vld [tilespmem:s13+$0x50];
	v3 =	vsub.f32 $0.0e+00, v3  }
0x75: {  	v9 =	vld [tilespmem:s13+$0x60];
	v4 =	vsub.f32 $0.0e+00, v4  }
0x76: {  	v10 =	vld [tilespmem:s13+$0x70];
	v5 =	vsub.f32 $0.0e+00, v5;
	v3 =	vmul.f32 $1.442695020e+00, v3  }
0x77: {  	v11 =	vld [tilespmem:s13+$0x400];
	v6 =	vsub.f32 $0.0e+00, v6;
	v4 =	vmul.f32 $1.442695020e+00, v4  }
0x78: {  	v12 =	vld [tilespmem:s13+$0x410];
	v53 =	vsub.f32 $0.0e+00, v7;
	(erf) = vpow2.f32 v3;
	v3 =	vmul.f32 $1.442695020e+00, v5  }
0x79: {  	v54 =	vld [tilespmem:s13+$0x420];
	v56 =	vsub.f32 $0.0e+00, v8;
	v55 =	vmul.f32 $1.442695020e+00, v6;
	(erf) = vpow2.f32 v4  }
0x7a: {  	v57 =	vld [tilespmem:s13+$0x430];
	v58 =	vsub.f32 $0.0e+00, v9;
	(erf) = vpow2.f32 v3;
	v3 =	vmul.f32 $1.442695020e+00, v53  }
0x7b: {  	v59 =	vld [tilespmem:s13+$0x440];
	v61 =	vsub.f32 $0.0e+00, v10;
	v60 =	vmul.f32 $1.442695020e+00, v56;
	(erf) = vpow2.f32 v55  }
0x7c: {  	v62 =	vld [tilespmem:s13+$0x450];
	v63 =	vsub.f32 $0.0e+00, v11;
	(erf) = vpow2.f32 v3;
	v3 =	vmul.f32 $1.442695020e+00, v58  }
0x7d: {  	v16 =	vld [tilespmem:s13+$0x460];
	v18 =	vsub.f32 $0.0e+00, v12;
	v17 =	vmul.f32 $1.442695020e+00, v61;
	(erf) = vpow2.f32 v60  }
0x7e: {  	v19 =	vld [tilespmem:s13+$0x470];
	v20 =	vsub.f32 $0.0e+00, v54;
	(erf) = vpow2.f32 v3;
	v3 =	vmul.f32 $1.442695020e+00, v63  }
0x7f: {  	v22 =	vsub.f32 $0.0e+00, v57;
	v21 =	vmul.f32 $1.442695020e+00, v18;
	(erf) = vpow2.f32 v17  }
0x80: {  	v23 =	vsub.f32 $0.0e+00, v59;
	(erf) = vpow2.f32 v3;
	v3 =	vmul.f32 $1.442695020e+00, v20  }
0x81: {  	v26 =	vsub.f32 $0.0e+00, v62;
	v25 =	vmul.f32 $1.442695020e+00, v22;
	v24 =	vpop (erf);
	(erf) = vpow2.f32 v21  }
0x82: {  	v28 =	vsub.f32 $0.0e+00, v16;
	v27 =	vpop (erf);
	(erf) = vpow2.f32 v3;
	v3 =	vmul.f32 $1.442695020e+00, v23  }
0x83: {  	v31 =	vsub.f32 $0.0e+00, v19;
	v30 =	vmul.f32 $1.442695020e+00, v26;
	v29 =	vpop (erf);
	(erf) = vpow2.f32 v25  }
0x84: {  	v32 =	vpop (erf);
	(erf) = vpow2.f32 v3;
	v3 =	vmul.f32 $1.442695020e+00, v28  }
0x85: {  	v34 =	vmul.f32 $1.442695020e+00, v31;
	v33 =	vpop (erf);
	(erf) = vpow2.f32 v30  }
0x86: {  	v35 =	vpop (erf);
	(erf) = vpow2.f32 v3;
	v3 =	vadd.f32 $1.000000000e+00, v24  }
0x87: {  	v37 =	vadd.f32 $1.000000000e+00, v27;
	v36 =	vpop (erf);
	(erf) = vpow2.f32 v34  }
0x88: {  	v38 =	vpop (erf);
	(erf) = vrcp.f32 v3;
	v3 =	vadd.f32 $1.000000000e+00, v29  }
0x89: {  	v40 =	vadd.f32 $1.000000000e+00, v32;
	v39 =	vpop (erf);
	(erf) = vrcp.f32 v37  }
0x8a: {  	v41 =	vpop (erf);
	(erf) = vrcp.f32 v3;
	v3 =	vadd.f32 $1.000000000e+00, v33  }
0x8b: {  	v43 =	vadd.f32 $1.000000000e+00, v35;
	v42 =	vpop (erf);
	(erf) = vrcp.f32 v40  }
0x8c: {  	v44 =	vpop (erf);
	(erf) = vrcp.f32 v3;
	v3 =	vadd.f32 $1.000000000e+00, v36  }
0x8d: {  	v46 =	vadd.f32 $1.000000000e+00, v38;
	v45 =	vpop (erf);
	(erf) = vrcp.f32 v43  }
0x8e: {  	v47 =	vpop (erf);
	(erf) = vrcp.f32 v3;
	v3 =	vadd.f32 $1.000000000e+00, v39  }
0x8f: {  	v49 =	vadd.f32 $1.000000000e+00, v41;
	v52 =	vadd.f32 $1.000000000e+00, v44;
	v48 =	vpop (erf);
	(erf) = vrcp.f32 v46  }
0x90: {  	v53 =	vadd.f32 $1.000000000e+00, v45;
	v50 =	vpop (erf);
	(erf) = vrcp.f32 v3;
	v3 =	vadd.f32 $1.000000000e+00, v42  }
0x91: {  	v55 =	vadd.f32 $1.000000000e+00, v48;
	v51 =	vpop (erf);
	(erf) = vrcp.f32 v49;
	v57 =	vadd.f32 $1.000000000e+00, v50  }
0x92: {  	v54 =	vpop (erf);
	(erf) = vrcp.f32 v3;
	v3 =	vadd.f32 $1.000000000e+00, v47;
	v58 =	vadd.f32 v51, v51  }
0x93: {  	v56 =	vpop (erf);
	(erf) = vrcp.f32 v52;
	v60 =	vadd.f32 v54, v54;
	v7 =	vmul.f32 $1.024000000e+03, v54  }
0x94: {  	v59 =	vpop (erf);
	(erf) = vrcp.f32 v53;
	v61 =	vadd.f32 v56, v56;
	v10 =	vadd.f32 $-1.000000000e+00, v58  }
0x95: {  	v9 =	vmul.f32 $1.024000000e+03, v56;
	v14 =	vpop (erf);
	(erf) = vrcp.f32 v3;
	v3 =	vadd.f32 v59, v59  }
0x96: {  	v6 =	vadd.f32 $-1.000000000e+00, v60;
	v45 =	vtrunc.f32 v7;
	v12 =	vmul.f32 $1.024000000e+03, v59  }
0x97: {  	v15 =	vpop (erf);
	(erf) = vrcp.f32 v55;
	v62 =	vadd.f32 $-1.000000000e+00, v61;
	v10 =	vand.u32 $0x7FFFFFFF, v10  }
0x98: {  	v46 =	vcvt.f32.s32 v45;
	v47 =	vtrunc.f32 v9;
	v63 =	vadd.f32 $-1.000000000e+00, v3  }
0x99: {  	v16 =	vpop (erf);
	(erf) = vrcp.f32 v57;
	v3 =	vadd.f32 v14, v14;
	v35 =	vadd.f32 v15, v15  }
0x9a: {  	v6 =	vand.u32 $0x7FFFFFFF, v6;
	v12 =	vtrunc.f32 v12;
	v14 =	vmul.f32 $1.024000000e+03, v14  }
0x9b: {  	v15 =	vmul.f32 $1.024000000e+03, v15;
	v13 =	vadd.f32 v16, v16;
	v40 =	vand.u32 $0x7FFFFFFF, v62  }
0x9c: {  	v17 =	vpop (erf);
	v49 =	vcvt.f32.s32 v12;
	v16 =	vmul.f32 $1.024000000e+03, v16;
	v19 =	vadd.f32 $-1.000000000e+00, v3  }
0x9d: {  	vm13 =	vlt.s32 v46, $0x3FF;
	v3 =	vadd.f32 v17, v17;
	v21 =	vadd.f32 $-1.000000000e+00, v35  }
0x9e: {  	v41 =	vand.u32 $0x7FFFFFFF, v63;
	v11 =	vmin.f32 v40, $9.999998210e-01;
	v14 =	vtrunc.f32 v14  }
0x9f: {  	v15 =	vtrunc.f32 v15;
	v17 =	vmul.f32 $1.024000000e+03, v17;
	v22 =	vadd.f32 $-1.000000000e+00, v13  }
0xa0: {  	v13 =	vmin.f32 v10, $9.999998210e-01;
	v10 =	vmin.f32 v6, $9.999998210e-01;
	v8 =	vmin.f32 v41, $9.999998210e-01  }
0xa1: {  	v18 =	vpop (erf);
	v53 =	vcvt.f32.s32 v15;
	v16 =	vtrunc.f32 v16;
	v11 =	vadd.f32 $2.048000000e+03, v11  }
0xa2: {  	v20 =	vpop (erf);
	vm15 =	vlt.s32 v49, $0x3FF;
	v24 =	vadd.f32 $-1.000000000e+00, v3;
	v3 =	vadd.f32 v18, v18  }
0xa3: {  	v36 =	vadd.f32 v20, v20;
	v19 =	vand.u32 $0x7FFFFFFF, v19;
	v17 =	vtrunc.f32 v17  }
0xa4: {  	v42 =	vand.u32 $0x7FFFFFFF, v21;
	v18 =	vmul.f32 $1.024000000e+03, v18;
	v55 =	vcvt.f32.s32 v16  }
0xa5: {  	v23 =	vpop (erf);
	v59 =	vmul.f32 $1.024000000e+03, v20;
	v13 =	vadd.f32 $2.048000000e+03, v13;
	v10 =	vadd.f32 $2.048000000e+03, v10  }
0xa6: {  	v21 =	vnsel vm13, $0x3FF, v46;
	v8 =	vadd.f32 $2.048000000e+03, v8;
	v37 =	vadd.f32 v23, v23  }
0xa7: {  	v5 =	vmin.f32 v19, $9.999998210e-01;
	v44 =	vand.u32 $0x7FFFFFFF, v22;
	v22 =	vcvt.f32.s32 v47  }
0xa8: {  	v25 =	vpop (erf);
	v6 =	vmin.f32 v42, $9.999998210e-01;
	v56 =	vcvt.f32.s32 v17;
	v23 =	vmul.f32 $1.024000000e+03, v23  }
0xa9: {  	vm5 =	vlt.s32 v53, $0x3FF;
	v27 =	vadd.f32 $-1.000000000e+00, v3;
	v3 =	vadd.f32 v25, v25  }
0xaa: {  	v29 =	vadd.f32 $-1.000000000e+00, v36;
	v36 =	vmul.f32 $1.024000000e+03, v51;
	v7 =	vmin.f32 v44, $9.999998210e-01  }
0xab: {  	v48 =	vand.u32 $0x7FFFFFFF, v24;
	v51 =	vcvt.f32.s32 v14;
	v58 =	vtrunc.f32 v18  }
0xac: {  	v18 =	vtrunc.f32 v59;
	v25 =	vmul.f32 $1.024000000e+03, v25;
	v24 =	vnsel vm15, $0x3FF, v49  }
0xad: {  	vm6 =	vlt.s32 v55, $0x3FF;
	v5 =	vadd.f32 $2.048000000e+03, v5;
	v6 =	vadd.f32 $2.048000000e+03, v6  }
0xae: {  	v30 =	vadd.f32 $-1.000000000e+00, v37;
	v9 =	vmin.f32 v48, $9.999998210e-01;
	v60 =	vcvt.f32.s32 v58  }
0xaf: {  	v26 =	vpop (erf);
	v18 =	vcvt.f32.s32 v18;
	v23 =	vtrunc.f32 v23;
	vm14 =	vlt.s32 v22, $0x3FF  }
0xb0: {  	v41 =	vld [tilespmem:s13+$0x2060];
	v28 =	vpop (erf);
	vm7 =	vlt.s32 v56, $0x3FF;
	v45 =	vadd.f32 $2.048000000e+03, v7;
	v32 =	vadd.f32 $-1.000000000e+00, v3  }
0xb1: {  	v3 =	vadd.f32 v26, v26;
	v38 =	vadd.f32 v28, v28;
	v43 =	vtrunc.f32 v36  }
0xb2: {  	v50 =	vand.u32 $0x7FFFFFFF, v27;
	v52 =	vand.u32 $0x7FFFFFFF, v29;
	v23 =	vcvt.f32.s32 v23  }
0xb3: {  	v25 =	vtrunc.f32 v25;
	v26 =	vmul.f32 $1.024000000e+03, v26;
	v22 =	vnsel vm14, $0x3FF, v22  }
0xb4: {  	v40 =	vld [tilespmem:s13+$0x2050];
	v31 =	vpop (erf);
	v28 =	vmul.f32 $1.024000000e+03, v28;
	vm4 =	vlt.s32 v51, $0x3FF;
	v29 =	vnsel vm5, $0x3FF, v53  }
0xb5: {  	v63 =	vnsel vm7, $0x3FF, v56;
	v53 =	vshll.u32 v41, $0xE;
	v39 =	vadd.f32 v31, v31  }
0xb6: {  	v19 =	vcvt.f32.s32 v43;
	v12 =	vmin.f32 v50, $9.999998210e-01;
	v14 =	vmin.f32 v52, $9.999998210e-01  }
0xb7: {  	v62 =	vld [tilespmem:s13+$0x2000];
	v54 =	vand.u32 $0x7FFFFFFF, v30;
	v25 =	vcvt.f32.s32 v25;
	v27 =	vnsel vm4, $0x3FF, v51  }
0xb8: {  	v47 =	vld [tilespmem:s13+$0x2010];
	v31 =	vmul.f32 $1.024000000e+03, v31;
	v30 =	vnsel vm6, $0x3FF, v55;
	vm8 =	vlt.s32 v60, $0x3FF  }
0xb9: {  	v42 =	vld [tilespmem:s13+$0x2070];
	v33 =	vpop (erf);
	vm9 =	vlt.s32 v18, $0x3FF;
	v52 =	vshll.u32 v40, $0xE;
	v34 =	vadd.f32 $-1.000000000e+00, v3  }
0xba: {  	v3 =	vadd.f32 v33, v33;
	v35 =	vadd.f32 $-1.000000000e+00, v38;
	v15 =	vmin.f32 v54, $9.999998210e-01  }
0xbb: {  	v57 =	vand.u32 $0x7FFFFFFF, v32;
	v26 =	vtrunc.f32 v26;
	v28 =	vtrunc.f32 v28  }
0xbc: {  	v20 =	vnsel vm8, $0x3FF, v60;
	v33 =	vmul.f32 $1.024000000e+03, v33;
	v18 =	vnsel vm9, $0x3FF, v18  }
0xbd: {  	v44 =	vld [tilespmem:s13+$0x2410];
	vm10 =	vlt.s32 v23, $0x3FF;
	v32 =	vshll.u32 v62, $0xE;
	v36 =	vshll.u32 v47, $0xE  }
0xbe: {  	v29 =	vor.u32 v29, v52;
	v54 =	vshll.u32 v42, $0xE;
	v30 =	vor.u32 v30, v53  }
0xbf: {  	v4 =	vadd.f32 $-1.000000000e+00, v39;
	v16 =	vmin.f32 v57, $9.999998210e-01;
	v26 =	vcvt.f32.s32 v26  }
0xc0: {  	v37 =	vld [tilespmem:s13+$0x2020];
	vm0 =	vlt.s32 v19, $0x3FF;
	v28 =	vcvt.f32.s32 v28;
	v31 =	vtrunc.f32 v31  }
0xc1: {  	v23 =	vnsel vm10, $0x3FF, v23;
	vm11 =	vlt.s32 v25, $0x3FF;
	v21 =	vor.u32 v21, v36  }
0xc2: {  	v56 =	vor.u32 v63, v54;
	v59 =	vshll.u32 v44, $0xE;
	v29 =	vor.u32 v2, v29  }
0xc3: {  	v54 =	vadd.f32 $2.048000000e+03, v14;
	v3 =	vadd.f32 $-1.000000000e+00, v3;
	v61 =	vand.u32 $0x7FFFFFFF, v34  }
0xc4: {  	v38 =	vld [tilespmem:s13+$0x2030];
	v19 =	vnsel vm0, $0x3FF, v19;
	v31 =	vcvt.f32.s32 v31;
	v33 =	vtrunc.f32 v33  }
0xc5: {  	v39 =	vld [tilespmem:s13+$0x2040];
	v25 =	vnsel vm11, $0x3FF, v25;
	v35 =	vand.u32 $0x7FFFFFFF, v35;
	v48 =	vshll.u32 v37, $0xE  }
0xc6: {  	v43 =	vld [tilespmem:s13+$0x2400];
	v21 =	vor.u32 v2, v21;
	v18 =	vor.u32 v18, v59;
	v42 =	vor.u32 v2, v56  }
0xc7: {  	v51 =	vld [tilespmem:s13+$0x2420];
	v59 =	vadd.f32 $2.048000000e+03, v16;
	v17 =	vmin.f32 v61, $9.999998210e-01;
	v19 =	vor.u32 v19, v32  }
0xc8: {  	v55 =	vld [tilespmem:s13+$0x2430];
	vm12 =	vlt.s32 v26, $0x3FF;
	v33 =	vcvt.f32.s32 v33;
	v19 =	vor.u32 v2, v19  }
0xc9: {  	v60 =	vld [tilespmem:s13+$0x2450];
	vm13 =	vlt.s32 v28, $0x3FF;
	v22 =	vor.u32 v22, v48;
	v49 =	vshll.u32 v38, $0xE  }
0xca: {  	v62 =	vld [tilespmem:s13+$0x2470];
	v22 =	vor.u32 v2, v22;
	v50 =	vshll.u32 v39, $0xE;
	v24 =	vor.u32 v24, v49  }
0xcb: {  	v57 =	vld [tilespmem:s13+$0x2440];
	v35 =	vmin.f32 v35, $9.999998210e-01;
	v27 =	vor.u32 v27, v50;
	v24 =	vor.u32 v2, v24  }
0xcc: {  	v61 =	vld [tilespmem:s13+$0x2460];
	v46 =	vor.u32 v2, v18;
	v48 =	vadd.f32 $2.048000000e+03, v9;
	v27 =	vor.u32 v2, v27  }
0xcd: {  	v26 =	vnsel vm12, $0x3FF, v26;
	v28 =	vnsel vm13, $0x3FF, v28;
	vm14 =	vlt.s32 v31, $0x3FF;
	[tilespmem:v19+s22+$0x0] =	vst.idx.add.f32.msk $0xffff, v13  }
0xce: {  	v58 =	vshll.u32 v43, $0xE;
	v37 =	vshll.u32 v51, $0xE;
	v38 =	vor.u32 v2, v30;
	[tilespmem:v21+s22+$0x0] =	vst.idx.add.f32.msk $0xffff, v10  }
0xcf: {  	v63 =	vshll.u32 v55, $0xE;
	v51 =	vadd.f32 $2.048000000e+03, v12;
	v20 =	vor.u32 v20, v58;
	[tilespmem:v22+s22+$0x0] =	vst.idx.add.f32.msk $0xffff, v11  }
0xd0: {  	v31 =	vnsel vm14, $0x3FF, v31;
	vm15 =	vlt.s32 v33, $0x3FF;
	v43 =	vor.u32 v2, v20;
	[tilespmem:v24+s22+$0x0] =	vst.idx.add.f32.msk $0xffff, v8  }
0xd1: {  	v23 =	vor.u32 v23, v37;
	v37 =	vor.u32 v25, v63;
	v44 =	vshll.u32 v60, $0xE;
	[tilespmem:v27+s22+$0x0] =	vst.idx.add.f32.msk $0xffff, v5  }
0xd2: {  	v56 =	vshll.u32 v62, $0xE;
	v41 =	vshll.u32 v57, $0xE;
	v49 =	vor.u32 v2, v23;
	[tilespmem:v29+s22+$0x0] =	vst.idx.add.f32.msk $0xffff, v6  }
0xd3: {  	v33 =	vnsel vm15, $0x3FF, v33;
	v52 =	vor.u32 v2, v37;
	v21 =	vor.u32 v26, v41;
	[tilespmem:v38+s22+$0x0] =	vst.idx.add.f32.msk $0xffff, v45  }
0xd4: {  	v47 =	vor.u32 v28, v44;
	v50 =	vshll.u32 v61, $0xE;
	v55 =	vor.u32 v2, v21;
	[tilespmem:v42+s22+$0x0] =	vst.idx.add.f32.msk $0xffff, v48  }
0xd5: {  	v57 =	vadd.f32 $2.048000000e+03, v15;
	v58 =	vor.u32 v2, v47;
	v53 =	vor.u32 v31, v50;
	[tilespmem:v43+s22+$0x0] =	vst.idx.add.f32.msk $0xffff, v51  }
0xd6: {  	v4 =	vand.u32 $0x7FFFFFFF, v4;
	v13 =	vor.u32 v33, v56;
	v60 =	vor.u32 v2, v53;
	[tilespmem:v46+s22+$0x0] =	vst.idx.add.f32.msk $0xffff, v54  }
0xd7: {  	p1 =	sne.s32 s12, $0x1F;
	v4 =	vmin.f32 v4, $9.999998210e-01;
	v61 =	vadd.f32 $2.048000000e+03, v17;
	v62 =	vor.u32 v2, v13;
	[tilespmem:v49+s22+$0x0] =	vst.idx.add.f32.msk $0xffff, v57  }
.Ltmp3:
0xd8: {  	v3 =	vand.u32 $0x7FFFFFFF, v3;
	v63 =	vadd.f32 $2.048000000e+03, v35;
	[tilespmem:v52+s22+$0x0] =	vst.idx.add.f32.msk $0xffff, v59;
	(pc) =	sbr.rel @p1 .LBB2_5-.Ltmp3, $4  }
0xd9: {  	v3 =	vmin.f32 v3, $9.999998210e-01;
	v4 =	vadd.f32 $2.048000000e+03, v4;
	[tilespmem:v55+s22+$0x0] =	vst.idx.add.f32.msk $0xffff, v61  }
0xda: {  	v3 =	vadd.f32 $2.048000000e+03, v3;
	[tilespmem:v58+s22+$0x0] =	vst.idx.add.f32.msk $0xffff, v63  }
0xdb: {  	[tilespmem:v60+s22+$0x0] =	vst.idx.add.f32.msk $0xffff, v4  }
0xdc: {  	s31 =	sadd.s32 $0x800, s31;
	s12 =	sadd.s32 $0x1, s12;
	[tilespmem:v62+s22+$0x0] =	vst.idx.add.f32.msk $0xffff, v3  }
0xdd: {  	s31 =	sshll.u32 s0, $0xE;
	p1 =	seq.s32 s0, $0x3  }
0xde: {  	s12 =	sadd.s32 @!p1 s31, s9  }
0xdf: {  	s12 =	sshrl.u32 @!p1 s12, $0x3  }
0xe0: {  	s14 =	simm.s32 @!p1 $0x0;
	s13 =	sadd.s32 @!p1 s1, s12  }
0xe1: {  	[tilespmem:s14], [sflag:$0x1] =	stream.linear.gather @!p1 [hbm4b:s13+s14], $0x2000, $0x38;
	[tilespmem:$0x11880] =	vst v63  }
0xe2: {  	s12 =	sadd.s32 @!p1 s2, s12;
	s13 =	simm.s32 @!p1 $0x2000  }
0xe3: {  	[tilespmem:s13], [sflag:$0x2] =	stream.linear.gather @!p1 [hbm4b:s12+s14], $0x2000, $0x38;
	[tilespmem:$0x11880] =	vst v63  }
0xe4: {  	_ =	swait.ge [sflag:s23], $0x2000  }
0xe5: {  	[sflag:s23] =	ssyncset.done $0x0  }
0xe6: {  	[sflag:s23] =	ssyncadd.s32 $0xFFFFE000  }
0xe7: {  	_ =	swait.ge [sflag:s24], $0x2000  }
0xe8: {  	[sflag:s24] =	ssyncset.done $0x0  }
0xe9: {  	s12 =	simm.s32 $0x0;
	s13 =	simm.s32 $0x0;
	[sflag:s24] =	ssyncadd.s32 $0xFFFFE000  }
.LBB2_7:
0xea: {  	s14 =	sshll.u32 s13, $0x8  }
0xeb: {  	s15 =	sand.u32 $0x800, s12;
	s17 =	sshll.u32 s13, $0x6;
	s14 =	sand.u32 $0x1000, s14  }
0xec: {  	s17 =	sand.u32 $0x380, s17;
	s14 =	sor.u32 s15, s14  }
0xed: {  	s14 =	sor.u32 s17, s14  }
0xee: {  	v3 =	vld [tilespmem:s14+$0x4000]  }
0xef: {  	v4 =	vld [tilespmem:s14+$0x4010]  }
0xf0: {  	v5 =	vld [tilespmem:s14+$0x4020]  }
0xf1: {  	v6 =	vld [tilespmem:s14+$0x4030]  }
0xf2: {  	v7 =	vld [tilespmem:s14+$0x4040]  }
0xf3: {  	v8 =	vld [tilespmem:s14+$0x4050];
	v3 =	vsub.f32 $0.0e+00, v3  }
0xf4: {  	v9 =	vld [tilespmem:s14+$0x4060];
	v4 =	vsub.f32 $0.0e+00, v4  }
0xf5: {  	v10 =	vld [tilespmem:s14+$0x4070];
	v5 =	vsub.f32 $0.0e+00, v5;
	v3 =	vmul.f32 $1.442695020e+00, v3  }
0xf6: {  	v11 =	vld [tilespmem:s14+$0x4400];
	v6 =	vsub.f32 $0.0e+00, v6;
	v4 =	vmul.f32 $1.442695020e+00, v4  }
0xf7: {  	v12 =	vld [tilespmem:s14+$0x4410];
	v53 =	vsub.f32 $0.0e+00, v7;
	(erf) = vpow2.f32 v3;
	v3 =	vmul.f32 $1.442695020e+00, v5  }
0xf8: {  	v54 =	vld [tilespmem:s14+$0x4420];
	v56 =	vsub.f32 $0.0e+00, v8;
	v55 =	vmul.f32 $1.442695020e+00, v6;
	(erf) = vpow2.f32 v4  }
0xf9: {  	v57 =	vld [tilespmem:s14+$0x4430];
	v58 =	vsub.f32 $0.0e+00, v9;
	(erf) = vpow2.f32 v3;
	v3 =	vmul.f32 $1.442695020e+00, v53  }
0xfa: {  	v59 =	vld [tilespmem:s14+$0x4440];
	v61 =	vsub.f32 $0.0e+00, v10;
	v60 =	vmul.f32 $1.442695020e+00, v56;
	(erf) = vpow2.f32 v55  }
0xfb: {  	v62 =	vld [tilespmem:s14+$0x4450];
	v63 =	vsub.f32 $0.0e+00, v11;
	(erf) = vpow2.f32 v3;
	v3 =	vmul.f32 $1.442695020e+00, v58  }
0xfc: {  	v16 =	vld [tilespmem:s14+$0x4460];
	v18 =	vsub.f32 $0.0e+00, v12;
	v17 =	vmul.f32 $1.442695020e+00, v61;
	(erf) = vpow2.f32 v60  }
0xfd: {  	v19 =	vld [tilespmem:s14+$0x4470];
	v20 =	vsub.f32 $0.0e+00, v54;
	(erf) = vpow2.f32 v3;
	v3 =	vmul.f32 $1.442695020e+00, v63  }
0xfe: {  	v22 =	vsub.f32 $0.0e+00, v57;
	v21 =	vmul.f32 $1.442695020e+00, v18;
	(erf) = vpow2.f32 v17  }
0xff: {  	v23 =	vsub.f32 $0.0e+00, v59;
	(erf) = vpow2.f32 v3;
	v3 =	vmul.f32 $1.442695020e+00, v20  }
0x100: {  	v26 =	vsub.f32 $0.0e+00, v62;
	v25 =	vmul.f32 $1.442695020e+00, v22;
	v24 =	vpop (erf);
	(erf) = vpow2.f32 v21  }
0x101: {  	v28 =	vsub.f32 $0.0e+00, v16;
	v27 =	vpop (erf);
	(erf) = vpow2.f32 v3;
	v3 =	vmul.f32 $1.442695020e+00, v23  }
0x102: {  	v31 =	vsub.f32 $0.0e+00, v19;
	v30 =	vmul.f32 $1.442695020e+00, v26;
	v29 =	vpop (erf);
	(erf) = vpow2.f32 v25  }
0x103: {  	v32 =	vpop (erf);
	(erf) = vpow2.f32 v3;
	v3 =	vmul.f32 $1.442695020e+00, v28  }
0x104: {  	v34 =	vmul.f32 $1.442695020e+00, v31;
	v33 =	vpop (erf);
	(erf) = vpow2.f32 v30  }
0x105: {  	v35 =	vpop (erf);
	(erf) = vpow2.f32 v3;
	v3 =	vadd.f32 $1.000000000e+00, v24  }
0x106: {  	v37 =	vadd.f32 $1.000000000e+00, v27;
	v36 =	vpop (erf);
	(erf) = vpow2.f32 v34  }
0x107: {  	v38 =	vpop (erf);
	(erf) = vrcp.f32 v3;
	v3 =	vadd.f32 $1.000000000e+00, v29  }
0x108: {  	v40 =	vadd.f32 $1.000000000e+00, v32;
	v39 =	vpop (erf);
	(erf) = vrcp.f32 v37  }
0x109: {  	v41 =	vpop (erf);
	(erf) = vrcp.f32 v3;
	v3 =	vadd.f32 $1.000000000e+00, v33  }
0x10a: {  	v43 =	vadd.f32 $1.000000000e+00, v35;
	v42 =	vpop (erf);
	(erf) = vrcp.f32 v40  }
0x10b: {  	v44 =	vpop (erf);
	(erf) = vrcp.f32 v3;
	v3 =	vadd.f32 $1.000000000e+00, v36  }
0x10c: {  	v46 =	vadd.f32 $1.000000000e+00, v38;
	v45 =	vpop (erf);
	(erf) = vrcp.f32 v43  }
0x10d: {  	v47 =	vpop (erf);
	(erf) = vrcp.f32 v3;
	v3 =	vadd.f32 $1.000000000e+00, v39  }
0x10e: {  	v49 =	vadd.f32 $1.000000000e+00, v41;
	v52 =	vadd.f32 $1.000000000e+00, v44;
	v48 =	vpop (erf);
	(erf) = vrcp.f32 v46  }
0x10f: {  	v53 =	vadd.f32 $1.000000000e+00, v45;
	v50 =	vpop (erf);
	(erf) = vrcp.f32 v3;
	v3 =	vadd.f32 $1.000000000e+00, v42  }
0x110: {  	v55 =	vadd.f32 $1.000000000e+00, v48;
	v51 =	vpop (erf);
	(erf) = vrcp.f32 v49;
	v57 =	vadd.f32 $1.000000000e+00, v50  }
0x111: {  	v54 =	vpop (erf);
	(erf) = vrcp.f32 v3;
	v3 =	vadd.f32 $1.000000000e+00, v47;
	v58 =	vadd.f32 v51, v51  }
0x112: {  	v56 =	vpop (erf);
	(erf) = vrcp.f32 v52;
	v60 =	vadd.f32 v54, v54;
	v7 =	vmul.f32 $1.024000000e+03, v54  }
0x113: {  	v59 =	vpop (erf);
	(erf) = vrcp.f32 v53;
	v61 =	vadd.f32 v56, v56;
	v10 =	vadd.f32 $-1.000000000e+00, v58  }
0x114: {  	v9 =	vmul.f32 $1.024000000e+03, v56;
	v14 =	vpop (erf);
	(erf) = vrcp.f32 v3;
	v3 =	vadd.f32 v59, v59  }
0x115: {  	v6 =	vadd.f32 $-1.000000000e+00, v60;
	v45 =	vtrunc.f32 v7;
	v12 =	vmul.f32 $1.024000000e+03, v59  }
0x116: {  	v15 =	vpop (erf);
	(erf) = vrcp.f32 v55;
	v62 =	vadd.f32 $-1.000000000e+00, v61;
	v10 =	vand.u32 $0x7FFFFFFF, v10  }
0x117: {  	v46 =	vcvt.f32.s32 v45;
	v47 =	vtrunc.f32 v9;
	v63 =	vadd.f32 $-1.000000000e+00, v3  }
0x118: {  	v16 =	vpop (erf);
	(erf) = vrcp.f32 v57;
	v3 =	vadd.f32 v14, v14;
	v35 =	vadd.f32 v15, v15  }
0x119: {  	v6 =	vand.u32 $0x7FFFFFFF, v6;
	v12 =	vtrunc.f32 v12;
	v14 =	vmul.f32 $1.024000000e+03, v14  }
0x11a: {  	v15 =	vmul.f32 $1.024000000e+03, v15;
	v13 =	vadd.f32 v16, v16;
	v40 =	vand.u32 $0x7FFFFFFF, v62  }
0x11b: {  	v17 =	vpop (erf);
	v49 =	vcvt.f32.s32 v12;
	v16 =	vmul.f32 $1.024000000e+03, v16;
	v19 =	vadd.f32 $-1.000000000e+00, v3  }
0x11c: {  	vm13 =	vlt.s32 v46, $0x3FF;
	v3 =	vadd.f32 v17, v17;
	v21 =	vadd.f32 $-1.000000000e+00, v35  }
0x11d: {  	v41 =	vand.u32 $0x7FFFFFFF, v63;
	v11 =	vmin.f32 v40, $9.999998210e-01;
	v14 =	vtrunc.f32 v14  }
0x11e: {  	v15 =	vtrunc.f32 v15;
	v17 =	vmul.f32 $1.024000000e+03, v17;
	v22 =	vadd.f32 $-1.000000000e+00, v13  }
0x11f: {  	v13 =	vmin.f32 v10, $9.999998210e-01;
	v10 =	vmin.f32 v6, $9.999998210e-01;
	v8 =	vmin.f32 v41, $9.999998210e-01  }
0x120: {  	v18 =	vpop (erf);
	v53 =	vcvt.f32.s32 v15;
	v16 =	vtrunc.f32 v16;
	v11 =	vadd.f32 $2.048000000e+03, v11  }
0x121: {  	v20 =	vpop (erf);
	vm15 =	vlt.s32 v49, $0x3FF;
	v24 =	vadd.f32 $-1.000000000e+00, v3;
	v3 =	vadd.f32 v18, v18  }
0x122: {  	v36 =	vadd.f32 v20, v20;
	v19 =	vand.u32 $0x7FFFFFFF, v19;
	v17 =	vtrunc.f32 v17  }
0x123: {  	v42 =	vand.u32 $0x7FFFFFFF, v21;
	v18 =	vmul.f32 $1.024000000e+03, v18;
	v55 =	vcvt.f32.s32 v16  }
0x124: {  	v23 =	vpop (erf);
	v59 =	vmul.f32 $1.024000000e+03, v20;
	v13 =	vadd.f32 $2.048000000e+03, v13;
	v10 =	vadd.f32 $2.048000000e+03, v10  }
0x125: {  	v21 =	vnsel vm13, $0x3FF, v46;
	v8 =	vadd.f32 $2.048000000e+03, v8;
	v37 =	vadd.f32 v23, v23  }
0x126: {  	v5 =	vmin.f32 v19, $9.999998210e-01;
	v44 =	vand.u32 $0x7FFFFFFF, v22;
	v22 =	vcvt.f32.s32 v47  }
0x127: {  	v25 =	vpop (erf);
	v6 =	vmin.f32 v42, $9.999998210e-01;
	v56 =	vcvt.f32.s32 v17;
	v23 =	vmul.f32 $1.024000000e+03, v23  }
0x128: {  	vm5 =	vlt.s32 v53, $0x3FF;
	v27 =	vadd.f32 $-1.000000000e+00, v3;
	v3 =	vadd.f32 v25, v25  }
0x129: {  	v29 =	vadd.f32 $-1.000000000e+00, v36;
	v36 =	vmul.f32 $1.024000000e+03, v51;
	v7 =	vmin.f32 v44, $9.999998210e-01  }
0x12a: {  	v48 =	vand.u32 $0x7FFFFFFF, v24;
	v51 =	vcvt.f32.s32 v14;
	v58 =	vtrunc.f32 v18  }
0x12b: {  	v18 =	vtrunc.f32 v59;
	v25 =	vmul.f32 $1.024000000e+03, v25;
	v24 =	vnsel vm15, $0x3FF, v49  }
0x12c: {  	vm6 =	vlt.s32 v55, $0x3FF;
	v5 =	vadd.f32 $2.048000000e+03, v5;
	v6 =	vadd.f32 $2.048000000e+03, v6  }
0x12d: {  	v30 =	vadd.f32 $-1.000000000e+00, v37;
	v9 =	vmin.f32 v48, $9.999998210e-01;
	v60 =	vcvt.f32.s32 v58  }
0x12e: {  	v26 =	vpop (erf);
	v18 =	vcvt.f32.s32 v18;
	v23 =	vtrunc.f32 v23;
	vm14 =	vlt.s32 v22, $0x3FF  }
0x12f: {  	v41 =	vld [tilespmem:s14+$0x6060];
	v28 =	vpop (erf);
	vm7 =	vlt.s32 v56, $0x3FF;
	v45 =	vadd.f32 $2.048000000e+03, v7;
	v32 =	vadd.f32 $-1.000000000e+00, v3  }
0x130: {  	v3 =	vadd.f32 v26, v26;
	v38 =	vadd.f32 v28, v28;
	v43 =	vtrunc.f32 v36  }
0x131: {  	v50 =	vand.u32 $0x7FFFFFFF, v27;
	v52 =	vand.u32 $0x7FFFFFFF, v29;
	v23 =	vcvt.f32.s32 v23  }
0x132: {  	v25 =	vtrunc.f32 v25;
	v26 =	vmul.f32 $1.024000000e+03, v26;
	v22 =	vnsel vm14, $0x3FF, v22  }
0x133: {  	v40 =	vld [tilespmem:s14+$0x6050];
	v31 =	vpop (erf);
	v28 =	vmul.f32 $1.024000000e+03, v28;
	vm4 =	vlt.s32 v51, $0x3FF;
	v29 =	vnsel vm5, $0x3FF, v53  }
0x134: {  	v63 =	vnsel vm7, $0x3FF, v56;
	v53 =	vshll.u32 v41, $0xE;
	v39 =	vadd.f32 v31, v31  }
0x135: {  	v19 =	vcvt.f32.s32 v43;
	v12 =	vmin.f32 v50, $9.999998210e-01;
	v14 =	vmin.f32 v52, $9.999998210e-01  }
0x136: {  	v62 =	vld [tilespmem:s14+$0x6000];
	v54 =	vand.u32 $0x7FFFFFFF, v30;
	v25 =	vcvt.f32.s32 v25;
	v27 =	vnsel vm4, $0x3FF, v51  }
0x137: {  	v47 =	vld [tilespmem:s14+$0x6010];
	v31 =	vmul.f32 $1.024000000e+03, v31;
	v30 =	vnsel vm6, $0x3FF, v55;
	vm8 =	vlt.s32 v60, $0x3FF  }
0x138: {  	v42 =	vld [tilespmem:s14+$0x6070];
	v33 =	vpop (erf);
	vm9 =	vlt.s32 v18, $0x3FF;
	v52 =	vshll.u32 v40, $0xE;
	v34 =	vadd.f32 $-1.000000000e+00, v3  }
0x139: {  	v3 =	vadd.f32 v33, v33;
	v35 =	vadd.f32 $-1.000000000e+00, v38;
	v15 =	vmin.f32 v54, $9.999998210e-01  }
0x13a: {  	v57 =	vand.u32 $0x7FFFFFFF, v32;
	v26 =	vtrunc.f32 v26;
	v28 =	vtrunc.f32 v28  }
0x13b: {  	v20 =	vnsel vm8, $0x3FF, v60;
	v33 =	vmul.f32 $1.024000000e+03, v33;
	v18 =	vnsel vm9, $0x3FF, v18  }
0x13c: {  	v44 =	vld [tilespmem:s14+$0x6410];
	vm10 =	vlt.s32 v23, $0x3FF;
	v32 =	vshll.u32 v62, $0xE;
	v36 =	vshll.u32 v47, $0xE  }
0x13d: {  	v29 =	vor.u32 v29, v52;
	v54 =	vshll.u32 v42, $0xE;
	v30 =	vor.u32 v30, v53  }
0x13e: {  	v4 =	vadd.f32 $-1.000000000e+00, v39;
	v16 =	vmin.f32 v57, $9.999998210e-01;
	v26 =	vcvt.f32.s32 v26  }
0x13f: {  	v37 =	vld [tilespmem:s14+$0x6020];
	vm0 =	vlt.s32 v19, $0x3FF;
	v28 =	vcvt.f32.s32 v28;
	v31 =	vtrunc.f32 v31  }
0x140: {  	v23 =	vnsel vm10, $0x3FF, v23;
	vm11 =	vlt.s32 v25, $0x3FF;
	v21 =	vor.u32 v21, v36  }
0x141: {  	v56 =	vor.u32 v63, v54;
	v59 =	vshll.u32 v44, $0xE;
	v29 =	vor.u32 v2, v29  }
0x142: {  	v54 =	vadd.f32 $2.048000000e+03, v14;
	v3 =	vadd.f32 $-1.000000000e+00, v3;
	v61 =	vand.u32 $0x7FFFFFFF, v34  }
0x143: {  	v38 =	vld [tilespmem:s14+$0x6030];
	v19 =	vnsel vm0, $0x3FF, v19;
	v31 =	vcvt.f32.s32 v31;
	v33 =	vtrunc.f32 v33  }
0x144: {  	v39 =	vld [tilespmem:s14+$0x6040];
	v25 =	vnsel vm11, $0x3FF, v25;
	v35 =	vand.u32 $0x7FFFFFFF, v35;
	v48 =	vshll.u32 v37, $0xE  }
0x145: {  	v43 =	vld [tilespmem:s14+$0x6400];
	v21 =	vor.u32 v2, v21;
	v18 =	vor.u32 v18, v59;
	v42 =	vor.u32 v2, v56  }
0x146: {  	v51 =	vld [tilespmem:s14+$0x6420];
	v59 =	vadd.f32 $2.048000000e+03, v16;
	v17 =	vmin.f32 v61, $9.999998210e-01;
	v19 =	vor.u32 v19, v32  }
0x147: {  	v55 =	vld [tilespmem:s14+$0x6430];
	vm12 =	vlt.s32 v26, $0x3FF;
	v33 =	vcvt.f32.s32 v33;
	v19 =	vor.u32 v2, v19  }
0x148: {  	v60 =	vld [tilespmem:s14+$0x6450];
	vm13 =	vlt.s32 v28, $0x3FF;
	v22 =	vor.u32 v22, v48;
	v49 =	vshll.u32 v38, $0xE  }
0x149: {  	v62 =	vld [tilespmem:s14+$0x6470];
	v22 =	vor.u32 v2, v22;
	v50 =	vshll.u32 v39, $0xE;
	v24 =	vor.u32 v24, v49  }
0x14a: {  	v57 =	vld [tilespmem:s14+$0x6440];
	v35 =	vmin.f32 v35, $9.999998210e-01;
	v27 =	vor.u32 v27, v50;
	v24 =	vor.u32 v2, v24  }
0x14b: {  	v61 =	vld [tilespmem:s14+$0x6460];
	v46 =	vor.u32 v2, v18;
	v48 =	vadd.f32 $2.048000000e+03, v9;
	v27 =	vor.u32 v2, v27  }
0x14c: {  	v26 =	vnsel vm12, $0x3FF, v26;
	v28 =	vnsel vm13, $0x3FF, v28;
	vm14 =	vlt.s32 v31, $0x3FF;
	[tilespmem:v19+s22+$0x0] =	vst.idx.add.f32.msk $0xffff, v13  }
0x14d: {  	v58 =	vshll.u32 v43, $0xE;
	v37 =	vshll.u32 v51, $0xE;
	v38 =	vor.u32 v2, v30;
	[tilespmem:v21+s22+$0x0] =	vst.idx.add.f32.msk $0xffff, v10  }
0x14e: {  	v63 =	vshll.u32 v55, $0xE;
	v51 =	vadd.f32 $2.048000000e+03, v12;
	v20 =	vor.u32 v20, v58;
	[tilespmem:v22+s22+$0x0] =	vst.idx.add.f32.msk $0xffff, v11  }
0x14f: {  	v31 =	vnsel vm14, $0x3FF, v31;
	vm15 =	vlt.s32 v33, $0x3FF;
	v43 =	vor.u32 v2, v20;
	[tilespmem:v24+s22+$0x0] =	vst.idx.add.f32.msk $0xffff, v8  }
0x150: {  	v23 =	vor.u32 v23, v37;
	v37 =	vor.u32 v25, v63;
	v44 =	vshll.u32 v60, $0xE;
	[tilespmem:v27+s22+$0x0] =	vst.idx.add.f32.msk $0xffff, v5  }
0x151: {  	v56 =	vshll.u32 v62, $0xE;
	v41 =	vshll.u32 v57, $0xE;
	v49 =	vor.u32 v2, v23;
	[tilespmem:v29+s22+$0x0] =	vst.idx.add.f32.msk $0xffff, v6  }
0x152: {  	v33 =	vnsel vm15, $0x3FF, v33;
	v52 =	vor.u32 v2, v37;
	v21 =	vor.u32 v26, v41;
	[tilespmem:v38+s22+$0x0] =	vst.idx.add.f32.msk $0xffff, v45  }
0x153: {  	v47 =	vor.u32 v28, v44;
	v50 =	vshll.u32 v61, $0xE;
	v55 =	vor.u32 v2, v21;
	[tilespmem:v42+s22+$0x0] =	vst.idx.add.f32.msk $0xffff, v48  }
0x154: {  	v57 =	vadd.f32 $2.048000000e+03, v15;
	v58 =	vor.u32 v2, v47;
	v53 =	vor.u32 v31, v50;
	[tilespmem:v43+s22+$0x0] =	vst.idx.add.f32.msk $0xffff, v51  }
0x155: {  	v4 =	vand.u32 $0x7FFFFFFF, v4;
	v13 =	vor.u32 v33, v56;
	v60 =	vor.u32 v2, v53;
	[tilespmem:v46+s22+$0x0] =	vst.idx.add.f32.msk $0xffff, v54  }
0x156: {  	p2 =	sne.s32 s13, $0x1F;
	v4 =	vmin.f32 v4, $9.999998210e-01;
	v61 =	vadd.f32 $2.048000000e+03, v17;
	v62 =	vor.u32 v2, v13;
	[tilespmem:v49+s22+$0x0] =	vst.idx.add.f32.msk $0xffff, v57  }
.Ltmp4:
0x157: {  	v3 =	vand.u32 $0x7FFFFFFF, v3;
	v63 =	vadd.f32 $2.048000000e+03, v35;
	[tilespmem:v52+s22+$0x0] =	vst.idx.add.f32.msk $0xffff, v59;
	(pc) =	sbr.rel @p2 .LBB2_7-.Ltmp4, $4  }
0x158: {  	v3 =	vmin.f32 v3, $9.999998210e-01;
	v4 =	vadd.f32 $2.048000000e+03, v4;
	[tilespmem:v55+s22+$0x0] =	vst.idx.add.f32.msk $0xffff, v61  }
0x159: {  	v3 =	vadd.f32 $2.048000000e+03, v3;
	[tilespmem:v58+s22+$0x0] =	vst.idx.add.f32.msk $0xffff, v63  }
0x15a: {  	[tilespmem:v60+s22+$0x0] =	vst.idx.add.f32.msk $0xffff, v4  }
0x15b: {  	s12 =	sadd.s32 $0x800, s12;
	s13 =	sadd.s32 $0x1, s13;
	[tilespmem:v62+s22+$0x0] =	vst.idx.add.f32.msk $0xffff, v3  }
.Ltmp5:
0x15c: {  	(pc) =	sbr.rel @p1 .LBB2_9-.Ltmp5, $1  }
0x15d: {  	_ =	sdelay $0x3  }
0x15e: {  	s12 =	sadd.s32 s31, s10  }
.Ltmp6:
0x15f: {  	s12 =	sshrl.u32 s12, $0x3;
	(pc) =	sbr.rel .LBB2_4-.Ltmp6, $4  }
0x160: {  	s13 =	sadd.s32 s1, s12  }
0x161: {  	[tilespmem:s18], [sflag:$0x3] =	stream.linear.gather [hbm4b:s13+s4], $0x2000, $0x38;
	[tilespmem:$0x11880] =	vst v63  }
0x162: {  	s0 =	sadd.s32 $0x1, s0;
	s12 =	sadd.s32 s2, s12  }
0x163: {  	[tilespmem:s19], [sflag:$0x4] =	stream.linear.gather [hbm4b:s12+s4], $0x2000, $0x38;
	[tilespmem:$0x11880] =	vst v63  }
.LBB2_9:
0x164: {  	s12 =	simm.s32 $0x0  }
0x165: {  	s13 =	sand.u32 $0x4000, s12;
	s12 =	sand.u32 $0x3F0, s12  }
0x166: {  	s12 =	sor.u32 s12, s13  }
0x167: {  	v3 =	vld [tilespmem:s12+$0x8400]  }
0x168: {  	v4 =	vld [tilespmem:s12+$0x8000]  }
0x169: {  	v5 =	vld [tilespmem:s12+$0x8800]  }
0x16a: {  	v6 =	vld [tilespmem:s12+$0x8C00]  }
0x16b: {  	v7 =	vld [tilespmem:s12+$0x9000]  }
0x16c: {  	v8 =	vld [tilespmem:s12+$0x9400]  }
0x16d: {  	v9 =	vld [tilespmem:s12+$0x9800]  }
0x16e: {  	v10 =	vld [tilespmem:s12+$0x9C00]  }
0x16f: {  	v11 =	vld [tilespmem:s12+$0xA000]  }
0x170: {  	v12 =	vld [tilespmem:s12+$0xA400]  }
0x171: {  	v13 =	vld [tilespmem:s12+$0xA800]  }
0x172: {  	v14 =	vld [tilespmem:s12+$0xAC00]  }
0x173: {  	v15 =	vld [tilespmem:s12+$0xB000]  }
0x174: {  	v16 =	vld [tilespmem:s12+$0xB400]  }
0x175: {  	v17 =	vld [tilespmem:s12+$0xB800]  }
0x176: {  	v18 =	vld [tilespmem:s12+$0xBC00];
	_ =	sdelay $0x1  }
0x177: {  	v3 =	vadd.f32 v3, v4;
	v4 =	vadd.f32 v6, v5  }
0x178: {  	v5 =	vadd.f32 v8, v7;
	v6 =	vadd.f32 v10, v9  }
0x179: {  	v7 =	vadd.f32 v12, v11;
	v8 =	vadd.f32 v14, v13  }
0x17a: {  	v9 =	vadd.f32 v16, v15;
	v10 =	vadd.f32 v18, v17  }
0x17b: {  	v3 =	vadd.f32 v4, v3;
	v4 =	vadd.f32 v6, v5  }
0x17c: {  	v5 =	vadd.f32 v8, v7;
	v6 =	vadd.f32 v10, v9;
	_ =	sdelay $0x1  }
0x17d: {  	v3 =	vadd.f32 v4, v3;
	v4 =	vadd.f32 v6, v5;
	_ =	sdelay $0x1  }
0x17e: {  	s31 =	simm.s32 $0x10;
	s12 =	simm.s32 $0x100;
	v3 =	vadd.f32 v4, v3  }
0x17f: {  	s0 =	simm.s32 $0x10000;
	s13 =	sand.u32 $0x3F0, s31;
	s14 =	sand.u32 $0x4000, s12  }
0x180: {  	s14 =	sor.u32 s13, s14;
	[tilespmem:s0+$0x0] =	vst v3  }
0x181: {  	v3 =	vld [tilespmem:s14+$0x8400]  }
0x182: {  	v4 =	vld [tilespmem:s14+$0x8000]  }
0x183: {  	v5 =	vld [tilespmem:s14+$0x8800]  }
0x184: {  	v6 =	vld [tilespmem:s14+$0x8C00]  }
0x185: {  	v7 =	vld [tilespmem:s14+$0x9000]  }
0x186: {  	v8 =	vld [tilespmem:s14+$0x9400]  }
0x187: {  	v9 =	vld [tilespmem:s14+$0x9800]  }
0x188: {  	v10 =	vld [tilespmem:s14+$0x9C00]  }
0x189: {  	v11 =	vld [tilespmem:s14+$0xA000]  }
0x18a: {  	v12 =	vld [tilespmem:s14+$0xA400]  }
0x18b: {  	v13 =	vld [tilespmem:s14+$0xA800]  }
0x18c: {  	v14 =	vld [tilespmem:s14+$0xAC00]  }
0x18d: {  	v15 =	vld [tilespmem:s14+$0xB000]  }
0x18e: {  	s13 =	simm.s32 $0x20;
	v16 =	vld [tilespmem:s14+$0xB400]  }
.LBB2_10:
0x18f: {  	p1 =	sne.s32 s13, $0x7F0;
	v17 =	vld [tilespmem:s14+$0xB800]  }
0x190: {  	v18 =	vld [tilespmem:s14+$0xBC00];
	_ =	sdelay $0x1  }
0x191: {  	v3 =	vadd.f32 v3, v4;
	v4 =	vadd.f32 v6, v5  }
0x192: {  	v5 =	vadd.f32 v8, v7;
	v6 =	vadd.f32 v10, v9  }
0x193: {  	v7 =	vadd.f32 v12, v11;
	v8 =	vadd.f32 v14, v13  }
0x194: {  	v9 =	vadd.f32 v16, v15;
	v10 =	vadd.f32 v18, v17  }
0x195: {  	v3 =	vadd.f32 v4, v3;
	v4 =	vadd.f32 v6, v5  }
0x196: {  	v5 =	vadd.f32 v8, v7;
	v6 =	vadd.f32 v10, v9;
	_ =	sdelay $0x1  }
0x197: {  	v3 =	vadd.f32 v4, v3;
	v4 =	vadd.f32 v6, v5;
	_ =	sdelay $0x1  }
0x198: {  	s12 =	sadd.s32 $0x100, s12;
	v3 =	vadd.f32 v4, v3  }
0x199: {  	s15 =	sand.u32 $0x3F0, s13;
	s0 =	sadd.s32 $0x10, s0;
	s14 =	sand.u32 $0x4000, s12  }
0x19a: {  	s14 =	sor.u32 s15, s14;
	[tilespmem:s0+$0x0] =	vst v3  }
0x19b: {  	v3 =	vld [tilespmem:s14+$0x8400]  }
0x19c: {  	v4 =	vld [tilespmem:s14+$0x8000]  }
0x19d: {  	v5 =	vld [tilespmem:s14+$0x8800]  }
0x19e: {  	v6 =	vld [tilespmem:s14+$0x8C00]  }
0x19f: {  	v7 =	vld [tilespmem:s14+$0x9000]  }
0x1a0: {  	v8 =	vld [tilespmem:s14+$0x9400]  }
0x1a1: {  	v9 =	vld [tilespmem:s14+$0x9800]  }
0x1a2: {  	v10 =	vld [tilespmem:s14+$0x9C00]  }
0x1a3: {  	v11 =	vld [tilespmem:s14+$0xA000]  }
.Ltmp7:
0x1a4: {  	v12 =	vld [tilespmem:s14+$0xA400];
	(pc) =	sbr.rel @p1 .LBB2_10-.Ltmp7, $4  }
0x1a5: {  	v13 =	vld [tilespmem:s14+$0xA800]  }
0x1a6: {  	v14 =	vld [tilespmem:s14+$0xAC00]  }
0x1a7: {  	v15 =	vld [tilespmem:s14+$0xB000]  }
0x1a8: {  	s13 =	sadd.s32 $0x10, s13;
	v16 =	vld [tilespmem:s14+$0xB400]  }
0x1a9: {  	v17 =	vld [tilespmem:s14+$0xB800]  }
0x1aa: {  	v18 =	vld [tilespmem:s14+$0xBC00];
	_ =	sdelay $0x1  }
0x1ab: {  	v3 =	vadd.f32 v3, v4;
	v53 =	vadd.f32 v6, v5  }
0x1ac: {  	v54 =	vadd.f32 v8, v7;
	v55 =	vadd.f32 v10, v9  }
0x1ad: {  	v56 =	vadd.f32 v12, v11;
	v57 =	vadd.f32 v14, v13  }
0x1ae: {  	v58 =	vadd.f32 v16, v15;
	v59 =	vadd.f32 v18, v17  }
0x1af: {  	v3 =	vadd.f32 v53, v3;
	v60 =	vadd.f32 v55, v54  }
0x1b0: {  	v61 =	vadd.f32 v57, v56;
	v62 =	vadd.f32 v59, v58;
	_ =	sdelay $0x1  }
0x1b1: {  	v3 =	vadd.f32 v60, v3;
	v63 =	vadd.f32 v62, v61;
	_ =	sdelay $0x1  }
0x1b2: {  	v3 =	vadd.f32 v63, v3  }
0x1b3: {  	s0 =	sadd.s32 $0x10, s0  }
0x1b4: {  	[tilespmem:s0+$0x0] =	vst v3  }
0x1b5: {  	[spmem:s11] =	stream.strided.scatter [tilespmem:s28], [sflag:$0x5], $0x800, s26, s25, $0x38;
	[tilespmem:$0x11880] =	vst v63  }
.Ltmp8:
0x1b6: {  	_ =	swait.ge [sflag:s29], $0x800;
	(pc) =	sbr.rel @p0 .LBB2_21-.Ltmp8, $3  }
0x1b7: {  	[sflag:s29] =	ssyncset.done $0x0  }
0x1b8: {  	[sflag:s29] =	ssyncadd.s32 $0xFFFFF800  }
0x1b9: {  	[bflag:$0x0] =	sbarrier.arrive $0xFFFF;
	_ =	sdelay $0x1  }
0x1ba: {  	s0 =	rddreg [dreg:$0x5]  }
0x1bb: {  	[tilespmem:s30], [sflag:$0x5] =	stream.strided.gather [spmem:s0], $0x800, s26, s25, $0x38;
	[tilespmem:$0x11880] =	vst v63  }
0x1bc: {  	_ =	swait.ge [sflag:s29], $0x800  }
0x1bd: {  	[sflag:s29] =	ssyncset.done $0x0  }
0x1be: {  	s0 =	simm.s32 $0x0;
	[sflag:s29] =	ssyncadd.s32 $0xFFFFF800  }
0x1bf: {  	s12 =	simm.s32 $0x40;
	v3 =	vld [tilespmem:s0+$0x10800]  }
.LBB2_13:
0x1c0: {  	p1 =	sne.s32 s12, $0x1FC0;
	v4 =	vld [tilespmem:s0+$0x10000];
	_ =	sdelay $0x2  }
.Ltmp9:
0x1c1: {  	(pc) =	sbr.rel @p1 .LBB2_13-.Ltmp9, $4  }
0x1c2: {  	_ = 	snop  }
0x1c3: {  	v4 =	vadd.f32 v3, v4  }
0x1c4: {  	s13 =	sshra.s32 s12, $0x2  }
0x1c5: {  	s12 =	sadd.s32 $0x40, s12;
	v3 =	vld [tilespmem:s13+$0x10800];
	[tilespmem:s0+$0x10000] =	vst v4;
	s0 =	smov.u32 s13  }
0x1c6: {  	v4 =	vld [tilespmem:s0+$0x10000];
	_ =	sdelay $0x4  }
0x1c7: {  	v3 =	vadd.f32 v3, v4;
	_ =	sdelay $0x1  }
0x1c8: {  	s31 =	rddreg [dreg:$0x6];
	[tilespmem:s0+$0x10000] =	vst v3  }
0x1c9: {  	[tilespmem:s30], [sflag:$0x5] =	stream.strided.gather [spmem:s31], $0x800, s26, s25, $0x38;
	[tilespmem:$0x11880] =	vst v63  }
0x1ca: {  	_ =	swait.ge [sflag:s29], $0x800  }
0x1cb: {  	[sflag:s29] =	ssyncset.done $0x0  }
0x1cc: {  	s0 =	simm.s32 $0x0;
	[sflag:s29] =	ssyncadd.s32 $0xFFFFF800  }
0x1cd: {  	s12 =	simm.s32 $0x40;
	v3 =	vld [tilespmem:s0+$0x10800]  }
.LBB2_15:
0x1ce: {  	p1 =	sne.s32 s12, $0x1FC0;
	v4 =	vld [tilespmem:s0+$0x10000];
	_ =	sdelay $0x2  }
.Ltmp10:
0x1cf: {  	(pc) =	sbr.rel @p1 .LBB2_15-.Ltmp10, $4  }
0x1d0: {  	_ = 	snop  }
0x1d1: {  	v4 =	vadd.f32 v3, v4  }
0x1d2: {  	s13 =	sshra.s32 s12, $0x2  }
0x1d3: {  	s12 =	sadd.s32 $0x40, s12;
	v3 =	vld [tilespmem:s13+$0x10800];
	[tilespmem:s0+$0x10000] =	vst v4;
	s0 =	smov.u32 s13  }
0x1d4: {  	v4 =	vld [tilespmem:s0+$0x10000];
	_ =	sdelay $0x4  }
0x1d5: {  	v3 =	vadd.f32 v3, v4;
	_ =	sdelay $0x1  }
0x1d6: {  	s31 =	rddreg [dreg:$0x7];
	[tilespmem:s0+$0x10000] =	vst v3  }
0x1d7: {  	[tilespmem:s30], [sflag:$0x5] =	stream.strided.gather [spmem:s31], $0x800, s26, s25, $0x38;
	[tilespmem:$0x11880] =	vst v63  }
0x1d8: {  	_ =	swait.ge [sflag:s29], $0x800  }
0x1d9: {  	[sflag:s29] =	ssyncset.done $0x0  }
0x1da: {  	s12 =	simm.s32 $0x0;
	[sflag:s29] =	ssyncadd.s32 $0xFFFFF800  }
0x1db: {  	s13 =	simm.s32 $0x40;
	s0 =	simm.s32 $0x0;
	v3 =	vld [tilespmem:s12+$0x10800]  }
.LBB2_17:
0x1dc: {  	p1 =	sne.s32 s13, $0x1FC0;
	v4 =	vld [tilespmem:s12+$0x10000];
	_ =	sdelay $0x2  }
.Ltmp11:
0x1dd: {  	(pc) =	sbr.rel @p1 .LBB2_17-.Ltmp11, $4  }
0x1de: {  	_ = 	snop  }
0x1df: {  	v4 =	vadd.f32 v3, v4  }
0x1e0: {  	s14 =	sshra.s32 s13, $0x2  }
0x1e1: {  	s13 =	sadd.s32 $0x40, s13;
	v3 =	vld [tilespmem:s14+$0x10800];
	[tilespmem:s12+$0x10000] =	vst v4;
	s12 =	smov.u32 s14  }
0x1e2: {  	v4 =	vld [tilespmem:s12+$0x10000];
	_ =	sdelay $0x4  }
0x1e3: {  	v3 =	vadd.f32 v3, v4;
	_ =	sdelay $0x1  }
0x1e4: {  	s15 =	simm.s32 $0x103F0;
	[tilespmem:s12+$0x10000] =	vst v3  }
0x1e5: {  	v3 =	vld [tilespmem:s15+$0x0]  }
0x1e6: {  	s0 =	sand.u32 $0x3F0, s0  }
0x1e7: {  	v5 =	vmul.u32 $0xFFFFFFFF, v0;
	v4 =	vld [tilespmem:s0+$0x10400];
	_ =	sdelay $0x1  }
0x1e8: {  	v6 =	vadd.s32 $0xF, v5  }
0x1e9: {  	v3 =	vperm.xlane v3, v6;
	_ =	sdelay $0x1  }
0x1ea: {  	v5 =	vmul.f32 $4.882812500e-04, v4;
	v7 =	vmul.f32 $4.882812500e-04, v3;
	_ =	sdelay $0x1  }
0x1eb: {  	v5 =	vtrunc.f32 v5;
	v7 =	vtrunc.f32 v7  }
0x1ec: {  	v5 =	vcvt.f32.s32 v5;
	v7 =	vcvt.f32.s32 v7  }
0x1ed: {  	s17 =	simm.s32 $0x103E0;
	s12 =	simm.s32 $0x10  }
0x1ee: {  	v8 =	vld [tilespmem:s17+$0x0];
	s0 =	sand.u32 $0x3F0, s12;
	v12 =	vcvt.s32.f32 v5;
	v7 =	vcvt.s32.f32 v7  }
0x1ef: {  	v5 =	vld [tilespmem:s0+$0x10400]  }
0x1f0: {  	v10 =	vmul.f32 $2.048000000e+03, v12;
	v9 =	vmul.f32 $2.048000000e+03, v7  }
0x1f1: {  	v11 =	vadd.f32 v12, v7  }
0x1f2: {  	v14 =	vsub.f32 v4, v10;
	v3 =	vsub.f32 v3, v9  }
0x1f3: {  	v8 =	vperm.xlane v8, v6  }
0x1f4: {  	v4 =	vmul.f32 $4.882812500e-04, v5;
	(xrf2) =	vadd.scan.msk.f32 $0xffff, v11;
	v9 =	vadd.f32 v14, v3  }
0x1f5: {  	v3 =	vmul.f32 $4.882812500e-04, v8  }
0x1f6: {  	v4 =	vtrunc.f32 v4;
	(xrf2) =	vadd.scan.msk.f32 $0xffff, v9  }
0x1f7: {  	v4 =	vcvt.f32.s32 v4;
	v3 =	vtrunc.f32 v3  }
0x1f8: {  	v3 =	vcvt.f32.s32 v3  }
0x1f9: {  	s13 =	simm.s32 $0x103D0;
	v4 =	vcvt.s32.f32 v4  }
0x1fa: {  	s14 =	simm.s32 $0x20;
	v10 =	vld [tilespmem:s13+$0x0];
	v3 =	vcvt.s32.f32 v3  }
0x1fb: {  	s15 =	sand.u32 $0x3F0, s14;
	v16 =	vmul.f32 $2.048000000e+03, v4  }
0x1fc: {  	v15 =	vld [tilespmem:s15+$0x10400];
	v13 =	vmul.f32 $2.048000000e+03, v3  }
0x1fd: {  	v5 =	vsub.f32 v5, v16  }
0x1fe: {  	v7 =	vadd.f32 v4, v3;
	v3, _, _ =	vpop (xrf2);
	v8 =	vsub.f32 v8, v13  }
0x1ff: {  	v16 =	vperm.xlane v10, v6;
	(v2sf) =	vpush v3, $0xF  }
0x200: {  	(xrf2) =	vadd.scan.msk.f32 $0xffff, v7;
	v10 =	vadd.f32 v5, v8;
	v17, _, _ =	vpop (xrf2)  }
0x201: {  	v13 =	vmul.f32 $4.882812500e-04, v16;
	v8 =	vmul.f32 $4.882812500e-04, v15;
	(v2sf) =	vpush v17, $0xF  }
0x202: {  	(xrf2) =	vadd.scan.msk.f32 $0xffff, v10  }
0x203: {  	v13 =	vtrunc.f32 v13;
	v8 =	vtrunc.f32 v8  }
0x204: {  	v13 =	vcvt.f32.s32 v13;
	v18 =	vcvt.f32.s32 v8  }
0x205: {  	s17 =	simm.s32 $0x30;
	s14 =	simm.f32 $0.0e+00;
	s13 =	simm.s32 $0x103C0;
	v20 =	vadd.f32 $1.000000000e+00, v11;
	v21 =	vadd.f32 $1.000000000e+00, v7  }
0x206: {  	s0 =	sand.u32 $0x3F0, s17;
	v22 =	vld [tilespmem:s13+$0x0];
	v23 =	vadd.f32 s14, v3;
	v24 =	vcvt.s32.f32 v13;
	v3 =	vcvt.s32.f32 v18  }
0x207: {  	v19 =	vld [tilespmem:s0+$0x10400];
	v25 =	vmul.f32 $5.000000000e-01, v20;
	v17 =	vadd.f32 s14, v17;
	v13 =	vmul.f32 $5.000000000e-01, v21  }
0x208: {  	v21 =	vsub.f32 v23, v11;
	v18 =	vmul.f32 $2.048000000e+03, v24;
	v20 =	vmul.f32 $2.048000000e+03, v3  }
0x209: {  	v17 =	vsub.f32 v17, v9;
	v11 =	vadd.f32 v3, v24  }
0x20a: {  	v23 =	vmul.f32 $5.000000000e-01, v9;
	v16 =	vsub.f32 v16, v18;
	v63, _, _ =	vpop (xrf2);
	v9 =	vsub.f32 v15, v20  }
0x20b: {  	v20 =	vperm.xlane v22, v6;
	(v2sf) =	vpush v63, $0xF;
	(xrf2) =	vadd.scan.msk.f32 $0xffff, v11  }
0x20c: {  	v17 =	vadd.f32 v17, v23;
	v22 =	vmul.f32 $4.882812500e-04, v19;
	v15 =	vadd.f32 v9, v16;
	v18, _, _ =	vpop (xrf2)  }
0x20d: {  	v8 =	vimm.f32 $0.0e+00;
	v23 =	vmul.f32 $4.882812500e-04, v20;
	(v2sf) =	vpush v18, $0xF  }
0x20e: {  	v25 =	vadd.f32 v21, v25;
	v17 =	vmul.f32 v12, v17;
	v22 =	vtrunc.f32 v22;
	(xrf2) =	vadd.scan.msk.f32 $0xffff, v15;
	s15 =	spop (v2sf)  }
0x20f: {  	v16 =	vadd.f32 $1.000000000e+00, v11;
	v27 =	vcvt.f32.s32 v22;
	v21 =	vtrunc.f32 v23;
	s0 =	sadd.f32 s15, s14  }
0x210: {  	v17 =	vadd.f32 v17, v8;
	v23 =	vmul.f32 $5.000000000e-01, v14;
	v26 =	vcvt.f32.s32 v21;
	s17 =	spop (v2sf)  }
0x211: {  	s13 =	simm.s32 $0x103B0;
	v14 =	vmul.f32 $5.000000000e-01, v16;
	v16 =	vmul.f32 v12, v25;
	s15 =	simm.s32 $0x40;
	v21 =	vadd.f32 s0, v63;
	s12 =	sadd.f32 s17, s14  }
0x212: {  	v22 =	vld [tilespmem:s13+$0x0];
	v12 =	vcvt.s32.f32 v27;
	v17 =	vadd.f32 v17, v23;
	s31 =	sand.u32 $0x3F0, s15;
	v23 =	vcvt.s32.f32 v26;
	s14 =	simm.s32 $0x50  }
.LBB2_19:
0x213: {  	p1 =	sne.s32 s14, $0x3F0;
	v24 =	vld [tilespmem:s31+$0x10400];
	v21 =	vsub.f32 v21, v7;
	v18 =	vadd.f32 s12, v18;
	v7 =	vmov v11  }
0x214: {  	v25 =	vmul.f32 $2.048000000e+03, v23;
	v26 =	vmul.f32 $2.048000000e+03, v12  }
0x215: {  	v11 =	vadd.f32 v12, v23;
	v27 =	vmul.f32 $5.000000000e-01, v10;
	v23, _, _ =	vpop (xrf2);
	v28 =	vsub.f32 v18, v10  }
0x216: {  	v25 =	vsub.f32 v20, v25;
	v26 =	vsub.f32 v19, v26;
	v10 =	vmov v15  }
0x217: {  	v20 =	vperm.xlane v22, v6;
	(xrf2) =	vadd.scan.msk.f32 $0xffff, v11;
	(v2sf) =	vpush v23, $0xF;
	v29 =	vadd.f32 v28, v27  }
0x218: {  	v15 =	vadd.f32 v26, v25;
	v25 =	vadd.f32 $1.000000000e+00, v11;
	v22 =	vmul.f32 $4.882812500e-04, v24;
	v18, _, _ =	vpop (xrf2)  }
0x219: {  	v27 =	vmul.f32 $4.882812500e-04, v20;
	v19 =	vmovc v24;
	(v2sf) =	vpush v18, $0xF;
	v28 =	vmul.f32 v4, v29  }
.Ltmp12:
0x21a: {  	v24 =	vadd.f32 v21, v13;
	v13 =	vmovc v14;
	v14 =	vmul.f32 $5.000000000e-01, v25;
	v22 =	vtrunc.f32 v22;
	(xrf2) =	vadd.scan.msk.f32 $0xffff, v15;
	s15 =	spop (v2sf);
	(pc) =	sbr.rel @p1 .LBB2_19-.Ltmp12, $4  }
0x21b: {  	v21 =	vtrunc.f32 v27;
	v25 =	vmul.f32 $5.000000000e-01, v5;
	v5 =	vmovc v9;
	v9 =	vmovc v26;
	v17 =	vadd.f32 v28, v17;
	s0 =	sadd.f32 s15, s0  }
0x21c: {  	v8 =	vadd.f32 v16, v8;
	v26 =	vcvt.f32.s32 v21;
	v27 =	vcvt.f32.s32 v22;
	s15 =	spop (v2sf)  }
0x21d: {  	s13 =	sadd.s32 $0xFFFFFFF0, s13;
	v16 =	vmul.f32 v4, v24;
	v4 =	vmovc v3;
	v3 =	vmovc v12;
	v21 =	vadd.f32 s0, v23;
	v17 =	vadd.f32 v17, v25;
	s12 =	sadd.f32 s15, s12  }
0x21e: {  	s31 =	sand.u32 $0x3F0, s14;
	s14 =	sadd.s32 $0x10, s14;
	v23 =	vcvt.s32.f32 v26;
	v12 =	vcvt.s32.f32 v27;
	v22 =	vld [tilespmem:s13+$0x0]  }
.Ltmp13:
0x21f: {  	_ = 	snop;
	(pc) =	sbr.rel .LBB2_20-.Ltmp13, $1  }
0x220: {  	_ =	sdelay $0x3  }
.LBB2_22:
0x221: {  	_ =	sfence.sel $0x180000  }
0x222: {  	[bflag:$0x0] =	sbarrier.arrive $0xFFFF  }
0x223: {  	_ =	strace $0x90000047  }
0x224: {  	s0 =	stileid.u32;
	[bflag:$0x2] =	sbarrier.arrive $0xFFFF  }
0x225: {  	p0 =	sne.s32 s0, $0x0;
	s0 =	rddreg [dreg:$0x4]  }
0x226: {  	s0 =	sadd.s32 @!p0 $0x100000, s0  }
0x227: {  	[sflag:s0] =	ssyncadd.tile.s32 @!p0 $0x1;
	_ =	shalt  }
.Lfunc_end2:
_tile_overlayer_lowered:
.L_overlay_start_2:
0x228: {  	(tag) =	ssettag $0x2  }
0x229: {  	s0 =	rddreg [dreg:$0x0];
	s2 =	stileid.u32  }
0x22a: {  	s1 =	rddreg [dreg:$0x1];
	p0 =	sne.s32 s2, $0x0  }
0x22b: {  	s3 =	rddreg [dreg:$0x2];
	[bflag:$0x3] =	sbarrier.arrive $0xFFFF;
	s2 =	simm.s32 @!p0 $0x1C05  }
0x22c: {  	[timem:s3], [sflag:s2] =	dma.local @!p0 [hbm:s0], s1  }
0x22d: {  	s0 =	simm.s32 @!p0 $0x5  }
0x22e: {  	_ =	swait.ge @!p0 [sflag:s0], s1  }
0x22f: {  	s1 =	ssub.s32 @!p0 $0x0, s1;
	[sflag:s0] =	ssyncset.done @!p0 $0x0  }
0x230: {  	[sflag:s0] =	ssyncadd.s32 @!p0 s1  }
0x231: {  	[bflag:$0x3] =	sbarrier.arrive $0xFFFF  }
0x232: {  	_ =	shalt  }

</sc_bundles>
